<compile_context>
chip_gen: v7x
topology: tpu7x:2x2x1
jax: 0.10.2.dev20260603
libtpu: 0.0.44.dev20260713+nightly
codegen_flags: <defaults>
</compile_context>

<pallas_src>
import functools

import jax
import jax.numpy as jnp
from jax import lax
from jax.experimental import pallas as pl
from jax.experimental.pallas import tpu as pltpu
from jax.experimental.pallas import tpu_sc as plsc

NUM_EMB = 100000
D = 128
B, HL = 4096, 50
NC, NS = 2, 16
NW = NC * NS
PER_W = B // NW
G = 8
N_IT = PER_W // G

_mesh = plsc.VectorSubcoreMesh(core_axis_name="c", subcore_axis_name="s")


@functools.partial(
    pl.kernel,
    mesh=_mesh,
    out_type=jax.ShapeDtypeStruct((B, HL, D), jnp.float32),
    scratch_types=[
        pltpu.VMEM((2, G, HL), jnp.int32),
        pltpu.VMEM((2, G * HL, D), jnp.float32),
        pltpu.SemaphoreType.DMA,
        pltpu.SemaphoreType.DMA,
        pltpu.SemaphoreType.DMA,
    ],
)
def _sc_gather(table_hbm, x_hbm, out_hbm, idx_v, rows_v, sem_i, sem_g, sem_o):
    wid = lax.axis_index("s") * NC + lax.axis_index("c")
    base = wid * PER_W

    pltpu.async_copy(x_hbm.at[pl.ds(base, G)], idx_v.at[0], sem_i)

    def pair_body(p, carry):
        for b in range(2):
            i = p * 2 + b
            r0 = base + i * G

            @pl.when(i >= 2)
            def _():
                for j in range(G):
                    pltpu.make_async_copy(
                        rows_v.at[b, pl.ds(j * HL, HL)],
                        out_hbm.at[r0 - 2 * G + j], sem_o,
                    ).wait()

            pltpu.make_async_copy(
                x_hbm.at[pl.ds(r0, G)], idx_v.at[b], sem_i).wait()

            @pl.when(i + 1 < N_IT)
            def _():
                pltpu.async_copy(
                    x_hbm.at[pl.ds(r0 + G, G)], idx_v.at[1 - b], sem_i)

            copies = [
                pltpu.async_copy(
                    table_hbm.at[idx_v.at[b, j]],
                    rows_v.at[b, pl.ds(j * HL, HL)], sem_g)
                for j in range(G)
            ]
            for cp in copies:
                cp.wait()

            for j in range(G):
                pltpu.async_copy(
                    rows_v.at[b, pl.ds(j * HL, HL)], out_hbm.at[r0 + j],
                    sem_o)
        return carry

    lax.fori_loop(0, N_IT // 2, pair_body, 0)

    for j in range(G):
        pltpu.make_async_copy(
            rows_v.at[0, pl.ds(j * HL, HL)],
            out_hbm.at[base + (N_IT - 2) * G + j], sem_o).wait()
    for j in range(G):
        pltpu.make_async_copy(
            rows_v.at[1, pl.ds(j * HL, HL)],
            out_hbm.at[base + (N_IT - 1) * G + j], sem_o).wait()


TROWS_B = 20000


def _dequant_body(cinv_ref, in_ref, out_ref):
    out_ref[...] = in_ref[...].astype(jnp.float32) * cinv_ref[0]


_dequant_table = pl.pallas_call(
    _dequant_body,
    grid=(NUM_EMB // TROWS_B,),
    in_specs=[
        pl.BlockSpec(memory_space=pltpu.SMEM),
        pl.BlockSpec((TROWS_B, D), lambda i: (i, 0)),
    ],
    out_specs=pl.BlockSpec((TROWS_B, D), lambda i: (i, 0)),
    out_shape=jax.ShapeDtypeStruct((NUM_EMB, D), jnp.float32),
)


def kernel(x, weight_quant, c):
    cinv = (jnp.float32(1.0) / c.astype(jnp.float32)).reshape(1)
    table_f32 = _dequant_table(cinv, weight_quant)
    return _sc_gather(table_f32, x.astype(jnp.int32))

# --- scband reference (transcript-rebuilt; emitter-appended) ---
"""Pipeline reference for scband-cpu8bit-absmax-embedding-78855599555223 (READ-ONLY COPY).

The authoritative reference and input builder live on the scoring server;
editing this copy changes nothing except your own understanding.
"""

import jax, jax.numpy as jnp
import numpy as np

NUM_EMBEDDINGS = 100000
EMBEDDING_DIM = 128
BATCH = 4096
HIST_LEN = 50


def setup_inputs(seed: int = 0) -> dict:
    key = jax.random.key(seed)
    k_idx, k_w = jax.random.split(key)
    # forward arg: indices
    x = jax.random.randint(k_idx, (BATCH, HIST_LEN), 0, NUM_EMBEDDINGS, dtype=jnp.int64) if jax.config.jax_enable_x64 else jax.random.randint(k_idx, (BATCH, HIST_LEN), 0, NUM_EMBEDDINGS, dtype=jnp.int32)
    # materialize quantized parameters exactly as the torch __init__ does:
    # X = source_layer.weight (float32); absmax = |X|.max()+1e-8; c = 127/absmax; wq = round(c*X).int8
    X = jax.random.normal(k_w, (NUM_EMBEDDINGS, EMBEDDING_DIM), dtype=jnp.float32)
    absmax = jnp.abs(X).max() + 1e-08
    c = (127.0 / absmax).astype(jnp.float32)
    weight_quant = jnp.round(c * X).astype(jnp.int8)
    return {"x": x, "weight_quant": weight_quant, "c": c}


def reference(x, weight_quant, c):
    # F.embedding(x, weight_quant).to(float32) / c
    emb = jnp.take(weight_quant, x, axis=0)  # gather rows -> int8 [B, L, D]
    return emb.astype(jnp.float32) / c

if __name__ == "__main__":
    import jax
    _d = setup_inputs()
    print(jax.jit(kernel)(*tuple(_d.values())))

</pallas_src>

<mosaic_0001>
#map = affine_map<(d0, d1) -> (0, 0)>
#map1 = affine_map<(d0, d1) -> (0, 0, 0)>
module attributes {stable_mosaic.version = 14 : i64} {
  func.func @_sc_gather(%arg0: i32, %arg1: i32, %arg2: memref<100000x128xf32, #tpu.memory_space<hbm>>, %arg3: memref<4096x50xi32, #tpu.memory_space<hbm>>, %arg4: memref<4096x50x128xf32, #tpu.memory_space<hbm>>, %arg5: memref<2x8x50xi32, #tpu.memory_space<vmem>>, %arg6: memref<2x400x128xf32, #tpu.memory_space<vmem>>, %arg7: memref<!tpu.dma_semaphore, #tpu.memory_space<semaphore_mem>>, %arg8: memref<!tpu.dma_semaphore, #tpu.memory_space<semaphore_mem>>, %arg9: memref<!tpu.dma_semaphore, #tpu.memory_space<semaphore_mem>>) attributes {dimension_semantics = [#tpu.dimension_semantics<core_parallel>, #tpu.dimension_semantics<subcore_parallel>], iteration_bounds = array<i64: 2, 16>, scalar_prefetch = 0 : i64, scratch_operands = 5 : i64, tpu.core_type = #tpu.core_type<sc_vector_subcore>, window_params = [{transform_indices = #map}, {transform_indices = #map}, {transform_indices = #map1}]} {
    %mul3A = arith.constant 2 : i32
    %mul3A_0 = arith.muli %arg1, %mul3A : i32
    %add3A = arith.addi %mul3A_0, %arg0 : i32
    %mul3A_1 = arith.constant 128 : i32
    %mul3A_2 = arith.muli %add3A, %mul3A_1 : i32
    %dma_start3A = arith.constant 0 : i32
    %dma_start3A_3 = arith.constant 0 : i32
    %dma_start3A_4 = arith.constant 0 : i32
    %dma_start3A_5 = tpu.memref_slice %arg5[%dma_start3A, %dma_start3A_3, %dma_start3A_4] : memref<2x8x50xi32, #tpu.memory_space<vmem>> -> memref<1x8x50xi32, #tpu.memory_space<vmem>>
    %dma_start3A_6 = tpu.memref_squeeze %dma_start3A_5 : memref<1x8x50xi32, #tpu.memory_space<vmem>> -> memref<8x50xi32, #tpu.memory_space<vmem>>
    %dma_start3A_7 = arith.constant 0 : i32
    %dma_start3A_8 = tpu.memref_slice %arg3[%mul3A_2, %dma_start3A_7] : memref<4096x50xi32, #tpu.memory_space<hbm>> -> memref<8x50xi32, #tpu.memory_space<hbm>>
    %dma_start3A_9 = arith.constant 0 : i32
    %dma_start3A_10 = arith.constant 0 : i32
    %dma_start3A_11 = tpu.memref_slice %arg5[%dma_start3A, %dma_start3A_9, %dma_start3A_10] : memref<2x8x50xi32, #tpu.memory_space<vmem>> -> memref<1x8x50xi32, #tpu.memory_space<vmem>>
    %dma_start3A_12 = tpu.memref_squeeze %dma_start3A_11 : memref<1x8x50xi32, #tpu.memory_space<vmem>> -> memref<8x50xi32, #tpu.memory_space<vmem>>
    %dma_start3A_13 = arith.constant 0 : i32
    %dma_start3A_14 = tpu.memref_slice %arg3[%mul3A_2, %dma_start3A_13] : memref<4096x50xi32, #tpu.memory_space<hbm>> -> memref<8x50xi32, #tpu.memory_space<hbm>>
    tpu.enqueue_dma source(%dma_start3A_14 : memref<8x50xi32, #tpu.memory_space<hbm>>) target(%dma_start3A_12 : memref<8x50xi32, #tpu.memory_space<vmem>>) target_semaphore(%arg7 : memref<!tpu.dma_semaphore, #tpu.memory_space<semaphore_mem>>)
    %scan3A = arith.constant 0 : i32
    %scan3A_15 = arith.constant 0 : i32
    %scan3A_16 = arith.constant 8 : i32
    %scan3A_17 = arith.addi %scan3A_15, %scan3A_16 : i32
    %scan3A_18 = arith.constant 1 : i32
    scf.for %scan3A_355 = %scan3A_15 to %scan3A_17 step %scan3A_18  : i32 {
      %mul3A_356 = arith.constant 2 : i32
      %mul3A_357 = arith.muli %scan3A_355, %mul3A_356 : i32
      %add3A_358 = arith.constant 0 : i32
      %add3A_359 = arith.addi %mul3A_357, %add3A_358 : i32
      %mul3A_360 = arith.constant 8 : i32
      %mul3A_361 = arith.muli %add3A_359, %mul3A_360 : i32
      %add3A_362 = arith.addi %mul3A_2, %mul3A_361 : i32
      %ge3A = arith.constant 2 : i32
      %ge3A_363 = arith.cmpi sge, %add3A_359, %ge3A : i32
      %convert_element_type3A = arith.extui %ge3A_363 : i1 to i32
      %cond3A = arith.constant 0 : i32
      %cond3A_364 = arith.cmpi ne, %convert_element_type3A, %cond3A : i32
      scf.if %cond3A_364 {
        %sub3A = arith.constant 16 : i32
        %sub3A_1136 = arith.subi %add3A_362, %sub3A : i32
        %add3A_1137 = arith.constant 0 : i32
        %add3A_1138 = arith.addi %sub3A_1136, %add3A_1137 : i32
        %dma_wait3A_1139 = arith.constant 0 : i32
        %dma_wait3A_1140 = arith.constant 0 : i32
        %dma_wait3A_1141 = arith.constant 0 : i32
        %dma_wait3A_1142 = tpu.memref_slice %arg6[%dma_wait3A_1139, %dma_wait3A_1140, %dma_wait3A_1141] : memref<2x400x128xf32, #tpu.memory_space<vmem>> -> memref<1x50x128xf32, #tpu.memory_space<vmem>>
        %dma_wait3A_1143 = tpu.memref_squeeze %dma_wait3A_1142 : memref<1x50x128xf32, #tpu.memory_space<vmem>> -> memref<50x128xf32, #tpu.memory_space<vmem>>
        %dma_wait3A_1144 = arith.constant 0 : i32
        %dma_wait3A_1145 = arith.constant 0 : i32
        %dma_wait3A_1146 = tpu.memref_slice %arg4[%add3A_1138, %dma_wait3A_1144, %dma_wait3A_1145] : memref<4096x50x128xf32, #tpu.memory_space<hbm>> -> memref<1x50x128xf32, #tpu.memory_space<hbm>>
        %dma_wait3A_1147 = tpu.memref_squeeze %dma_wait3A_1146 : memref<1x50x128xf32, #tpu.memory_space<hbm>> -> memref<50x128xf32, #tpu.memory_space<hbm>>
        %dma_wait3A_1148 = arith.constant 0 : i32
        %dma_wait3A_1149 = arith.constant 0 : i32
        %dma_wait3A_1150 = tpu.memref_slice %arg4[%add3A_1138, %dma_wait3A_1148, %dma_wait3A_1149] : memref<4096x50x128xf32, #tpu.memory_space<hbm>> -> memref<1x50x128xf32, #tpu.memory_space<hbm>>
        %dma_wait3A_1151 = tpu.memref_squeeze %dma_wait3A_1150 : memref<1x50x128xf32, #tpu.memory_space<hbm>> -> memref<50x128xf32, #tpu.memory_space<hbm>>
        %dma_wait3A_1152 = arith.constant 0 : i32
        %dma_wait3A_1153 = arith.constant 0 : i32
        %dma_wait3A_1154 = tpu.memref_slice %arg6[%dma_wait3A_1139, %dma_wait3A_1152, %dma_wait3A_1153] : memref<2x400x128xf32, #tpu.memory_space<vmem>> -> memref<1x50x128xf32, #tpu.memory_space<vmem>>
        %dma_wait3A_1155 = tpu.memref_squeeze %dma_wait3A_1154 : memref<1x50x128xf32, #tpu.memory_space<vmem>> -> memref<50x128xf32, #tpu.memory_space<vmem>>
        tpu.wait_dma2 semaphore(%arg9 : memref<!tpu.dma_semaphore, #tpu.memory_space<semaphore_mem>>) src(%dma_wait3A_1155 : memref<50x128xf32, #tpu.memory_space<vmem>>) dst(%dma_wait3A_1151 : memref<50x128xf32, #tpu.memory_space<hbm>>)
        %sub3A_1156 = arith.constant 16 : i32
        %sub3A_1157 = arith.subi %add3A_362, %sub3A_1156 : i32
        %add3A_1158 = arith.constant 1 : i32
        %add3A_1159 = arith.addi %sub3A_1157, %add3A_1158 : i32
        %dma_wait3A_1160 = arith.constant 0 : i32
        %dma_wait3A_1161 = arith.constant 50 : i32
        %dma_wait3A_1162 = arith.constant 0 : i32
        %dma_wait3A_1163 = tpu.memref_slice %arg6[%dma_wait3A_1160, %dma_wait3A_1161, %dma_wait3A_1162] : memref<2x400x128xf32, #tpu.memory_space<vmem>> -> memref<1x50x128xf32, #tpu.memory_space<vmem>>
        %dma_wait3A_1164 = tpu.memref_squeeze %dma_wait3A_1163 : memref<1x50x128xf32, #tpu.memory_space<vmem>> -> memref<50x128xf32, #tpu.memory_space<vmem>>
        %dma_wait3A_1165 = arith.constant 0 : i32
        %dma_wait3A_1166 = arith.constant 0 : i32
        %dma_wait3A_1167 = tpu.memref_slice %arg4[%add3A_1159, %dma_wait3A_1165, %dma_wait3A_1166] : memref<4096x50x128xf32, #tpu.memory_space<hbm>> -> memref<1x50x128xf32, #tpu.memory_space<hbm>>
        %dma_wait3A_1168 = tpu.memref_squeeze %dma_wait3A_1167 : memref<1x50x128xf32, #tpu.memory_space<hbm>> -> memref<50x128xf32, #tpu.memory_space<hbm>>
        %dma_wait3A_1169 = arith.constant 0 : i32
        %dma_wait3A_1170 = arith.constant 0 : i32
        %dma_wait3A_1171 = tpu.memref_slice %arg4[%add3A_1159, %dma_wait3A_1169, %dma_wait3A_1170] : memref<4096x50x128xf32, #tpu.memory_space<hbm>> -> memref<1x50x128xf32, #tpu.memory_space<hbm>>
        %dma_wait3A_1172 = tpu.memref_squeeze %dma_wait3A_1171 : memref<1x50x128xf32, #tpu.memory_space<hbm>> -> memref<50x128xf32, #tpu.memory_space<hbm>>
        %dma_wait3A_1173 = arith.constant 50 : i32
        %dma_wait3A_1174 = arith.constant 0 : i32
        %dma_wait3A_1175 = tpu.memref_slice %arg6[%dma_wait3A_1160, %dma_wait3A_1173, %dma_wait3A_1174] : memref<2x400x128xf32, #tpu.memory_space<vmem>> -> memref<1x50x128xf32, #tpu.memory_space<vmem>>
        %dma_wait3A_1176 = tpu.memref_squeeze %dma_wait3A_1175 : memref<1x50x128xf32, #tpu.memory_space<vmem>> -> memref<50x128xf32, #tpu.memory_space<vmem>>
        tpu.wait_dma2 semaphore(%arg9 : memref<!tpu.dma_semaphore, #tpu.memory_space<semaphore_mem>>) src(%dma_wait3A_1176 : memref<50x128xf32, #tpu.memory_space<vmem>>) dst(%dma_wait3A_1172 : memref<50x128xf32, #tpu.memory_space<hbm>>)
        %sub3A_1177 = arith.constant 16 : i32
        %sub3A_1178 = arith.subi %add3A_362, %sub3A_1177 : i32
        %add3A_1179 = arith.constant 2 : i32
        %add3A_1180 = arith.addi %sub3A_1178, %add3A_1179 : i32
        %dma_wait3A_1181 = arith.constant 0 : i32
        %dma_wait3A_1182 = arith.constant 100 : i32
        %dma_wait3A_1183 = arith.constant 0 : i32
        %dma_wait3A_1184 = tpu.memref_slice %arg6[%dma_wait3A_1181, %dma_wait3A_1182, %dma_wait3A_1183] : memref<2x400x128xf32, #tpu.memory_space<vmem>> -> memref<1x50x128xf32, #tpu.memory_space<vmem>>
        %dma_wait3A_1185 = tpu.memref_squeeze %dma_wait3A_1184 : memref<1x50x128xf32, #tpu.memory_space<vmem>> -> memref<50x128xf32, #tpu.memory_space<vmem>>
        %dma_wait3A_1186 = arith.constant 0 : i32
        %dma_wait3A_1187 = arith.constant 0 : i32
        %dma_wait3A_1188 = tpu.memref_slice %arg4[%add3A_1180, %dma_wait3A_1186, %dma_wait3A_1187] : memref<4096x50x128xf32, #tpu.memory_space<hbm>> -> memref<1x50x128xf32, #tpu.memory_space<hbm>>
        %dma_wait3A_1189 = tpu.memref_squeeze %dma_wait3A_1188 : memref<1x50x128xf32, #tpu.memory_space<hbm>> -> memref<50x128xf32, #tpu.memory_space<hbm>>
        %dma_wait3A_1190 = arith.constant 0 : i32
        %dma_wait3A_1191 = arith.constant 0 : i32
        %dma_wait3A_1192 = tpu.memref_slice %arg4[%add3A_1180, %dma_wait3A_1190, %dma_wait3A_1191] : memref<4096x50x128xf32, #tpu.memory_space<hbm>> -> memref<1x50x128xf32, #tpu.memory_space<hbm>>
        %dma_wait3A_1193 = tpu.memref_squeeze %dma_wait3A_1192 : memref<1x50x128xf32, #tpu.memory_space<hbm>> -> memref<50x128xf32, #tpu.memory_space<hbm>>
        %dma_wait3A_1194 = arith.constant 100 : i32
        %dma_wait3A_1195 = arith.constant 0 : i32
        %dma_wait3A_1196 = tpu.memref_slice %arg6[%dma_wait3A_1181, %dma_wait3A_1194, %dma_wait3A_1195] : memref<2x400x128xf32, #tpu.memory_space<vmem>> -> memref<1x50x128xf32, #tpu.memory_space<vmem>>
        %dma_wait3A_1197 = tpu.memref_squeeze %dma_wait3A_1196 : memref<1x50x128xf32, #tpu.memory_space<vmem>> -> memref<50x128xf32, #tpu.memory_space<vmem>>
        tpu.wait_dma2 semaphore(%arg9 : memref<!tpu.dma_semaphore, #tpu.memory_space<semaphore_mem>>) src(%dma_wait3A_1197 : memref<50x128xf32, #tpu.memory_space<vmem>>) dst(%dma_wait3A_1193 : memref<50x128xf32, #tpu.memory_space<hbm>>)
        %sub3A_1198 = arith.constant 16 : i32
        %sub3A_1199 = arith.subi %add3A_362, %sub3A_1198 : i32
        %add3A_1200 = arith.constant 3 : i32
        %add3A_1201 = arith.addi %sub3A_1199, %add3A_1200 : i32
        %dma_wait3A_1202 = arith.constant 0 : i32
        %dma_wait3A_1203 = arith.constant 150 : i32
        %dma_wait3A_1204 = arith.constant 0 : i32
        %dma_wait3A_1205 = tpu.memref_slice %arg6[%dma_wait3A_1202, %dma_wait3A_1203, %dma_wait3A_1204] : memref<2x400x128xf32, #tpu.memory_space<vmem>> -> memref<1x50x128xf32, #tpu.memory_space<vmem>>
        %dma_wait3A_1206 = tpu.memref_squeeze %dma_wait3A_1205 : memref<1x50x128xf32, #tpu.memory_space<vmem>> -> memref<50x128xf32, #tpu.memory_space<vmem>>
        %dma_wait3A_1207 = arith.constant 0 : i32
        %dma_wait3A_1208 = arith.constant 0 : i32
        %dma_wait3A_1209 = tpu.memref_slice %arg4[%add3A_1201, %dma_wait3A_1207, %dma_wait3A_1208] : memref<4096x50x128xf32, #tpu.memory_space<hbm>> -> memref<1x50x128xf32, #tpu.memory_space<hbm>>
        %dma_wait3A_1210 = tpu.memref_squeeze %dma_wait3A_1209 : memref<1x50x128xf32, #tpu.memory_space<hbm>> -> memref<50x128xf32, #tpu.memory_space<hbm>>
        %dma_wait3A_1211 = arith.constant 0 : i32
        %dma_wait3A_1212 = arith.constant 0 : i32
        %dma_wait3A_1213 = tpu.memref_slice %arg4[%add3A_1201, %dma_wait3A_1211, %dma_wait3A_1212] : memref<4096x50x128xf32, #tpu.memory_space<hbm>> -> memref<1x50x128xf32, #tpu.memory_space<hbm>>
        %dma_wait3A_1214 = tpu.memref_squeeze %dma_wait3A_1213 : memref<1x50x128xf32, #tpu.memory_space<hbm>> -> memref<50x128xf32, #tpu.memory_space<hbm>>
        %dma_wait3A_1215 = arith.constant 150 : i32
        %dma_wait3A_1216 = arith.constant 0 : i32
        %dma_wait3A_1217 = tpu.memref_slice %arg6[%dma_wait3A_1202, %dma_wait3A_1215, %dma_wait3A_1216] : memref<2x400x128xf32, #tpu.memory_space<vmem>> -> memref<1x50x128xf32, #tpu.memory_space<vmem>>
        %dma_wait3A_1218 = tpu.memref_squeeze %dma_wait3A_1217 : memref<1x50x128xf32, #tpu.memory_space<vmem>> -> memref<50x128xf32, #tpu.memory_space<vmem>>
        tpu.wait_dma2 semaphore(%arg9 : memref<!tpu.dma_semaphore, #tpu.memory_space<semaphore_mem>>) src(%dma_wait3A_1218 : memref<50x128xf32, #tpu.memory_space<vmem>>) dst(%dma_wait3A_1214 : memref<50x128xf32, #tpu.memory_space<hbm>>)
        %sub3A_1219 = arith.constant 16 : i32
        %sub3A_1220 = arith.subi %add3A_362, %sub3A_1219 : i32
        %add3A_1221 = arith.constant 4 : i32
        %add3A_1222 = arith.addi %sub3A_1220, %add3A_1221 : i32
        %dma_wait3A_1223 = arith.constant 0 : i32
        %dma_wait3A_1224 = arith.constant 200 : i32
        %dma_wait3A_1225 = arith.constant 0 : i32
        %dma_wait3A_1226 = tpu.memref_slice %arg6[%dma_wait3A_1223, %dma_wait3A_1224, %dma_wait3A_1225] : memref<2x400x128xf32, #tpu.memory_space<vmem>> -> memref<1x50x128xf32, #tpu.memory_space<vmem>>
        %dma_wait3A_1227 = tpu.memref_squeeze %dma_wait3A_1226 : memref<1x50x128xf32, #tpu.memory_space<vmem>> -> memref<50x128xf32, #tpu.memory_space<vmem>>
        %dma_wait3A_1228 = arith.constant 0 : i32
        %dma_wait3A_1229 = arith.constant 0 : i32
        %dma_wait3A_1230 = tpu.memref_slice %arg4[%add3A_1222, %dma_wait3A_1228, %dma_wait3A_1229] : memref<4096x50x128xf32, #tpu.memory_space<hbm>> -> memref<1x50x128xf32, #tpu.memory_space<hbm>>
        %dma_wait3A_1231 = tpu.memref_squeeze %dma_wait3A_1230 : memref<1x50x128xf32, #tpu.memory_space<hbm>> -> memref<50x128xf32, #tpu.memory_space<hbm>>
        %dma_wait3A_1232 = arith.constant 0 : i32
        %dma_wait3A_1233 = arith.constant 0 : i32
        %dma_wait3A_1234 = tpu.memref_slice %arg4[%add3A_1222, %dma_wait3A_1232, %dma_wait3A_1233] : memref<4096x50x128xf32, #tpu.memory_space<hbm>> -> memref<1x50x128xf32, #tpu.memory_space<hbm>>
        %dma_wait3A_1235 = tpu.memref_squeeze %dma_wait3A_1234 : memref<1x50x128xf32, #tpu.memory_space<hbm>> -> memref<50x128xf32, #tpu.memory_space<hbm>>
        %dma_wait3A_1236 = arith.constant 200 : i32
        %dma_wait3A_1237 = arith.constant 0 : i32
        %dma_wait3A_1238 = tpu.memref_slice %arg6[%dma_wait3A_1223, %dma_wait3A_1236, %dma_wait3A_1237] : memref<2x400x128xf32, #tpu.memory_space<vmem>> -> memref<1x50x128xf32, #tpu.memory_space<vmem>>
        %dma_wait3A_1239 = tpu.memref_squeeze %dma_wait3A_1238 : memref<1x50x128xf32, #tpu.memory_space<vmem>> -> memref<50x128xf32, #tpu.memory_space<vmem>>
        tpu.wait_dma2 semaphore(%arg9 : memref<!tpu.dma_semaphore, #tpu.memory_space<semaphore_mem>>) src(%dma_wait3A_1239 : memref<50x128xf32, #tpu.memory_space<vmem>>) dst(%dma_wait3A_1235 : memref<50x128xf32, #tpu.memory_space<hbm>>)
        %sub3A_1240 = arith.constant 16 : i32
        %sub3A_1241 = arith.subi %add3A_362, %sub3A_1240 : i32
        %add3A_1242 = arith.constant 5 : i32
        %add3A_1243 = arith.addi %sub3A_1241, %add3A_1242 : i32
        %dma_wait3A_1244 = arith.constant 0 : i32
        %dma_wait3A_1245 = arith.constant 250 : i32
        %dma_wait3A_1246 = arith.constant 0 : i32
        %dma_wait3A_1247 = tpu.memref_slice %arg6[%dma_wait3A_1244, %dma_wait3A_1245, %dma_wait3A_1246] : memref<2x400x128xf32, #tpu.memory_space<vmem>> -> memref<1x50x128xf32, #tpu.memory_space<vmem>>
        %dma_wait3A_1248 = tpu.memref_squeeze %dma_wait3A_1247 : memref<1x50x128xf32, #tpu.memory_space<vmem>> -> memref<50x128xf32, #tpu.memory_space<vmem>>
        %dma_wait3A_1249 = arith.constant 0 : i32
        %dma_wait3A_1250 = arith.constant 0 : i32
        %dma_wait3A_1251 = tpu.memref_slice %arg4[%add3A_1243, %dma_wait3A_1249, %dma_wait3A_1250] : memref<4096x50x128xf32, #tpu.memory_space<hbm>> -> memref<1x50x128xf32, #tpu.memory_space<hbm>>
        %dma_wait3A_1252 = tpu.memref_squeeze %dma_wait3A_1251 : memref<1x50x128xf32, #tpu.memory_space<hbm>> -> memref<50x128xf32, #tpu.memory_space<hbm>>
        %dma_wait3A_1253 = arith.constant 0 : i32
        %dma_wait3A_1254 = arith.constant 0 : i32
        %dma_wait3A_1255 = tpu.memref_slice %arg4[%add3A_1243, %dma_wait3A_1253, %dma_wait3A_1254] : memref<4096x50x128xf32, #tpu.memory_space<hbm>> -> memref<1x50x128xf32, #tpu.memory_space<hbm>>
        %dma_wait3A_1256 = tpu.memref_squeeze %dma_wait3A_1255 : memref<1x50x128xf32, #tpu.memory_space<hbm>> -> memref<50x128xf32, #tpu.memory_space<hbm>>
        %dma_wait3A_1257 = arith.constant 250 : i32
        %dma_wait3A_1258 = arith.constant 0 : i32
        %dma_wait3A_1259 = tpu.memref_slice %arg6[%dma_wait3A_1244, %dma_wait3A_1257, %dma_wait3A_1258] : memref<2x400x128xf32, #tpu.memory_space<vmem>> -> memref<1x50x128xf32, #tpu.memory_space<vmem>>
        %dma_wait3A_1260 = tpu.memref_squeeze %dma_wait3A_1259 : memref<1x50x128xf32, #tpu.memory_space<vmem>> -> memref<50x128xf32, #tpu.memory_space<vmem>>
        tpu.wait_dma2 semaphore(%arg9 : memref<!tpu.dma_semaphore, #tpu.memory_space<semaphore_mem>>) src(%dma_wait3A_1260 : memref<50x128xf32, #tpu.memory_space<vmem>>) dst(%dma_wait3A_1256 : memref<50x128xf32, #tpu.memory_space<hbm>>)
        %sub3A_1261 = arith.constant 16 : i32
        %sub3A_1262 = arith.subi %add3A_362, %sub3A_1261 : i32
        %add3A_1263 = arith.constant 6 : i32
        %add3A_1264 = arith.addi %sub3A_1262, %add3A_1263 : i32
        %dma_wait3A_1265 = arith.constant 0 : i32
        %dma_wait3A_1266 = arith.constant 300 : i32
        %dma_wait3A_1267 = arith.constant 0 : i32
        %dma_wait3A_1268 = tpu.memref_slice %arg6[%dma_wait3A_1265, %dma_wait3A_1266, %dma_wait3A_1267] : memref<2x400x128xf32, #tpu.memory_space<vmem>> -> memref<1x50x128xf32, #tpu.memory_space<vmem>>
        %dma_wait3A_1269 = tpu.memref_squeeze %dma_wait3A_1268 : memref<1x50x128xf32, #tpu.memory_space<vmem>> -> memref<50x128xf32, #tpu.memory_space<vmem>>
        %dma_wait3A_1270 = arith.constant 0 : i32
        %dma_wait3A_1271 = arith.constant 0 : i32
        %dma_wait3A_1272 = tpu.memref_slice %arg4[%add3A_1264, %dma_wait3A_1270, %dma_wait3A_1271] : memref<4096x50x128xf32, #tpu.memory_space<hbm>> -> memref<1x50x128xf32, #tpu.memory_space<hbm>>
        %dma_wait3A_1273 = tpu.memref_squeeze %dma_wait3A_1272 : memref<1x50x128xf32, #tpu.memory_space<hbm>> -> memref<50x128xf32, #tpu.memory_space<hbm>>
        %dma_wait3A_1274 = arith.constant 0 : i32
        %dma_wait3A_1275 = arith.constant 0 : i32
        %dma_wait3A_1276 = tpu.memref_slice %arg4[%add3A_1264, %dma_wait3A_1274, %dma_wait3A_1275] : memref<4096x50x128xf32, #tpu.memory_space<hbm>> -> memref<1x50x128xf32, #tpu.memory_space<hbm>>
        %dma_wait3A_1277 = tpu.memref_squeeze %dma_wait3A_1276 : memref<1x50x128xf32, #tpu.memory_space<hbm>> -> memref<50x128xf32, #tpu.memory_space<hbm>>
        %dma_wait3A_1278 = arith.constant 300 : i32
        %dma_wait3A_1279 = arith.constant 0 : i32
        %dma_wait3A_1280 = tpu.memref_slice %arg6[%dma_wait3A_1265, %dma_wait3A_1278, %dma_wait3A_1279] : memref<2x400x128xf32, #tpu.memory_space<vmem>> -> memref<1x50x128xf32, #tpu.memory_space<vmem>>
        %dma_wait3A_1281 = tpu.memref_squeeze %dma_wait3A_1280 : memref<1x50x128xf32, #tpu.memory_space<vmem>> -> memref<50x128xf32, #tpu.memory_space<vmem>>
        tpu.wait_dma2 semaphore(%arg9 : memref<!tpu.dma_semaphore, #tpu.memory_space<semaphore_mem>>) src(%dma_wait3A_1281 : memref<50x128xf32, #tpu.memory_space<vmem>>) dst(%dma_wait3A_1277 : memref<50x128xf32, #tpu.memory_space<hbm>>)
        %sub3A_1282 = arith.constant 16 : i32
        %sub3A_1283 = arith.subi %add3A_362, %sub3A_1282 : i32
        %add3A_1284 = arith.constant 7 : i32
        %add3A_1285 = arith.addi %sub3A_1283, %add3A_1284 : i32
        %dma_wait3A_1286 = arith.constant 0 : i32
        %dma_wait3A_1287 = arith.constant 350 : i32
        %dma_wait3A_1288 = arith.constant 0 : i32
        %dma_wait3A_1289 = tpu.memref_slice %arg6[%dma_wait3A_1286, %dma_wait3A_1287, %dma_wait3A_1288] : memref<2x400x128xf32, #tpu.memory_space<vmem>> -> memref<1x50x128xf32, #tpu.memory_space<vmem>>
        %dma_wait3A_1290 = tpu.memref_squeeze %dma_wait3A_1289 : memref<1x50x128xf32, #tpu.memory_space<vmem>> -> memref<50x128xf32, #tpu.memory_space<vmem>>
        %dma_wait3A_1291 = arith.constant 0 : i32
        %dma_wait3A_1292 = arith.constant 0 : i32
        %dma_wait3A_1293 = tpu.memref_slice %arg4[%add3A_1285, %dma_wait3A_1291, %dma_wait3A_1292] : memref<4096x50x128xf32, #tpu.memory_space<hbm>> -> memref<1x50x128xf32, #tpu.memory_space<hbm>>
        %dma_wait3A_1294 = tpu.memref_squeeze %dma_wait3A_1293 : memref<1x50x128xf32, #tpu.memory_space<hbm>> -> memref<50x128xf32, #tpu.memory_space<hbm>>
        %dma_wait3A_1295 = arith.constant 0 : i32
        %dma_wait3A_1296 = arith.constant 0 : i32
        %dma_wait3A_1297 = tpu.memref_slice %arg4[%add3A_1285, %dma_wait3A_1295, %dma_wait3A_1296] : memref<4096x50x128xf32, #tpu.memory_space<hbm>> -> memref<1x50x128xf32, #tpu.memory_space<hbm>>
        %dma_wait3A_1298 = tpu.memref_squeeze %dma_wait3A_1297 : memref<1x50x128xf32, #tpu.memory_space<hbm>> -> memref<50x128xf32, #tpu.memory_space<hbm>>
        %dma_wait3A_1299 = arith.constant 350 : i32
        %dma_wait3A_1300 = arith.constant 0 : i32
        %dma_wait3A_1301 = tpu.memref_slice %arg6[%dma_wait3A_1286, %dma_wait3A_1299, %dma_wait3A_1300] : memref<2x400x128xf32, #tpu.memory_space<vmem>> -> memref<1x50x128xf32, #tpu.memory_space<vmem>>
        %dma_wait3A_1302 = tpu.memref_squeeze %dma_wait3A_1301 : memref<1x50x128xf32, #tpu.memory_space<vmem>> -> memref<50x128xf32, #tpu.memory_space<vmem>>
        tpu.wait_dma2 semaphore(%arg9 : memref<!tpu.dma_semaphore, #tpu.memory_space<semaphore_mem>>) src(%dma_wait3A_1302 : memref<50x128xf32, #tpu.memory_space<vmem>>) dst(%dma_wait3A_1298 : memref<50x128xf32, #tpu.memory_space<hbm>>)
      } else {
      }
      %dma_wait3A_365 = arith.constant 0 : i32
      %dma_wait3A_366 = arith.constant 0 : i32
      %dma_wait3A_367 = arith.constant 0 : i32
      %dma_wait3A_368 = tpu.memref_slice %arg5[%dma_wait3A_365, %dma_wait3A_366, %dma_wait3A_367] : memref<2x8x50xi32, #tpu.memory_space<vmem>> -> memref<1x8x50xi32, #tpu.memory_space<vmem>>
      %dma_wait3A_369 = tpu.memref_squeeze %dma_wait3A_368 : memref<1x8x50xi32, #tpu.memory_space<vmem>> -> memref<8x50xi32, #tpu.memory_space<vmem>>
      %dma_wait3A_370 = arith.constant 0 : i32
      %dma_wait3A_371 = tpu.memref_slice %arg3[%add3A_362, %dma_wait3A_370] : memref<4096x50xi32, #tpu.memory_space<hbm>> -> memref<8x50xi32, #tpu.memory_space<hbm>>
      %dma_wait3A_372 = arith.constant 0 : i32
      %dma_wait3A_373 = arith.constant 0 : i32
      %dma_wait3A_374 = tpu.memref_slice %arg5[%dma_wait3A_365, %dma_wait3A_372, %dma_wait3A_373] : memref<2x8x50xi32, #tpu.memory_space<vmem>> -> memref<1x8x50xi32, #tpu.memory_space<vmem>>
      %dma_wait3A_375 = tpu.memref_squeeze %dma_wait3A_374 : memref<1x8x50xi32, #tpu.memory_space<vmem>> -> memref<8x50xi32, #tpu.memory_space<vmem>>
      %dma_wait3A_376 = arith.constant 0 : i32
      %dma_wait3A_377 = tpu.memref_slice %arg3[%add3A_362, %dma_wait3A_376] : memref<4096x50xi32, #tpu.memory_space<hbm>> -> memref<8x50xi32, #tpu.memory_space<hbm>>
      tpu.wait_dma2 semaphore(%arg7 : memref<!tpu.dma_semaphore, #tpu.memory_space<semaphore_mem>>) src(%dma_wait3A_377 : memref<8x50xi32, #tpu.memory_space<hbm>>) dst(%dma_wait3A_375 : memref<8x50xi32, #tpu.memory_space<vmem>>)
      %add3A_378 = arith.constant 1 : i32
      %add3A_379 = arith.addi %add3A_359, %add3A_378 : i32
      %lt3A = arith.constant 16 : i32
      %lt3A_380 = arith.cmpi slt, %add3A_379, %lt3A : i32
      %convert_element_type3A_381 = arith.extui %lt3A_380 : i1 to i32
      %cond3A_382 = arith.constant 0 : i32
      %cond3A_383 = arith.cmpi ne, %convert_element_type3A_381, %cond3A_382 : i32
      scf.if %cond3A_383 {
        %add3A_1136 = arith.constant 8 : i32
        %add3A_1137 = arith.addi %add3A_362, %add3A_1136 : i32
        %dma_start3A_1138 = arith.constant 1 : i32
        %dma_start3A_1139 = arith.constant 0 : i32
        %dma_start3A_1140 = arith.constant 0 : i32
        %dma_start3A_1141 = tpu.memref_slice %arg5[%dma_start3A_1138, %dma_start3A_1139, %dma_start3A_1140] : memref<2x8x50xi32, #tpu.memory_space<vmem>> -> memref<1x8x50xi32, #tpu.memory_space<vmem>>
        %dma_start3A_1142 = tpu.memref_squeeze %dma_start3A_1141 : memref<1x8x50xi32, #tpu.memory_space<vmem>> -> memref<8x50xi32, #tpu.memory_space<vmem>>
        %dma_start3A_1143 = arith.constant 0 : i32
        %dma_start3A_1144 = tpu.memref_slice %arg3[%add3A_1137, %dma_start3A_1143] : memref<4096x50xi32, #tpu.memory_space<hbm>> -> memref<8x50xi32, #tpu.memory_space<hbm>>
        %dma_start3A_1145 = arith.constant 0 : i32
        %dma_start3A_1146 = arith.constant 0 : i32
        %dma_start3A_1147 = tpu.memref_slice %arg5[%dma_start3A_1138, %dma_start3A_1145, %dma_start3A_1146] : memref<2x8x50xi32, #tpu.memory_space<vmem>> -> memref<1x8x50xi32, #tpu.memory_space<vmem>>
        %dma_start3A_1148 = tpu.memref_squeeze %dma_start3A_1147 : memref<1x8x50xi32, #tpu.memory_space<vmem>> -> memref<8x50xi32, #tpu.memory_space<vmem>>
        %dma_start3A_1149 = arith.constant 0 : i32
        %dma_start3A_1150 = tpu.memref_slice %arg3[%add3A_1137, %dma_start3A_1149] : memref<4096x50xi32, #tpu.memory_space<hbm>> -> memref<8x50xi32, #tpu.memory_space<hbm>>
        tpu.enqueue_dma source(%dma_start3A_1150 : memref<8x50xi32, #tpu.memory_space<hbm>>) target(%dma_start3A_1148 : memref<8x50xi32, #tpu.memory_space<vmem>>) target_semaphore(%arg7 : memref<!tpu.dma_semaphore, #tpu.memory_space<semaphore_mem>>)
      } else {
      }
      %dma_start3A_384 = arith.constant 0 : i32
      %dma_start3A_385 = arith.constant 0 : i32
      %dma_start3A_386 = arith.constant 0 : i32
      %dma_start3A_387 = arith.constant 0 : i32
      %dma_start3A_388 = arith.constant 0 : i32
      %dma_start3A_389 = tpu.memref_slice %arg6[%dma_start3A_386, %dma_start3A_387, %dma_start3A_388] : memref<2x400x128xf32, #tpu.memory_space<vmem>> -> memref<1x50x128xf32, #tpu.memory_space<vmem>>
      %dma_start3A_390 = tpu.memref_squeeze %dma_start3A_389 : memref<1x50x128xf32, #tpu.memory_space<vmem>> -> memref<50x128xf32, #tpu.memory_space<vmem>>
      %dma_start3A_391 = arith.constant 0 : i32
      %dma_start3A_392 = tpu.memref_slice %arg5[%dma_start3A_384, %dma_start3A_385, %dma_start3A_391] : memref<2x8x50xi32, #tpu.memory_space<vmem>> -> memref<1x1x50xi32, #tpu.memory_space<vmem>>
      %dma_start3A_393 = tpu.memref_squeeze %dma_start3A_392 : memref<1x1x50xi32, #tpu.memory_space<vmem>> -> memref<50xi32, #tpu.memory_space<vmem>>
      %dma_start3A_394 = arith.constant 0 : i32
      %dma_start3A_395 = arith.constant 0 : i32
      %dma_start3A_396 = tpu.memref_slice %arg2[%dma_start3A_394, %dma_start3A_395] : memref<100000x128xf32, #tpu.memory_space<hbm>> -> memref<100000x128xf32, #tpu.memory_space<hbm>>
      tpu.enqueue_indirect_dma source(%dma_start3A_396 : memref<100000x128xf32, #tpu.memory_space<hbm>>) target(%dma_start3A_390 : memref<50x128xf32, #tpu.memory_space<vmem>>) offsets(%dma_start3A_393 : memref<50xi32, #tpu.memory_space<vmem>>) semaphore(%arg8 : memref<!tpu.dma_semaphore, #tpu.memory_space<semaphore_mem>>)
      %dma_start3A_397 = arith.constant 0 : i32
      %dma_start3A_398 = arith.constant 1 : i32
      %dma_start3A_399 = arith.constant 0 : i32
      %dma_start3A_400 = arith.constant 50 : i32
      %dma_start3A_401 = arith.constant 0 : i32
      %dma_start3A_402 = tpu.memref_slice %arg6[%dma_start3A_399, %dma_start3A_400, %dma_start3A_401] : memref<2x400x128xf32, #tpu.memory_space<vmem>> -> memref<1x50x128xf32, #tpu.memory_space<vmem>>
      %dma_start3A_403 = tpu.memref_squeeze %dma_start3A_402 : memref<1x50x128xf32, #tpu.memory_space<vmem>> -> memref<50x128xf32, #tpu.memory_space<vmem>>
      %dma_start3A_404 = arith.constant 0 : i32
      %dma_start3A_405 = tpu.memref_slice %arg5[%dma_start3A_397, %dma_start3A_398, %dma_start3A_404] : memref<2x8x50xi32, #tpu.memory_space<vmem>> -> memref<1x1x50xi32, #tpu.memory_space<vmem>>
      %dma_start3A_406 = tpu.memref_squeeze %dma_start3A_405 : memref<1x1x50xi32, #tpu.memory_space<vmem>> -> memref<50xi32, #tpu.memory_space<vmem>>
      %dma_start3A_407 = arith.constant 0 : i32
      %dma_start3A_408 = arith.constant 0 : i32
      %dma_start3A_409 = tpu.memref_slice %arg2[%dma_start3A_407, %dma_start3A_408] : memref<100000x128xf32, #tpu.memory_space<hbm>> -> memref<100000x128xf32, #tpu.memory_space<hbm>>
      tpu.enqueue_indirect_dma source(%dma_start3A_409 : memref<100000x128xf32, #tpu.memory_space<hbm>>) target(%dma_start3A_403 : memref<50x128xf32, #tpu.memory_space<vmem>>) offsets(%dma_start3A_406 : memref<50xi32, #tpu.memory_space<vmem>>) semaphore(%arg8 : memref<!tpu.dma_semaphore, #tpu.memory_space<semaphore_mem>>)
      %dma_start3A_410 = arith.constant 0 : i32
      %dma_start3A_411 = arith.constant 2 : i32
      %dma_start3A_412 = arith.constant 0 : i32
      %dma_start3A_413 = arith.constant 100 : i32
      %dma_start3A_414 = arith.constant 0 : i32
      %dma_start3A_415 = tpu.memref_slice %arg6[%dma_start3A_412, %dma_start3A_413, %dma_start3A_414] : memref<2x400x128xf32, #tpu.memory_space<vmem>> -> memref<1x50x128xf32, #tpu.memory_space<vmem>>
      %dma_start3A_416 = tpu.memref_squeeze %dma_start3A_415 : memref<1x50x128xf32, #tpu.memory_space<vmem>> -> memref<50x128xf32, #tpu.memory_space<vmem>>
      %dma_start3A_417 = arith.constant 0 : i32
      %dma_start3A_418 = tpu.memref_slice %arg5[%dma_start3A_410, %dma_start3A_411, %dma_start3A_417] : memref<2x8x50xi32, #tpu.memory_space<vmem>> -> memref<1x1x50xi32, #tpu.memory_space<vmem>>
      %dma_start3A_419 = tpu.memref_squeeze %dma_start3A_418 : memref<1x1x50xi32, #tpu.memory_space<vmem>> -> memref<50xi32, #tpu.memory_space<vmem>>
      %dma_start3A_420 = arith.constant 0 : i32
      %dma_start3A_421 = arith.constant 0 : i32
      %dma_start3A_422 = tpu.memref_slice %arg2[%dma_start3A_420, %dma_start3A_421] : memref<100000x128xf32, #tpu.memory_space<hbm>> -> memref<100000x128xf32, #tpu.memory_space<hbm>>
      tpu.enqueue_indirect_dma source(%dma_start3A_422 : memref<100000x128xf32, #tpu.memory_space<hbm>>) target(%dma_start3A_416 : memref<50x128xf32, #tpu.memory_space<vmem>>) offsets(%dma_start3A_419 : memref<50xi32, #tpu.memory_space<vmem>>) semaphore(%arg8 : memref<!tpu.dma_semaphore, #tpu.memory_space<semaphore_mem>>)
      %dma_start3A_423 = arith.constant 0 : i32
      %dma_start3A_424 = arith.constant 3 : i32
      %dma_start3A_425 = arith.constant 0 : i32
      %dma_start3A_426 = arith.constant 150 : i32
      %dma_start3A_427 = arith.constant 0 : i32
      %dma_start3A_428 = tpu.memref_slice %arg6[%dma_start3A_425, %dma_start3A_426, %dma_start3A_427] : memref<2x400x128xf32, #tpu.memory_space<vmem>> -> memref<1x50x128xf32, #tpu.memory_space<vmem>>
      %dma_start3A_429 = tpu.memref_squeeze %dma_start3A_428 : memref<1x50x128xf32, #tpu.memory_space<vmem>> -> memref<50x128xf32, #tpu.memory_space<vmem>>
      %dma_start3A_430 = arith.constant 0 : i32
      %dma_start3A_431 = tpu.memref_slice %arg5[%dma_start3A_423, %dma_start3A_424, %dma_start3A_430] : memref<2x8x50xi32, #tpu.memory_space<vmem>> -> memref<1x1x50xi32, #tpu.memory_space<vmem>>
      %dma_start3A_432 = tpu.memref_squeeze %dma_start3A_431 : memref<1x1x50xi32, #tpu.memory_space<vmem>> -> memref<50xi32, #tpu.memory_space<vmem>>
      %dma_start3A_433 = arith.constant 0 : i32
      %dma_start3A_434 = arith.constant 0 : i32
      %dma_start3A_435 = tpu.memref_slice %arg2[%dma_start3A_433, %dma_start3A_434] : memref<100000x128xf32, #tpu.memory_space<hbm>> -> memref<100000x128xf32, #tpu.memory_space<hbm>>
      tpu.enqueue_indirect_dma source(%dma_start3A_435 : memref<100000x128xf32, #tpu.memory_space<hbm>>) target(%dma_start3A_429 : memref<50x128xf32, #tpu.memory_space<vmem>>) offsets(%dma_start3A_432 : memref<50xi32, #tpu.memory_space<vmem>>) semaphore(%arg8 : memref<!tpu.dma_semaphore, #tpu.memory_space<semaphore_mem>>)
      %dma_start3A_436 = arith.constant 0 : i32
      %dma_start3A_437 = arith.constant 4 : i32
      %dma_start3A_438 = arith.constant 0 : i32
      %dma_start3A_439 = arith.constant 200 : i32
      %dma_start3A_440 = arith.constant 0 : i32
      %dma_start3A_441 = tpu.memref_slice %arg6[%dma_start3A_438, %dma_start3A_439, %dma_start3A_440] : memref<2x400x128xf32, #tpu.memory_space<vmem>> -> memref<1x50x128xf32, #tpu.memory_space<vmem>>
      %dma_start3A_442 = tpu.memref_squeeze %dma_start3A_441 : memref<1x50x128xf32, #tpu.memory_space<vmem>> -> memref<50x128xf32, #tpu.memory_space<vmem>>
      %dma_start3A_443 = arith.constant 0 : i32
      %dma_start3A_444 = tpu.memref_slice %arg5[%dma_start3A_436, %dma_start3A_437, %dma_start3A_443] : memref<2x8x50xi32, #tpu.memory_space<vmem>> -> memref<1x1x50xi32, #tpu.memory_space<vmem>>
      %dma_start3A_445 = tpu.memref_squeeze %dma_start3A_444 : memref<1x1x50xi32, #tpu.memory_space<vmem>> -> memref<50xi32, #tpu.memory_space<vmem>>
      %dma_start3A_446 = arith.constant 0 : i32
      %dma_start3A_447 = arith.constant 0 : i32
      %dma_start3A_448 = tpu.memref_slice %arg2[%dma_start3A_446, %dma_start3A_447] : memref<100000x128xf32, #tpu.memory_space<hbm>> -> memref<100000x128xf32, #tpu.memory_space<hbm>>
      tpu.enqueue_indirect_dma source(%dma_start3A_448 : memref<100000x128xf32, #tpu.memory_space<hbm>>) target(%dma_start3A_442 : memref<50x128xf32, #tpu.memory_space<vmem>>) offsets(%dma_start3A_445 : memref<50xi32, #tpu.memory_space<vmem>>) semaphore(%arg8 : memref<!tpu.dma_semaphore, #tpu.memory_space<semaphore_mem>>)
      %dma_start3A_449 = arith.constant 0 : i32
      %dma_start3A_450 = arith.constant 5 : i32
      %dma_start3A_451 = arith.constant 0 : i32
      %dma_start3A_452 = arith.constant 250 : i32
      %dma_start3A_453 = arith.constant 0 : i32
      %dma_start3A_454 = tpu.memref_slice %arg6[%dma_start3A_451, %dma_start3A_452, %dma_start3A_453] : memref<2x400x128xf32, #tpu.memory_space<vmem>> -> memref<1x50x128xf32, #tpu.memory_space<vmem>>
      %dma_start3A_455 = tpu.memref_squeeze %dma_start3A_454 : memref<1x50x128xf32, #tpu.memory_space<vmem>> -> memref<50x128xf32, #tpu.memory_space<vmem>>
      %dma_start3A_456 = arith.constant 0 : i32
      %dma_start3A_457 = tpu.memref_slice %arg5[%dma_start3A_449, %dma_start3A_450, %dma_start3A_456] : memref<2x8x50xi32, #tpu.memory_space<vmem>> -> memref<1x1x50xi32, #tpu.memory_space<vmem>>
      %dma_start3A_458 = tpu.memref_squeeze %dma_start3A_457 : memref<1x1x50xi32, #tpu.memory_space<vmem>> -> memref<50xi32, #tpu.memory_space<vmem>>
      %dma_start3A_459 = arith.constant 0 : i32
      %dma_start3A_460 = arith.constant 0 : i32
      %dma_start3A_461 = tpu.memref_slice %arg2[%dma_start3A_459, %dma_start3A_460] : memref<100000x128xf32, #tpu.memory_space<hbm>> -> memref<100000x128xf32, #tpu.memory_space<hbm>>
      tpu.enqueue_indirect_dma source(%dma_start3A_461 : memref<100000x128xf32, #tpu.memory_space<hbm>>) target(%dma_start3A_455 : memref<50x128xf32, #tpu.memory_space<vmem>>) offsets(%dma_start3A_458 : memref<50xi32, #tpu.memory_space<vmem>>) semaphore(%arg8 : memref<!tpu.dma_semaphore, #tpu.memory_space<semaphore_mem>>)
      %dma_start3A_462 = arith.constant 0 : i32
      %dma_start3A_463 = arith.constant 6 : i32
      %dma_start3A_464 = arith.constant 0 : i32
      %dma_start3A_465 = arith.constant 300 : i32
      %dma_start3A_466 = arith.constant 0 : i32
      %dma_start3A_467 = tpu.memref_slice %arg6[%dma_start3A_464, %dma_start3A_465, %dma_start3A_466] : memref<2x400x128xf32, #tpu.memory_space<vmem>> -> memref<1x50x128xf32, #tpu.memory_space<vmem>>
      %dma_start3A_468 = tpu.memref_squeeze %dma_start3A_467 : memref<1x50x128xf32, #tpu.memory_space<vmem>> -> memref<50x128xf32, #tpu.memory_space<vmem>>
      %dma_start3A_469 = arith.constant 0 : i32
      %dma_start3A_470 = tpu.memref_slice %arg5[%dma_start3A_462, %dma_start3A_463, %dma_start3A_469] : memref<2x8x50xi32, #tpu.memory_space<vmem>> -> memref<1x1x50xi32, #tpu.memory_space<vmem>>
      %dma_start3A_471 = tpu.memref_squeeze %dma_start3A_470 : memref<1x1x50xi32, #tpu.memory_space<vmem>> -> memref<50xi32, #tpu.memory_space<vmem>>
      %dma_start3A_472 = arith.constant 0 : i32
      %dma_start3A_473 = arith.constant 0 : i32
      %dma_start3A_474 = tpu.memref_slice %arg2[%dma_start3A_472, %dma_start3A_473] : memref<100000x128xf32, #tpu.memory_space<hbm>> -> memref<100000x128xf32, #tpu.memory_space<hbm>>
      tpu.enqueue_indirect_dma source(%dma_start3A_474 : memref<100000x128xf32, #tpu.memory_space<hbm>>) target(%dma_start3A_468 : memref<50x128xf32, #tpu.memory_space<vmem>>) offsets(%dma_start3A_471 : memref<50xi32, #tpu.memory_space<vmem>>) semaphore(%arg8 : memref<!tpu.dma_semaphore, #tpu.memory_space<semaphore_mem>>)
      %dma_start3A_475 = arith.constant 0 : i32
      %dma_start3A_476 = arith.constant 7 : i32
      %dma_start3A_477 = arith.constant 0 : i32
      %dma_start3A_478 = arith.constant 350 : i32
      %dma_start3A_479 = arith.constant 0 : i32
      %dma_start3A_480 = tpu.memref_slice %arg6[%dma_start3A_477, %dma_start3A_478, %dma_start3A_479] : memref<2x400x128xf32, #tpu.memory_space<vmem>> -> memref<1x50x128xf32, #tpu.memory_space<vmem>>
      %dma_start3A_481 = tpu.memref_squeeze %dma_start3A_480 : memref<1x50x128xf32, #tpu.memory_space<vmem>> -> memref<50x128xf32, #tpu.memory_space<vmem>>
      %dma_start3A_482 = arith.constant 0 : i32
      %dma_start3A_483 = tpu.memref_slice %arg5[%dma_start3A_475, %dma_start3A_476, %dma_start3A_482] : memref<2x8x50xi32, #tpu.memory_space<vmem>> -> memref<1x1x50xi32, #tpu.memory_space<vmem>>
      %dma_start3A_484 = tpu.memref_squeeze %dma_start3A_483 : memref<1x1x50xi32, #tpu.memory_space<vmem>> -> memref<50xi32, #tpu.memory_space<vmem>>
      %dma_start3A_485 = arith.constant 0 : i32
      %dma_start3A_486 = arith.constant 0 : i32
      %dma_start3A_487 = tpu.memref_slice %arg2[%dma_start3A_485, %dma_start3A_486] : memref<100000x128xf32, #tpu.memory_space<hbm>> -> memref<100000x128xf32, #tpu.memory_space<hbm>>
      tpu.enqueue_indirect_dma source(%dma_start3A_487 : memref<100000x128xf32, #tpu.memory_space<hbm>>) target(%dma_start3A_481 : memref<50x128xf32, #tpu.memory_space<vmem>>) offsets(%dma_start3A_484 : memref<50xi32, #tpu.memory_space<vmem>>) semaphore(%arg8 : memref<!tpu.dma_semaphore, #tpu.memory_space<semaphore_mem>>)
      %dma_wait3A_488 = arith.constant 0 : i32
      %dma_wait3A_489 = arith.constant 0 : i32
      %dma_wait3A_490 = arith.constant 0 : i32
      %dma_wait3A_491 = arith.constant 0 : i32
      %dma_wait3A_492 = arith.constant 0 : i32
      %dma_wait3A_493 = tpu.memref_slice %arg6[%dma_wait3A_490, %dma_wait3A_491, %dma_wait3A_492] : memref<2x400x128xf32, #tpu.memory_space<vmem>> -> memref<1x50x128xf32, #tpu.memory_space<vmem>>
      %dma_wait3A_494 = tpu.memref_squeeze %dma_wait3A_493 : memref<1x50x128xf32, #tpu.memory_space<vmem>> -> memref<50x128xf32, #tpu.memory_space<vmem>>
      %dma_wait3A_495 = arith.constant 0 : i32
      %dma_wait3A_496 = tpu.memref_slice %arg5[%dma_wait3A_488, %dma_wait3A_489, %dma_wait3A_495] : memref<2x8x50xi32, #tpu.memory_space<vmem>> -> memref<1x1x50xi32, #tpu.memory_space<vmem>>
      %dma_wait3A_497 = tpu.memref_squeeze %dma_wait3A_496 : memref<1x1x50xi32, #tpu.memory_space<vmem>> -> memref<50xi32, #tpu.memory_space<vmem>>
      %dma_wait3A_498 = arith.constant 0 : i32
      %dma_wait3A_499 = arith.constant 0 : i32
      %dma_wait3A_500 = tpu.memref_slice %arg2[%dma_wait3A_498, %dma_wait3A_499] : memref<100000x128xf32, #tpu.memory_space<hbm>> -> memref<100000x128xf32, #tpu.memory_space<hbm>>
      tpu.wait_indirect_dma semaphore(%arg8 : memref<!tpu.dma_semaphore, #tpu.memory_space<semaphore_mem>>) src(%dma_wait3A_500 : memref<100000x128xf32, #tpu.memory_space<hbm>>) dst(%dma_wait3A_494 : memref<50x128xf32, #tpu.memory_space<vmem>>)
      %dma_wait3A_501 = arith.constant 0 : i32
      %dma_wait3A_502 = arith.constant 1 : i32
      %dma_wait3A_503 = arith.constant 0 : i32
      %dma_wait3A_504 = arith.constant 50 : i32
      %dma_wait3A_505 = arith.constant 0 : i32
      %dma_wait3A_506 = tpu.memref_slice %arg6[%dma_wait3A_503, %dma_wait3A_504, %dma_wait3A_505] : memref<2x400x128xf32, #tpu.memory_space<vmem>> -> memref<1x50x128xf32, #tpu.memory_space<vmem>>
      %dma_wait3A_507 = tpu.memref_squeeze %dma_wait3A_506 : memref<1x50x128xf32, #tpu.memory_space<vmem>> -> memref<50x128xf32, #tpu.memory_space<vmem>>
      %dma_wait3A_508 = arith.constant 0 : i32
      %dma_wait3A_509 = tpu.memref_slice %arg5[%dma_wait3A_501, %dma_wait3A_502, %dma_wait3A_508] : memref<2x8x50xi32, #tpu.memory_space<vmem>> -> memref<1x1x50xi32, #tpu.memory_space<vmem>>
      %dma_wait3A_510 = tpu.memref_squeeze %dma_wait3A_509 : memref<1x1x50xi32, #tpu.memory_space<vmem>> -> memref<50xi32, #tpu.memory_space<vmem>>
      %dma_wait3A_511 = arith.constant 0 : i32
      %dma_wait3A_512 = arith.constant 0 : i32
      %dma_wait3A_513 = tpu.memref_slice %arg2[%dma_wait3A_511, %dma_wait3A_512] : memref<100000x128xf32, #tpu.memory_space<hbm>> -> memref<100000x128xf32, #tpu.memory_space<hbm>>
      tpu.wait_indirect_dma semaphore(%arg8 : memref<!tpu.dma_semaphore, #tpu.memory_space<semaphore_mem>>) src(%dma_wait3A_513 : memref<100000x128xf32, #tpu.memory_space<hbm>>) dst(%dma_wait3A_507 : memref<50x128xf32, #tpu.memory_space<vmem>>)
      %dma_wait3A_514 = arith.constant 0 : i32
      %dma_wait3A_515 = arith.constant 2 : i32
      %dma_wait3A_516 = arith.constant 0 : i32
      %dma_wait3A_517 = arith.constant 100 : i32
      %dma_wait3A_518 = arith.constant 0 : i32
      %dma_wait3A_519 = tpu.memref_slice %arg6[%dma_wait3A_516, %dma_wait3A_517, %dma_wait3A_518] : memref<2x400x128xf32, #tpu.memory_space<vmem>> -> memref<1x50x128xf32, #tpu.memory_space<vmem>>
      %dma_wait3A_520 = tpu.memref_squeeze %dma_wait3A_519 : memref<1x50x128xf32, #tpu.memory_space<vmem>> -> memref<50x128xf32, #tpu.memory_space<vmem>>
      %dma_wait3A_521 = arith.constant 0 : i32
      %dma_wait3A_522 = tpu.memref_slice %arg5[%dma_wait3A_514, %dma_wait3A_515, %dma_wait3A_521] : memref<2x8x50xi32, #tpu.memory_space<vmem>> -> memref<1x1x50xi32, #tpu.memory_space<vmem>>
      %dma_wait3A_523 = tpu.memref_squeeze %dma_wait3A_522 : memref<1x1x50xi32, #tpu.memory_space<vmem>> -> memref<50xi32, #tpu.memory_space<vmem>>
      %dma_wait3A_524 = arith.constant 0 : i32
      %dma_wait3A_525 = arith.constant 0 : i32
      %dma_wait3A_526 = tpu.memref_slice %arg2[%dma_wait3A_524, %dma_wait3A_525] : memref<100000x128xf32, #tpu.memory_space<hbm>> -> memref<100000x128xf32, #tpu.memory_space<hbm>>
      tpu.wait_indirect_dma semaphore(%arg8 : memref<!tpu.dma_semaphore, #tpu.memory_space<semaphore_mem>>) src(%dma_wait3A_526 : memref<100000x128xf32, #tpu.memory_space<hbm>>) dst(%dma_wait3A_520 : memref<50x128xf32, #tpu.memory_space<vmem>>)
      %dma_wait3A_527 = arith.constant 0 : i32
      %dma_wait3A_528 = arith.constant 3 : i32
      %dma_wait3A_529 = arith.constant 0 : i32
      %dma_wait3A_530 = arith.constant 150 : i32
      %dma_wait3A_531 = arith.constant 0 : i32
      %dma_wait3A_532 = tpu.memref_slice %arg6[%dma_wait3A_529, %dma_wait3A_530, %dma_wait3A_531] : memref<2x400x128xf32, #tpu.memory_space<vmem>> -> memref<1x50x128xf32, #tpu.memory_space<vmem>>
      %dma_wait3A_533 = tpu.memref_squeeze %dma_wait3A_532 : memref<1x50x128xf32, #tpu.memory_space<vmem>> -> memref<50x128xf32, #tpu.memory_space<vmem>>
      %dma_wait3A_534 = arith.constant 0 : i32
      %dma_wait3A_535 = tpu.memref_slice %arg5[%dma_wait3A_527, %dma_wait3A_528, %dma_wait3A_534] : memref<2x8x50xi32, #tpu.memory_space<vmem>> -> memref<1x1x50xi32, #tpu.memory_space<vmem>>
      %dma_wait3A_536 = tpu.memref_squeeze %dma_wait3A_535 : memref<1x1x50xi32, #tpu.memory_space<vmem>> -> memref<50xi32, #tpu.memory_space<vmem>>
      %dma_wait3A_537 = arith.constant 0 : i32
      %dma_wait3A_538 = arith.constant 0 : i32
      %dma_wait3A_539 = tpu.memref_slice %arg2[%dma_wait3A_537, %dma_wait3A_538] : memref<100000x128xf32, #tpu.memory_space<hbm>> -> memref<100000x128xf32, #tpu.memory_space<hbm>>
      tpu.wait_indirect_dma semaphore(%arg8 : memref<!tpu.dma_semaphore, #tpu.memory_space<semaphore_mem>>) src(%dma_wait3A_539 : memref<100000x128xf32, #tpu.memory_space<hbm>>) dst(%dma_wait3A_533 : memref<50x128xf32, #tpu.memory_space<vmem>>)
      %dma_wait3A_540 = arith.constant 0 : i32
      %dma_wait3A_541 = arith.constant 4 : i32
      %dma_wait3A_542 = arith.constant 0 : i32
      %dma_wait3A_543 = arith.constant 200 : i32
      %dma_wait3A_544 = arith.constant 0 : i32
      %dma_wait3A_545 = tpu.memref_slice %arg6[%dma_wait3A_542, %dma_wait3A_543, %dma_wait3A_544] : memref<2x400x128xf32, #tpu.memory_space<vmem>> -> memref<1x50x128xf32, #tpu.memory_space<vmem>>
      %dma_wait3A_546 = tpu.memref_squeeze %dma_wait3A_545 : memref<1x50x128xf32, #tpu.memory_space<vmem>> -> memref<50x128xf32, #tpu.memory_space<vmem>>
      %dma_wait3A_547 = arith.constant 0 : i32
      %dma_wait3A_548 = tpu.memref_slice %arg5[%dma_wait3A_540, %dma_wait3A_541, %dma_wait3A_547] : memref<2x8x50xi32, #tpu.memory_space<vmem>> -> memref<1x1x50xi32, #tpu.memory_space<vmem>>
      %dma_wait3A_549 = tpu.memref_squeeze %dma_wait3A_548 : memref<1x1x50xi32, #tpu.memory_space<vmem>> -> memref<50xi32, #tpu.memory_space<vmem>>
      %dma_wait3A_550 = arith.constant 0 : i32
      %dma_wait3A_551 = arith.constant 0 : i32
      %dma_wait3A_552 = tpu.memref_slice %arg2[%dma_wait3A_550, %dma_wait3A_551] : memref<100000x128xf32, #tpu.memory_space<hbm>> -> memref<100000x128xf32, #tpu.memory_space<hbm>>
      tpu.wait_indirect_dma semaphore(%arg8 : memref<!tpu.dma_semaphore, #tpu.memory_space<semaphore_mem>>) src(%dma_wait3A_552 : memref<100000x128xf32, #tpu.memory_space<hbm>>) dst(%dma_wait3A_546 : memref<50x128xf32, #tpu.memory_space<vmem>>)
      %dma_wait3A_553 = arith.constant 0 : i32
      %dma_wait3A_554 = arith.constant 5 : i32
      %dma_wait3A_555 = arith.constant 0 : i32
      %dma_wait3A_556 = arith.constant 250 : i32
      %dma_wait3A_557 = arith.constant 0 : i32
      %dma_wait3A_558 = tpu.memref_slice %arg6[%dma_wait3A_555, %dma_wait3A_556, %dma_wait3A_557] : memref<2x400x128xf32, #tpu.memory_space<vmem>> -> memref<1x50x128xf32, #tpu.memory_space<vmem>>
      %dma_wait3A_559 = tpu.memref_squeeze %dma_wait3A_558 : memref<1x50x128xf32, #tpu.memory_space<vmem>> -> memref<50x128xf32, #tpu.memory_space<vmem>>
      %dma_wait3A_560 = arith.constant 0 : i32
      %dma_wait3A_561 = tpu.memref_slice %arg5[%dma_wait3A_553, %dma_wait3A_554, %dma_wait3A_560] : memref<2x8x50xi32, #tpu.memory_space<vmem>> -> memref<1x1x50xi32, #tpu.memory_space<vmem>>
      %dma_wait3A_562 = tpu.memref_squeeze %dma_wait3A_561 : memref<1x1x50xi32, #tpu.memory_space<vmem>> -> memref<50xi32, #tpu.memory_space<vmem>>
      %dma_wait3A_563 = arith.constant 0 : i32
      %dma_wait3A_564 = arith.constant 0 : i32
      %dma_wait3A_565 = tpu.memref_slice %arg2[%dma_wait3A_563, %dma_wait3A_564] : memref<100000x128xf32, #tpu.memory_space<hbm>> -> memref<100000x128xf32, #tpu.memory_space<hbm>>
      tpu.wait_indirect_dma semaphore(%arg8 : memref<!tpu.dma_semaphore, #tpu.memory_space<semaphore_mem>>) src(%dma_wait3A_565 : memref<100000x128xf32, #tpu.memory_space<hbm>>) dst(%dma_wait3A_559 : memref<50x128xf32, #tpu.memory_space<vmem>>)
      %dma_wait3A_566 = arith.constant 0 : i32
      %dma_wait3A_567 = arith.constant 6 : i32
      %dma_wait3A_568 = arith.constant 0 : i32
      %dma_wait3A_569 = arith.constant 300 : i32
      %dma_wait3A_570 = arith.constant 0 : i32
      %dma_wait3A_571 = tpu.memref_slice %arg6[%dma_wait3A_568, %dma_wait3A_569, %dma_wait3A_570] : memref<2x400x128xf32, #tpu.memory_space<vmem>> -> memref<1x50x128xf32, #tpu.memory_space<vmem>>
      %dma_wait3A_572 = tpu.memref_squeeze %dma_wait3A_571 : memref<1x50x128xf32, #tpu.memory_space<vmem>> -> memref<50x128xf32, #tpu.memory_space<vmem>>
      %dma_wait3A_573 = arith.constant 0 : i32
      %dma_wait3A_574 = tpu.memref_slice %arg5[%dma_wait3A_566, %dma_wait3A_567, %dma_wait3A_573] : memref<2x8x50xi32, #tpu.memory_space<vmem>> -> memref<1x1x50xi32, #tpu.memory_space<vmem>>
      %dma_wait3A_575 = tpu.memref_squeeze %dma_wait3A_574 : memref<1x1x50xi32, #tpu.memory_space<vmem>> -> memref<50xi32, #tpu.memory_space<vmem>>
      %dma_wait3A_576 = arith.constant 0 : i32
      %dma_wait3A_577 = arith.constant 0 : i32
      %dma_wait3A_578 = tpu.memref_slice %arg2[%dma_wait3A_576, %dma_wait3A_577] : memref<100000x128xf32, #tpu.memory_space<hbm>> -> memref<100000x128xf32, #tpu.memory_space<hbm>>
      tpu.wait_indirect_dma semaphore(%arg8 : memref<!tpu.dma_semaphore, #tpu.memory_space<semaphore_mem>>) src(%dma_wait3A_578 : memref<100000x128xf32, #tpu.memory_space<hbm>>) dst(%dma_wait3A_572 : memref<50x128xf32, #tpu.memory_space<vmem>>)
      %dma_wait3A_579 = arith.constant 0 : i32
      %dma_wait3A_580 = arith.constant 7 : i32
      %dma_wait3A_581 = arith.constant 0 : i32
      %dma_wait3A_582 = arith.constant 350 : i32
      %dma_wait3A_583 = arith.constant 0 : i32
      %dma_wait3A_584 = tpu.memref_slice %arg6[%dma_wait3A_581, %dma_wait3A_582, %dma_wait3A_583] : memref<2x400x128xf32, #tpu.memory_space<vmem>> -> memref<1x50x128xf32, #tpu.memory_space<vmem>>
      %dma_wait3A_585 = tpu.memref_squeeze %dma_wait3A_584 : memref<1x50x128xf32, #tpu.memory_space<vmem>> -> memref<50x128xf32, #tpu.memory_space<vmem>>
      %dma_wait3A_586 = arith.constant 0 : i32
      %dma_wait3A_587 = tpu.memref_slice %arg5[%dma_wait3A_579, %dma_wait3A_580, %dma_wait3A_586] : memref<2x8x50xi32, #tpu.memory_space<vmem>> -> memref<1x1x50xi32, #tpu.memory_space<vmem>>
      %dma_wait3A_588 = tpu.memref_squeeze %dma_wait3A_587 : memref<1x1x50xi32, #tpu.memory_space<vmem>> -> memref<50xi32, #tpu.memory_space<vmem>>
      %dma_wait3A_589 = arith.constant 0 : i32
      %dma_wait3A_590 = arith.constant 0 : i32
      %dma_wait3A_591 = tpu.memref_slice %arg2[%dma_wait3A_589, %dma_wait3A_590] : memref<100000x128xf32, #tpu.memory_space<hbm>> -> memref<100000x128xf32, #tpu.memory_space<hbm>>
      tpu.wait_indirect_dma semaphore(%arg8 : memref<!tpu.dma_semaphore, #tpu.memory_space<semaphore_mem>>) src(%dma_wait3A_591 : memref<100000x128xf32, #tpu.memory_space<hbm>>) dst(%dma_wait3A_585 : memref<50x128xf32, #tpu.memory_space<vmem>>)
      %add3A_592 = arith.constant 0 : i32
      %add3A_593 = arith.addi %add3A_362, %add3A_592 : i32
      %dma_start3A_594 = arith.constant 0 : i32
      %dma_start3A_595 = arith.constant 0 : i32
      %dma_start3A_596 = arith.constant 0 : i32
      %dma_start3A_597 = tpu.memref_slice %arg6[%dma_start3A_594, %dma_start3A_595, %dma_start3A_596] : memref<2x400x128xf32, #tpu.memory_space<vmem>> -> memref<1x50x128xf32, #tpu.memory_space<vmem>>
      %dma_start3A_598 = tpu.memref_squeeze %dma_start3A_597 : memref<1x50x128xf32, #tpu.memory_space<vmem>> -> memref<50x128xf32, #tpu.memory_space<vmem>>
      %dma_start3A_599 = arith.constant 0 : i32
      %dma_start3A_600 = arith.constant 0 : i32
      %dma_start3A_601 = tpu.memref_slice %arg4[%add3A_593, %dma_start3A_599, %dma_start3A_600] : memref<4096x50x128xf32, #tpu.memory_space<hbm>> -> memref<1x50x128xf32, #tpu.memory_space<hbm>>
      %dma_start3A_602 = tpu.memref_squeeze %dma_start3A_601 : memref<1x50x128xf32, #tpu.memory_space<hbm>> -> memref<50x128xf32, #tpu.memory_space<hbm>>
      %dma_start3A_603 = arith.constant 0 : i32
      %dma_start3A_604 = arith.constant 0 : i32
      %dma_start3A_605 = tpu.memref_slice %arg4[%add3A_593, %dma_start3A_603, %dma_start3A_604] : memref<4096x50x128xf32, #tpu.memory_space<hbm>> -> memref<1x50x128xf32, #tpu.memory_space<hbm>>
      %dma_start3A_606 = tpu.memref_squeeze %dma_start3A_605 : memref<1x50x128xf32, #tpu.memory_space<hbm>> -> memref<50x128xf32, #tpu.memory_space<hbm>>
      %dma_start3A_607 = arith.constant 0 : i32
      %dma_start3A_608 = arith.constant 0 : i32
      %dma_start3A_609 = tpu.memref_slice %arg6[%dma_start3A_594, %dma_start3A_607, %dma_start3A_608] : memref<2x400x128xf32, #tpu.memory_space<vmem>> -> memref<1x50x128xf32, #tpu.memory_space<vmem>>
      %dma_start3A_610 = tpu.memref_squeeze %dma_start3A_609 : memref<1x50x128xf32, #tpu.memory_space<vmem>> -> memref<50x128xf32, #tpu.memory_space<vmem>>
      tpu.enqueue_dma source(%dma_start3A_610 : memref<50x128xf32, #tpu.memory_space<vmem>>) target(%dma_start3A_606 : memref<50x128xf32, #tpu.memory_space<hbm>>) target_semaphore(%arg9 : memref<!tpu.dma_semaphore, #tpu.memory_space<semaphore_mem>>)
      %add3A_611 = arith.constant 1 : i32
      %add3A_612 = arith.addi %add3A_362, %add3A_611 : i32
      %dma_start3A_613 = arith.constant 0 : i32
      %dma_start3A_614 = arith.constant 50 : i32
      %dma_start3A_615 = arith.constant 0 : i32
      %dma_start3A_616 = tpu.memref_slice %arg6[%dma_start3A_613, %dma_start3A_614, %dma_start3A_615] : memref<2x400x128xf32, #tpu.memory_space<vmem>> -> memref<1x50x128xf32, #tpu.memory_space<vmem>>
      %dma_start3A_617 = tpu.memref_squeeze %dma_start3A_616 : memref<1x50x128xf32, #tpu.memory_space<vmem>> -> memref<50x128xf32, #tpu.memory_space<vmem>>
      %dma_start3A_618 = arith.constant 0 : i32
      %dma_start3A_619 = arith.constant 0 : i32
      %dma_start3A_620 = tpu.memref_slice %arg4[%add3A_612, %dma_start3A_618, %dma_start3A_619] : memref<4096x50x128xf32, #tpu.memory_space<hbm>> -> memref<1x50x128xf32, #tpu.memory_space<hbm>>
      %dma_start3A_621 = tpu.memref_squeeze %dma_start3A_620 : memref<1x50x128xf32, #tpu.memory_space<hbm>> -> memref<50x128xf32, #tpu.memory_space<hbm>>
      %dma_start3A_622 = arith.constant 0 : i32
      %dma_start3A_623 = arith.constant 0 : i32
      %dma_start3A_624 = tpu.memref_slice %arg4[%add3A_612, %dma_start3A_622, %dma_start3A_623] : memref<4096x50x128xf32, #tpu.memory_space<hbm>> -> memref<1x50x128xf32, #tpu.memory_space<hbm>>
      %dma_start3A_625 = tpu.memref_squeeze %dma_start3A_624 : memref<1x50x128xf32, #tpu.memory_space<hbm>> -> memref<50x128xf32, #tpu.memory_space<hbm>>
      %dma_start3A_626 = arith.constant 50 : i32
      %dma_start3A_627 = arith.constant 0 : i32
      %dma_start3A_628 = tpu.memref_slice %arg6[%dma_start3A_613, %dma_start3A_626, %dma_start3A_627] : memref<2x400x128xf32, #tpu.memory_space<vmem>> -> memref<1x50x128xf32, #tpu.memory_space<vmem>>
      %dma_start3A_629 = tpu.memref_squeeze %dma_start3A_628 : memref<1x50x128xf32, #tpu.memory_space<vmem>> -> memref<50x128xf32, #tpu.memory_space<vmem>>
      tpu.enqueue_dma source(%dma_start3A_629 : memref<50x128xf32, #tpu.memory_space<vmem>>) target(%dma_start3A_625 : memref<50x128xf32, #tpu.memory_space<hbm>>) target_semaphore(%arg9 : memref<!tpu.dma_semaphore, #tpu.memory_space<semaphore_mem>>)
      %add3A_630 = arith.constant 2 : i32
      %add3A_631 = arith.addi %add3A_362, %add3A_630 : i32
      %dma_start3A_632 = arith.constant 0 : i32
      %dma_start3A_633 = arith.constant 100 : i32
      %dma_start3A_634 = arith.constant 0 : i32
      %dma_start3A_635 = tpu.memref_slice %arg6[%dma_start3A_632, %dma_start3A_633, %dma_start3A_634] : memref<2x400x128xf32, #tpu.memory_space<vmem>> -> memref<1x50x128xf32, #tpu.memory_space<vmem>>
      %dma_start3A_636 = tpu.memref_squeeze %dma_start3A_635 : memref<1x50x128xf32, #tpu.memory_space<vmem>> -> memref<50x128xf32, #tpu.memory_space<vmem>>
      %dma_start3A_637 = arith.constant 0 : i32
      %dma_start3A_638 = arith.constant 0 : i32
      %dma_start3A_639 = tpu.memref_slice %arg4[%add3A_631, %dma_start3A_637, %dma_start3A_638] : memref<4096x50x128xf32, #tpu.memory_space<hbm>> -> memref<1x50x128xf32, #tpu.memory_space<hbm>>
      %dma_start3A_640 = tpu.memref_squeeze %dma_start3A_639 : memref<1x50x128xf32, #tpu.memory_space<hbm>> -> memref<50x128xf32, #tpu.memory_space<hbm>>
      %dma_start3A_641 = arith.constant 0 : i32
      %dma_start3A_642 = arith.constant 0 : i32
      %dma_start3A_643 = tpu.memref_slice %arg4[%add3A_631, %dma_start3A_641, %dma_start3A_642] : memref<4096x50x128xf32, #tpu.memory_space<hbm>> -> memref<1x50x128xf32, #tpu.memory_space<hbm>>
      %dma_start3A_644 = tpu.memref_squeeze %dma_start3A_643 : memref<1x50x128xf32, #tpu.memory_space<hbm>> -> memref<50x128xf32, #tpu.memory_space<hbm>>
      %dma_start3A_645 = arith.constant 100 : i32
      %dma_start3A_646 = arith.constant 0 : i32
      %dma_start3A_647 = tpu.memref_slice %arg6[%dma_start3A_632, %dma_start3A_645, %dma_start3A_646] : memref<2x400x128xf32, #tpu.memory_space<vmem>> -> memref<1x50x128xf32, #tpu.memory_space<vmem>>
      %dma_start3A_648 = tpu.memref_squeeze %dma_start3A_647 : memref<1x50x128xf32, #tpu.memory_space<vmem>> -> memref<50x128xf32, #tpu.memory_space<vmem>>
      tpu.enqueue_dma source(%dma_start3A_648 : memref<50x128xf32, #tpu.memory_space<vmem>>) target(%dma_start3A_644 : memref<50x128xf32, #tpu.memory_space<hbm>>) target_semaphore(%arg9 : memref<!tpu.dma_semaphore, #tpu.memory_space<semaphore_mem>>)
      %add3A_649 = arith.constant 3 : i32
      %add3A_650 = arith.addi %add3A_362, %add3A_649 : i32
      %dma_start3A_651 = arith.constant 0 : i32
      %dma_start3A_652 = arith.constant 150 : i32
      %dma_start3A_653 = arith.constant 0 : i32
      %dma_start3A_654 = tpu.memref_slice %arg6[%dma_start3A_651, %dma_start3A_652, %dma_start3A_653] : memref<2x400x128xf32, #tpu.memory_space<vmem>> -> memref<1x50x128xf32, #tpu.memory_space<vmem>>
      %dma_start3A_655 = tpu.memref_squeeze %dma_start3A_654 : memref<1x50x128xf32, #tpu.memory_space<vmem>> -> memref<50x128xf32, #tpu.memory_space<vmem>>
      %dma_start3A_656 = arith.constant 0 : i32
      %dma_start3A_657 = arith.constant 0 : i32
      %dma_start3A_658 = tpu.memref_slice %arg4[%add3A_650, %dma_start3A_656, %dma_start3A_657] : memref<4096x50x128xf32, #tpu.memory_space<hbm>> -> memref<1x50x128xf32, #tpu.memory_space<hbm>>
      %dma_start3A_659 = tpu.memref_squeeze %dma_start3A_658 : memref<1x50x128xf32, #tpu.memory_space<hbm>> -> memref<50x128xf32, #tpu.memory_space<hbm>>
      %dma_start3A_660 = arith.constant 0 : i32
      %dma_start3A_661 = arith.constant 0 : i32
      %dma_start3A_662 = tpu.memref_slice %arg4[%add3A_650, %dma_start3A_660, %dma_start3A_661] : memref<4096x50x128xf32, #tpu.memory_space<hbm>> -> memref<1x50x128xf32, #tpu.memory_space<hbm>>
      %dma_start3A_663 = tpu.memref_squeeze %dma_start3A_662 : memref<1x50x128xf32, #tpu.memory_space<hbm>> -> memref<50x128xf32, #tpu.memory_space<hbm>>
      %dma_start3A_664 = arith.constant 150 : i32
      %dma_start3A_665 = arith.constant 0 : i32
      %dma_start3A_666 = tpu.memref_slice %arg6[%dma_start3A_651, %dma_start3A_664, %dma_start3A_665] : memref<2x400x128xf32, #tpu.memory_space<vmem>> -> memref<1x50x128xf32, #tpu.memory_space<vmem>>
      %dma_start3A_667 = tpu.memref_squeeze %dma_start3A_666 : memref<1x50x128xf32, #tpu.memory_space<vmem>> -> memref<50x128xf32, #tpu.memory_space<vmem>>
      tpu.enqueue_dma source(%dma_start3A_667 : memref<50x128xf32, #tpu.memory_space<vmem>>) target(%dma_start3A_663 : memref<50x128xf32, #tpu.memory_space<hbm>>) target_semaphore(%arg9 : memref<!tpu.dma_semaphore, #tpu.memory_space<semaphore_mem>>)
      %add3A_668 = arith.constant 4 : i32
      %add3A_669 = arith.addi %add3A_362, %add3A_668 : i32
      %dma_start3A_670 = arith.constant 0 : i32
      %dma_start3A_671 = arith.constant 200 : i32
      %dma_start3A_672 = arith.constant 0 : i32
      %dma_start3A_673 = tpu.memref_slice %arg6[%dma_start3A_670, %dma_start3A_671, %dma_start3A_672] : memref<2x400x128xf32, #tpu.memory_space<vmem>> -> memref<1x50x128xf32, #tpu.memory_space<vmem>>
      %dma_start3A_674 = tpu.memref_squeeze %dma_start3A_673 : memref<1x50x128xf32, #tpu.memory_space<vmem>> -> memref<50x128xf32, #tpu.memory_space<vmem>>
      %dma_start3A_675 = arith.constant 0 : i32
      %dma_start3A_676 = arith.constant 0 : i32
      %dma_start3A_677 = tpu.memref_slice %arg4[%add3A_669, %dma_start3A_675, %dma_start3A_676] : memref<4096x50x128xf32, #tpu.memory_space<hbm>> -> memref<1x50x128xf32, #tpu.memory_space<hbm>>
      %dma_start3A_678 = tpu.memref_squeeze %dma_start3A_677 : memref<1x50x128xf32, #tpu.memory_space<hbm>> -> memref<50x128xf32, #tpu.memory_space<hbm>>
      %dma_start3A_679 = arith.constant 0 : i32
      %dma_start3A_680 = arith.constant 0 : i32
      %dma_start3A_681 = tpu.memref_slice %arg4[%add3A_669, %dma_start3A_679, %dma_start3A_680] : memref<4096x50x128xf32, #tpu.memory_space<hbm>> -> memref<1x50x128xf32, #tpu.memory_space<hbm>>
      %dma_start3A_682 = tpu.memref_squeeze %dma_start3A_681 : memref<1x50x128xf32, #tpu.memory_space<hbm>> -> memref<50x128xf32, #tpu.memory_space<hbm>>
      %dma_start3A_683 = arith.constant 200 : i32
      %dma_start3A_684 = arith.constant 0 : i32
      %dma_start3A_685 = tpu.memref_slice %arg6[%dma_start3A_670, %dma_start3A_683, %dma_start3A_684] : memref<2x400x128xf32, #tpu.memory_space<vmem>> -> memref<1x50x128xf32, #tpu.memory_space<vmem>>
      %dma_start3A_686 = tpu.memref_squeeze %dma_start3A_685 : memref<1x50x128xf32, #tpu.memory_space<vmem>> -> memref<50x128xf32, #tpu.memory_space<vmem>>
      tpu.enqueue_dma source(%dma_start3A_686 : memref<50x128xf32, #tpu.memory_space<vmem>>) target(%dma_start3A_682 : memref<50x128xf32, #tpu.memory_space<hbm>>) target_semaphore(%arg9 : memref<!tpu.dma_semaphore, #tpu.memory_space<semaphore_mem>>)
      %add3A_687 = arith.constant 5 : i32
      %add3A_688 = arith.addi %add3A_362, %add3A_687 : i32
      %dma_start3A_689 = arith.constant 0 : i32
      %dma_start3A_690 = arith.constant 250 : i32
      %dma_start3A_691 = arith.constant 0 : i32
      %dma_start3A_692 = tpu.memref_slice %arg6[%dma_start3A_689, %dma_start3A_690, %dma_start3A_691] : memref<2x400x128xf32, #tpu.memory_space<vmem>> -> memref<1x50x128xf32, #tpu.memory_space<vmem>>
      %dma_start3A_693 = tpu.memref_squeeze %dma_start3A_692 : memref<1x50x128xf32, #tpu.memory_space<vmem>> -> memref<50x128xf32, #tpu.memory_space<vmem>>
      %dma_start3A_694 = arith.constant 0 : i32
      %dma_start3A_695 = arith.constant 0 : i32
      %dma_start3A_696 = tpu.memref_slice %arg4[%add3A_688, %dma_start3A_694, %dma_start3A_695] : memref<4096x50x128xf32, #tpu.memory_space<hbm>> -> memref<1x50x128xf32, #tpu.memory_space<hbm>>
      %dma_start3A_697 = tpu.memref_squeeze %dma_start3A_696 : memref<1x50x128xf32, #tpu.memory_space<hbm>> -> memref<50x128xf32, #tpu.memory_space<hbm>>
      %dma_start3A_698 = arith.constant 0 : i32
      %dma_start3A_699 = arith.constant 0 : i32
      %dma_start3A_700 = tpu.memref_slice %arg4[%add3A_688, %dma_start3A_698, %dma_start3A_699] : memref<4096x50x128xf32, #tpu.memory_space<hbm>> -> memref<1x50x128xf32, #tpu.memory_space<hbm>>
      %dma_start3A_701 = tpu.memref_squeeze %dma_start3A_700 : memref<1x50x128xf32, #tpu.memory_space<hbm>> -> memref<50x128xf32, #tpu.memory_space<hbm>>
      %dma_start3A_702 = arith.constant 250 : i32
      %dma_start3A_703 = arith.constant 0 : i32
      %dma_start3A_704 = tpu.memref_slice %arg6[%dma_start3A_689, %dma_start3A_702, %dma_start3A_703] : memref<2x400x128xf32, #tpu.memory_space<vmem>> -> memref<1x50x128xf32, #tpu.memory_space<vmem>>
      %dma_start3A_705 = tpu.memref_squeeze %dma_start3A_704 : memref<1x50x128xf32, #tpu.memory_space<vmem>> -> memref<50x128xf32, #tpu.memory_space<vmem>>
      tpu.enqueue_dma source(%dma_start3A_705 : memref<50x128xf32, #tpu.memory_space<vmem>>) target(%dma_start3A_701 : memref<50x128xf32, #tpu.memory_space<hbm>>) target_semaphore(%arg9 : memref<!tpu.dma_semaphore, #tpu.memory_space<semaphore_mem>>)
      %add3A_706 = arith.constant 6 : i32
      %add3A_707 = arith.addi %add3A_362, %add3A_706 : i32
      %dma_start3A_708 = arith.constant 0 : i32
      %dma_start3A_709 = arith.constant 300 : i32
      %dma_start3A_710 = arith.constant 0 : i32
      %dma_start3A_711 = tpu.memref_slice %arg6[%dma_start3A_708, %dma_start3A_709, %dma_start3A_710] : memref<2x400x128xf32, #tpu.memory_space<vmem>> -> memref<1x50x128xf32, #tpu.memory_space<vmem>>
      %dma_start3A_712 = tpu.memref_squeeze %dma_start3A_711 : memref<1x50x128xf32, #tpu.memory_space<vmem>> -> memref<50x128xf32, #tpu.memory_space<vmem>>
      %dma_start3A_713 = arith.constant 0 : i32
      %dma_start3A_714 = arith.constant 0 : i32
      %dma_start3A_715 = tpu.memref_slice %arg4[%add3A_707, %dma_start3A_713, %dma_start3A_714] : memref<4096x50x128xf32, #tpu.memory_space<hbm>> -> memref<1x50x128xf32, #tpu.memory_space<hbm>>
      %dma_start3A_716 = tpu.memref_squeeze %dma_start3A_715 : memref<1x50x128xf32, #tpu.memory_space<hbm>> -> memref<50x128xf32, #tpu.memory_space<hbm>>
      %dma_start3A_717 = arith.constant 0 : i32
      %dma_start3A_718 = arith.constant 0 : i32
      %dma_start3A_719 = tpu.memref_slice %arg4[%add3A_707, %dma_start3A_717, %dma_start3A_718] : memref<4096x50x128xf32, #tpu.memory_space<hbm>> -> memref<1x50x128xf32, #tpu.memory_space<hbm>>
      %dma_start3A_720 = tpu.memref_squeeze %dma_start3A_719 : memref<1x50x128xf32, #tpu.memory_space<hbm>> -> memref<50x128xf32, #tpu.memory_space<hbm>>
      %dma_start3A_721 = arith.constant 300 : i32
      %dma_start3A_722 = arith.constant 0 : i32
      %dma_start3A_723 = tpu.memref_slice %arg6[%dma_start3A_708, %dma_start3A_721, %dma_start3A_722] : memref<2x400x128xf32, #tpu.memory_space<vmem>> -> memref<1x50x128xf32, #tpu.memory_space<vmem>>
      %dma_start3A_724 = tpu.memref_squeeze %dma_start3A_723 : memref<1x50x128xf32, #tpu.memory_space<vmem>> -> memref<50x128xf32, #tpu.memory_space<vmem>>
      tpu.enqueue_dma source(%dma_start3A_724 : memref<50x128xf32, #tpu.memory_space<vmem>>) target(%dma_start3A_720 : memref<50x128xf32, #tpu.memory_space<hbm>>) target_semaphore(%arg9 : memref<!tpu.dma_semaphore, #tpu.memory_space<semaphore_mem>>)
      %add3A_725 = arith.constant 7 : i32
      %add3A_726 = arith.addi %add3A_362, %add3A_725 : i32
      %dma_start3A_727 = arith.constant 0 : i32
      %dma_start3A_728 = arith.constant 350 : i32
      %dma_start3A_729 = arith.constant 0 : i32
      %dma_start3A_730 = tpu.memref_slice %arg6[%dma_start3A_727, %dma_start3A_728, %dma_start3A_729] : memref<2x400x128xf32, #tpu.memory_space<vmem>> -> memref<1x50x128xf32, #tpu.memory_space<vmem>>
      %dma_start3A_731 = tpu.memref_squeeze %dma_start3A_730 : memref<1x50x128xf32, #tpu.memory_space<vmem>> -> memref<50x128xf32, #tpu.memory_space<vmem>>
      %dma_start3A_732 = arith.constant 0 : i32
      %dma_start3A_733 = arith.constant 0 : i32
      %dma_start3A_734 = tpu.memref_slice %arg4[%add3A_726, %dma_start3A_732, %dma_start3A_733] : memref<4096x50x128xf32, #tpu.memory_space<hbm>> -> memref<1x50x128xf32, #tpu.memory_space<hbm>>
      %dma_start3A_735 = tpu.memref_squeeze %dma_start3A_734 : memref<1x50x128xf32, #tpu.memory_space<hbm>> -> memref<50x128xf32, #tpu.memory_space<hbm>>
      %dma_start3A_736 = arith.constant 0 : i32
      %dma_start3A_737 = arith.constant 0 : i32
      %dma_start3A_738 = tpu.memref_slice %arg4[%add3A_726, %dma_start3A_736, %dma_start3A_737] : memref<4096x50x128xf32, #tpu.memory_space<hbm>> -> memref<1x50x128xf32, #tpu.memory_space<hbm>>
      %dma_start3A_739 = tpu.memref_squeeze %dma_start3A_738 : memref<1x50x128xf32, #tpu.memory_space<hbm>> -> memref<50x128xf32, #tpu.memory_space<hbm>>
      %dma_start3A_740 = arith.constant 350 : i32
      %dma_start3A_741 = arith.constant 0 : i32
      %dma_start3A_742 = tpu.memref_slice %arg6[%dma_start3A_727, %dma_start3A_740, %dma_start3A_741] : memref<2x400x128xf32, #tpu.memory_space<vmem>> -> memref<1x50x128xf32, #tpu.memory_space<vmem>>
      %dma_start3A_743 = tpu.memref_squeeze %dma_start3A_742 : memref<1x50x128xf32, #tpu.memory_space<vmem>> -> memref<50x128xf32, #tpu.memory_space<vmem>>
      tpu.enqueue_dma source(%dma_start3A_743 : memref<50x128xf32, #tpu.memory_space<vmem>>) target(%dma_start3A_739 : memref<50x128xf32, #tpu.memory_space<hbm>>) target_semaphore(%arg9 : memref<!tpu.dma_semaphore, #tpu.memory_space<semaphore_mem>>)
      %mul3A_744 = arith.constant 2 : i32
      %mul3A_745 = arith.muli %scan3A_355, %mul3A_744 : i32
      %add3A_746 = arith.constant 1 : i32
      %add3A_747 = arith.addi %mul3A_745, %add3A_746 : i32
      %mul3A_748 = arith.constant 8 : i32
      %mul3A_749 = arith.muli %add3A_747, %mul3A_748 : i32
      %add3A_750 = arith.addi %mul3A_2, %mul3A_749 : i32
      %ge3A_751 = arith.constant 2 : i32
      %ge3A_752 = arith.cmpi sge, %add3A_747, %ge3A_751 : i32
      %convert_element_type3A_753 = arith.extui %ge3A_752 : i1 to i32
      %cond3A_754 = arith.constant 0 : i32
      %cond3A_755 = arith.cmpi ne, %convert_element_type3A_753, %cond3A_754 : i32
      scf.if %cond3A_755 {
        %sub3A = arith.constant 16 : i32
        %sub3A_1136 = arith.subi %add3A_750, %sub3A : i32
        %add3A_1137 = arith.constant 0 : i32
        %add3A_1138 = arith.addi %sub3A_1136, %add3A_1137 : i32
        %dma_wait3A_1139 = arith.constant 1 : i32
        %dma_wait3A_1140 = arith.constant 0 : i32
        %dma_wait3A_1141 = arith.constant 0 : i32
        %dma_wait3A_1142 = tpu.memref_slice %arg6[%dma_wait3A_1139, %dma_wait3A_1140, %dma_wait3A_1141] : memref<2x400x128xf32, #tpu.memory_space<vmem>> -> memref<1x50x128xf32, #tpu.memory_space<vmem>>
        %dma_wait3A_1143 = tpu.memref_squeeze %dma_wait3A_1142 : memref<1x50x128xf32, #tpu.memory_space<vmem>> -> memref<50x128xf32, #tpu.memory_space<vmem>>
        %dma_wait3A_1144 = arith.constant 0 : i32
        %dma_wait3A_1145 = arith.constant 0 : i32
        %dma_wait3A_1146 = tpu.memref_slice %arg4[%add3A_1138, %dma_wait3A_1144, %dma_wait3A_1145] : memref<4096x50x128xf32, #tpu.memory_space<hbm>> -> memref<1x50x128xf32, #tpu.memory_space<hbm>>
        %dma_wait3A_1147 = tpu.memref_squeeze %dma_wait3A_1146 : memref<1x50x128xf32, #tpu.memory_space<hbm>> -> memref<50x128xf32, #tpu.memory_space<hbm>>
        %dma_wait3A_1148 = arith.constant 0 : i32
        %dma_wait3A_1149 = arith.constant 0 : i32
        %dma_wait3A_1150 = tpu.memref_slice %arg4[%add3A_1138, %dma_wait3A_1148, %dma_wait3A_1149] : memref<4096x50x128xf32, #tpu.memory_space<hbm>> -> memref<1x50x128xf32, #tpu.memory_space<hbm>>
        %dma_wait3A_1151 = tpu.memref_squeeze %dma_wait3A_1150 : memref<1x50x128xf32, #tpu.memory_space<hbm>> -> memref<50x128xf32, #tpu.memory_space<hbm>>
        %dma_wait3A_1152 = arith.constant 0 : i32
        %dma_wait3A_1153 = arith.constant 0 : i32
        %dma_wait3A_1154 = tpu.memref_slice %arg6[%dma_wait3A_1139, %dma_wait3A_1152, %dma_wait3A_1153] : memref<2x400x128xf32, #tpu.memory_space<vmem>> -> memref<1x50x128xf32, #tpu.memory_space<vmem>>
        %dma_wait3A_1155 = tpu.memref_squeeze %dma_wait3A_1154 : memref<1x50x128xf32, #tpu.memory_space<vmem>> -> memref<50x128xf32, #tpu.memory_space<vmem>>
        tpu.wait_dma2 semaphore(%arg9 : memref<!tpu.dma_semaphore, #tpu.memory_space<semaphore_mem>>) src(%dma_wait3A_1155 : memref<50x128xf32, #tpu.memory_space<vmem>>) dst(%dma_wait3A_1151 : memref<50x128xf32, #tpu.memory_space<hbm>>)
        %sub3A_1156 = arith.constant 16 : i32
        %sub3A_1157 = arith.subi %add3A_750, %sub3A_1156 : i32
        %add3A_1158 = arith.constant 1 : i32
        %add3A_1159 = arith.addi %sub3A_1157, %add3A_1158 : i32
        %dma_wait3A_1160 = arith.constant 1 : i32
        %dma_wait3A_1161 = arith.constant 50 : i32
        %dma_wait3A_1162 = arith.constant 0 : i32
        %dma_wait3A_1163 = tpu.memref_slice %arg6[%dma_wait3A_1160, %dma_wait3A_1161, %dma_wait3A_1162] : memref<2x400x128xf32, #tpu.memory_space<vmem>> -> memref<1x50x128xf32, #tpu.memory_space<vmem>>
        %dma_wait3A_1164 = tpu.memref_squeeze %dma_wait3A_1163 : memref<1x50x128xf32, #tpu.memory_space<vmem>> -> memref<50x128xf32, #tpu.memory_space<vmem>>
        %dma_wait3A_1165 = arith.constant 0 : i32
        %dma_wait3A_1166 = arith.constant 0 : i32
        %dma_wait3A_1167 = tpu.memref_slice %arg4[%add3A_1159, %dma_wait3A_1165, %dma_wait3A_1166] : memref<4096x50x128xf32, #tpu.memory_space<hbm>> -> memref<1x50x128xf32, #tpu.memory_space<hbm>>
        %dma_wait3A_1168 = tpu.memref_squeeze %dma_wait3A_1167 : memref<1x50x128xf32, #tpu.memory_space<hbm>> -> memref<50x128xf32, #tpu.memory_space<hbm>>
        %dma_wait3A_1169 = arith.constant 0 : i32
        %dma_wait3A_1170 = arith.constant 0 : i32
        %dma_wait3A_1171 = tpu.memref_slice %arg4[%add3A_1159, %dma_wait3A_1169, %dma_wait3A_1170] : memref<4096x50x128xf32, #tpu.memory_space<hbm>> -> memref<1x50x128xf32, #tpu.memory_space<hbm>>
        %dma_wait3A_1172 = tpu.memref_squeeze %dma_wait3A_1171 : memref<1x50x128xf32, #tpu.memory_space<hbm>> -> memref<50x128xf32, #tpu.memory_space<hbm>>
        %dma_wait3A_1173 = arith.constant 50 : i32
        %dma_wait3A_1174 = arith.constant 0 : i32
        %dma_wait3A_1175 = tpu.memref_slice %arg6[%dma_wait3A_1160, %dma_wait3A_1173, %dma_wait3A_1174] : memref<2x400x128xf32, #tpu.memory_space<vmem>> -> memref<1x50x128xf32, #tpu.memory_space<vmem>>
        %dma_wait3A_1176 = tpu.memref_squeeze %dma_wait3A_1175 : memref<1x50x128xf32, #tpu.memory_space<vmem>> -> memref<50x128xf32, #tpu.memory_space<vmem>>
        tpu.wait_dma2 semaphore(%arg9 : memref<!tpu.dma_semaphore, #tpu.memory_space<semaphore_mem>>) src(%dma_wait3A_1176 : memref<50x128xf32, #tpu.memory_space<vmem>>) dst(%dma_wait3A_1172 : memref<50x128xf32, #tpu.memory_space<hbm>>)
        %sub3A_1177 = arith.constant 16 : i32
        %sub3A_1178 = arith.subi %add3A_750, %sub3A_1177 : i32
        %add3A_1179 = arith.constant 2 : i32
        %add3A_1180 = arith.addi %sub3A_1178, %add3A_1179 : i32
        %dma_wait3A_1181 = arith.constant 1 : i32
        %dma_wait3A_1182 = arith.constant 100 : i32
        %dma_wait3A_1183 = arith.constant 0 : i32
        %dma_wait3A_1184 = tpu.memref_slice %arg6[%dma_wait3A_1181, %dma_wait3A_1182, %dma_wait3A_1183] : memref<2x400x128xf32, #tpu.memory_space<vmem>> -> memref<1x50x128xf32, #tpu.memory_space<vmem>>
        %dma_wait3A_1185 = tpu.memref_squeeze %dma_wait3A_1184 : memref<1x50x128xf32, #tpu.memory_space<vmem>> -> memref<50x128xf32, #tpu.memory_space<vmem>>
        %dma_wait3A_1186 = arith.constant 0 : i32
        %dma_wait3A_1187 = arith.constant 0 : i32
        %dma_wait3A_1188 = tpu.memref_slice %arg4[%add3A_1180, %dma_wait3A_1186, %dma_wait3A_1187] : memref<4096x50x128xf32, #tpu.memory_space<hbm>> -> memref<1x50x128xf32, #tpu.memory_space<hbm>>
        %dma_wait3A_1189 = tpu.memref_squeeze %dma_wait3A_1188 : memref<1x50x128xf32, #tpu.memory_space<hbm>> -> memref<50x128xf32, #tpu.memory_space<hbm>>
        %dma_wait3A_1190 = arith.constant 0 : i32
        %dma_wait3A_1191 = arith.constant 0 : i32
        %dma_wait3A_1192 = tpu.memref_slice %arg4[%add3A_1180, %dma_wait3A_1190, %dma_wait3A_1191] : memref<4096x50x128xf32, #tpu.memory_space<hbm>> -> memref<1x50x128xf32, #tpu.memory_space<hbm>>
        %dma_wait3A_1193 = tpu.memref_squeeze %dma_wait3A_1192 : memref<1x50x128xf32, #tpu.memory_space<hbm>> -> memref<50x128xf32, #tpu.memory_space<hbm>>
        %dma_wait3A_1194 = arith.constant 100 : i32
        %dma_wait3A_1195 = arith.constant 0 : i32
        %dma_wait3A_1196 = tpu.memref_slice %arg6[%dma_wait3A_1181, %dma_wait3A_1194, %dma_wait3A_1195] : memref<2x400x128xf32, #tpu.memory_space<vmem>> -> memref<1x50x128xf32, #tpu.memory_space<vmem>>
        %dma_wait3A_1197 = tpu.memref_squeeze %dma_wait3A_1196 : memref<1x50x128xf32, #tpu.memory_space<vmem>> -> memref<50x128xf32, #tpu.memory_space<vmem>>
        tpu.wait_dma2 semaphore(%arg9 : memref<!tpu.dma_semaphore, #tpu.memory_space<semaphore_mem>>) src(%dma_wait3A_1197 : memref<50x128xf32, #tpu.memory_space<vmem>>) dst(%dma_wait3A_1193 : memref<50x128xf32, #tpu.memory_space<hbm>>)
        %sub3A_1198 = arith.constant 16 : i32
        %sub3A_1199 = arith.subi %add3A_750, %sub3A_1198 : i32
        %add3A_1200 = arith.constant 3 : i32
        %add3A_1201 = arith.addi %sub3A_1199, %add3A_1200 : i32
        %dma_wait3A_1202 = arith.constant 1 : i32
        %dma_wait3A_1203 = arith.constant 150 : i32
        %dma_wait3A_1204 = arith.constant 0 : i32
        %dma_wait3A_1205 = tpu.memref_slice %arg6[%dma_wait3A_1202, %dma_wait3A_1203, %dma_wait3A_1204] : memref<2x400x128xf32, #tpu.memory_space<vmem>> -> memref<1x50x128xf32, #tpu.memory_space<vmem>>
        %dma_wait3A_1206 = tpu.memref_squeeze %dma_wait3A_1205 : memref<1x50x128xf32, #tpu.memory_space<vmem>> -> memref<50x128xf32, #tpu.memory_space<vmem>>
        %dma_wait3A_1207 = arith.constant 0 : i32
        %dma_wait3A_1208 = arith.constant 0 : i32
        %dma_wait3A_1209 = tpu.memref_slice %arg4[%add3A_1201, %dma_wait3A_1207, %dma_wait3A_1208] : memref<4096x50x128xf32, #tpu.memory_space<hbm>> -> memref<1x50x128xf32, #tpu.memory_space<hbm>>
        %dma_wait3A_1210 = tpu.memref_squeeze %dma_wait3A_1209 : memref<1x50x128xf32, #tpu.memory_space<hbm>> -> memref<50x128xf32, #tpu.memory_space<hbm>>
        %dma_wait3A_1211 = arith.constant 0 : i32
        %dma_wait3A_1212 = arith.constant 0 : i32
        %dma_wait3A_1213 = tpu.memref_slice %arg4[%add3A_1201, %dma_wait3A_1211, %dma_wait3A_1212] : memref<4096x50x128xf32, #tpu.memory_space<hbm>> -> memref<1x50x128xf32, #tpu.memory_space<hbm>>
        %dma_wait3A_1214 = tpu.memref_squeeze %dma_wait3A_1213 : memref<1x50x128xf32, #tpu.memory_space<hbm>> -> memref<50x128xf32, #tpu.memory_space<hbm>>
        %dma_wait3A_1215 = arith.constant 150 : i32
        %dma_wait3A_1216 = arith.constant 0 : i32
        %dma_wait3A_1217 = tpu.memref_slice %arg6[%dma_wait3A_1202, %dma_wait3A_1215, %dma_wait3A_1216] : memref<2x400x128xf32, #tpu.memory_space<vmem>> -> memref<1x50x128xf32, #tpu.memory_space<vmem>>
        %dma_wait3A_1218 = tpu.memref_squeeze %dma_wait3A_1217 : memref<1x50x128xf32, #tpu.memory_space<vmem>> -> memref<50x128xf32, #tpu.memory_space<vmem>>
        tpu.wait_dma2 semaphore(%arg9 : memref<!tpu.dma_semaphore, #tpu.memory_space<semaphore_mem>>) src(%dma_wait3A_1218 : memref<50x128xf32, #tpu.memory_space<vmem>>) dst(%dma_wait3A_1214 : memref<50x128xf32, #tpu.memory_space<hbm>>)
        %sub3A_1219 = arith.constant 16 : i32
        %sub3A_1220 = arith.subi %add3A_750, %sub3A_1219 : i32
        %add3A_1221 = arith.constant 4 : i32
        %add3A_1222 = arith.addi %sub3A_1220, %add3A_1221 : i32
        %dma_wait3A_1223 = arith.constant 1 : i32
        %dma_wait3A_1224 = arith.constant 200 : i32
        %dma_wait3A_1225 = arith.constant 0 : i32
        %dma_wait3A_1226 = tpu.memref_slice %arg6[%dma_wait3A_1223, %dma_wait3A_1224, %dma_wait3A_1225] : memref<2x400x128xf32, #tpu.memory_space<vmem>> -> memref<1x50x128xf32, #tpu.memory_space<vmem>>
        %dma_wait3A_1227 = tpu.memref_squeeze %dma_wait3A_1226 : memref<1x50x128xf32, #tpu.memory_space<vmem>> -> memref<50x128xf32, #tpu.memory_space<vmem>>
        %dma_wait3A_1228 = arith.constant 0 : i32
        %dma_wait3A_1229 = arith.constant 0 : i32
        %dma_wait3A_1230 = tpu.memref_slice %arg4[%add3A_1222, %dma_wait3A_1228, %dma_wait3A_1229] : memref<4096x50x128xf32, #tpu.memory_space<hbm>> -> memref<1x50x128xf32, #tpu.memory_space<hbm>>
        %dma_wait3A_1231 = tpu.memref_squeeze %dma_wait3A_1230 : memref<1x50x128xf32, #tpu.memory_space<hbm>> -> memref<50x128xf32, #tpu.memory_space<hbm>>
        %dma_wait3A_1232 = arith.constant 0 : i32
        %dma_wait3A_1233 = arith.constant 0 : i32
        %dma_wait3A_1234 = tpu.memref_slice %arg4[%add3A_1222, %dma_wait3A_1232, %dma_wait3A_1233] : memref<4096x50x128xf32, #tpu.memory_space<hbm>> -> memref<1x50x128xf32, #tpu.memory_space<hbm>>
        %dma_wait3A_1235 = tpu.memref_squeeze %dma_wait3A_1234 : memref<1x50x128xf32, #tpu.memory_space<hbm>> -> memref<50x128xf32, #tpu.memory_space<hbm>>
        %dma_wait3A_1236 = arith.constant 200 : i32
        %dma_wait3A_1237 = arith.constant 0 : i32
        %dma_wait3A_1238 = tpu.memref_slice %arg6[%dma_wait3A_1223, %dma_wait3A_1236, %dma_wait3A_1237] : memref<2x400x128xf32, #tpu.memory_space<vmem>> -> memref<1x50x128xf32, #tpu.memory_space<vmem>>
        %dma_wait3A_1239 = tpu.memref_squeeze %dma_wait3A_1238 : memref<1x50x128xf32, #tpu.memory_space<vmem>> -> memref<50x128xf32, #tpu.memory_space<vmem>>
        tpu.wait_dma2 semaphore(%arg9 : memref<!tpu.dma_semaphore, #tpu.memory_space<semaphore_mem>>) src(%dma_wait3A_1239 : memref<50x128xf32, #tpu.memory_space<vmem>>) dst(%dma_wait3A_1235 : memref<50x128xf32, #tpu.memory_space<hbm>>)
        %sub3A_1240 = arith.constant 16 : i32
        %sub3A_1241 = arith.subi %add3A_750, %sub3A_1240 : i32
        %add3A_1242 = arith.constant 5 : i32
        %add3A_1243 = arith.addi %sub3A_1241, %add3A_1242 : i32
        %dma_wait3A_1244 = arith.constant 1 : i32
        %dma_wait3A_1245 = arith.constant 250 : i32
        %dma_wait3A_1246 = arith.constant 0 : i32
        %dma_wait3A_1247 = tpu.memref_slice %arg6[%dma_wait3A_1244, %dma_wait3A_1245, %dma_wait3A_1246] : memref<2x400x128xf32, #tpu.memory_space<vmem>> -> memref<1x50x128xf32, #tpu.memory_space<vmem>>
        %dma_wait3A_1248 = tpu.memref_squeeze %dma_wait3A_1247 : memref<1x50x128xf32, #tpu.memory_space<vmem>> -> memref<50x128xf32, #tpu.memory_space<vmem>>
        %dma_wait3A_1249 = arith.constant 0 : i32
        %dma_wait3A_1250 = arith.constant 0 : i32
        %dma_wait3A_1251 = tpu.memref_slice %arg4[%add3A_1243, %dma_wait3A_1249, %dma_wait3A_1250] : memref<4096x50x128xf32, #tpu.memory_space<hbm>> -> memref<1x50x128xf32, #tpu.memory_space<hbm>>
        %dma_wait3A_1252 = tpu.memref_squeeze %dma_wait3A_1251 : memref<1x50x128xf32, #tpu.memory_space<hbm>> -> memref<50x128xf32, #tpu.memory_space<hbm>>
        %dma_wait3A_1253 = arith.constant 0 : i32
        %dma_wait3A_1254 = arith.constant 0 : i32
        %dma_wait3A_1255 = tpu.memref_slice %arg4[%add3A_1243, %dma_wait3A_1253, %dma_wait3A_1254] : memref<4096x50x128xf32, #tpu.memory_space<hbm>> -> memref<1x50x128xf32, #tpu.memory_space<hbm>>
        %dma_wait3A_1256 = tpu.memref_squeeze %dma_wait3A_1255 : memref<1x50x128xf32, #tpu.memory_space<hbm>> -> memref<50x128xf32, #tpu.memory_space<hbm>>
        %dma_wait3A_1257 = arith.constant 250 : i32
        %dma_wait3A_1258 = arith.constant 0 : i32
        %dma_wait3A_1259 = tpu.memref_slice %arg6[%dma_wait3A_1244, %dma_wait3A_1257, %dma_wait3A_1258] : memref<2x400x128xf32, #tpu.memory_space<vmem>> -> memref<1x50x128xf32, #tpu.memory_space<vmem>>
        %dma_wait3A_1260 = tpu.memref_squeeze %dma_wait3A_1259 : memref<1x50x128xf32, #tpu.memory_space<vmem>> -> memref<50x128xf32, #tpu.memory_space<vmem>>
        tpu.wait_dma2 semaphore(%arg9 : memref<!tpu.dma_semaphore, #tpu.memory_space<semaphore_mem>>) src(%dma_wait3A_1260 : memref<50x128xf32, #tpu.memory_space<vmem>>) dst(%dma_wait3A_1256 : memref<50x128xf32, #tpu.memory_space<hbm>>)
        %sub3A_1261 = arith.constant 16 : i32
        %sub3A_1262 = arith.subi %add3A_750, %sub3A_1261 : i32
        %add3A_1263 = arith.constant 6 : i32
        %add3A_1264 = arith.addi %sub3A_1262, %add3A_1263 : i32
        %dma_wait3A_1265 = arith.constant 1 : i32
        %dma_wait3A_1266 = arith.constant 300 : i32
        %dma_wait3A_1267 = arith.constant 0 : i32
        %dma_wait3A_1268 = tpu.memref_slice %arg6[%dma_wait3A_1265, %dma_wait3A_1266, %dma_wait3A_1267] : memref<2x400x128xf32, #tpu.memory_space<vmem>> -> memref<1x50x128xf32, #tpu.memory_space<vmem>>
        %dma_wait3A_1269 = tpu.memref_squeeze %dma_wait3A_1268 : memref<1x50x128xf32, #tpu.memory_space<vmem>> -> memref<50x128xf32, #tpu.memory_space<vmem>>
        %dma_wait3A_1270 = arith.constant 0 : i32
        %dma_wait3A_1271 = arith.constant 0 : i32
        %dma_wait3A_1272 = tpu.memref_slice %arg4[%add3A_1264, %dma_wait3A_1270, %dma_wait3A_1271] : memref<4096x50x128xf32, #tpu.memory_space<hbm>> -> memref<1x50x128xf32, #tpu.memory_space<hbm>>
        %dma_wait3A_1273 = tpu.memref_squeeze %dma_wait3A_1272 : memref<1x50x128xf32, #tpu.memory_space<hbm>> -> memref<50x128xf32, #tpu.memory_space<hbm>>
        %dma_wait3A_1274 = arith.constant 0 : i32
        %dma_wait3A_1275 = arith.constant 0 : i32
        %dma_wait3A_1276 = tpu.memref_slice %arg4[%add3A_1264, %dma_wait3A_1274, %dma_wait3A_1275] : memref<4096x50x128xf32, #tpu.memory_space<hbm>> -> memref<1x50x128xf32, #tpu.memory_space<hbm>>
        %dma_wait3A_1277 = tpu.memref_squeeze %dma_wait3A_1276 : memref<1x50x128xf32, #tpu.memory_space<hbm>> -> memref<50x128xf32, #tpu.memory_space<hbm>>
        %dma_wait3A_1278 = arith.constant 300 : i32
        %dma_wait3A_1279 = arith.constant 0 : i32
        %dma_wait3A_1280 = tpu.memref_slice %arg6[%dma_wait3A_1265, %dma_wait3A_1278, %dma_wait3A_1279] : memref<2x400x128xf32, #tpu.memory_space<vmem>> -> memref<1x50x128xf32, #tpu.memory_space<vmem>>
        %dma_wait3A_1281 = tpu.memref_squeeze %dma_wait3A_1280 : memref<1x50x128xf32, #tpu.memory_space<vmem>> -> memref<50x128xf32, #tpu.memory_space<vmem>>
        tpu.wait_dma2 semaphore(%arg9 : memref<!tpu.dma_semaphore, #tpu.memory_space<semaphore_mem>>) src(%dma_wait3A_1281 : memref<50x128xf32, #tpu.memory_space<vmem>>) dst(%dma_wait3A_1277 : memref<50x128xf32, #tpu.memory_space<hbm>>)
        %sub3A_1282 = arith.constant 16 : i32
        %sub3A_1283 = arith.subi %add3A_750, %sub3A_1282 : i32
        %add3A_1284 = arith.constant 7 : i32
        %add3A_1285 = arith.addi %sub3A_1283, %add3A_1284 : i32
        %dma_wait3A_1286 = arith.constant 1 : i32
        %dma_wait3A_1287 = arith.constant 350 : i32
        %dma_wait3A_1288 = arith.constant 0 : i32
        %dma_wait3A_1289 = tpu.memref_slice %arg6[%dma_wait3A_1286, %dma_wait3A_1287, %dma_wait3A_1288] : memref<2x400x128xf32, #tpu.memory_space<vmem>> -> memref<1x50x128xf32, #tpu.memory_space<vmem>>
        %dma_wait3A_1290 = tpu.memref_squeeze %dma_wait3A_1289 : memref<1x50x128xf32, #tpu.memory_space<vmem>> -> memref<50x128xf32, #tpu.memory_space<vmem>>
        %dma_wait3A_1291 = arith.constant 0 : i32
        %dma_wait3A_1292 = arith.constant 0 : i32
        %dma_wait3A_1293 = tpu.memref_slice %arg4[%add3A_1285, %dma_wait3A_1291, %dma_wait3A_1292] : memref<4096x50x128xf32, #tpu.memory_space<hbm>> -> memref<1x50x128xf32, #tpu.memory_space<hbm>>
        %dma_wait3A_1294 = tpu.memref_squeeze %dma_wait3A_1293 : memref<1x50x128xf32, #tpu.memory_space<hbm>> -> memref<50x128xf32, #tpu.memory_space<hbm>>
        %dma_wait3A_1295 = arith.constant 0 : i32
        %dma_wait3A_1296 = arith.constant 0 : i32
        %dma_wait3A_1297 = tpu.memref_slice %arg4[%add3A_1285, %dma_wait3A_1295, %dma_wait3A_1296] : memref<4096x50x128xf32, #tpu.memory_space<hbm>> -> memref<1x50x128xf32, #tpu.memory_space<hbm>>
        %dma_wait3A_1298 = tpu.memref_squeeze %dma_wait3A_1297 : memref<1x50x128xf32, #tpu.memory_space<hbm>> -> memref<50x128xf32, #tpu.memory_space<hbm>>
        %dma_wait3A_1299 = arith.constant 350 : i32
        %dma_wait3A_1300 = arith.constant 0 : i32
        %dma_wait3A_1301 = tpu.memref_slice %arg6[%dma_wait3A_1286, %dma_wait3A_1299, %dma_wait3A_1300] : memref<2x400x128xf32, #tpu.memory_space<vmem>> -> memref<1x50x128xf32, #tpu.memory_space<vmem>>
        %dma_wait3A_1302 = tpu.memref_squeeze %dma_wait3A_1301 : memref<1x50x128xf32, #tpu.memory_space<vmem>> -> memref<50x128xf32, #tpu.memory_space<vmem>>
        tpu.wait_dma2 semaphore(%arg9 : memref<!tpu.dma_semaphore, #tpu.memory_space<semaphore_mem>>) src(%dma_wait3A_1302 : memref<50x128xf32, #tpu.memory_space<vmem>>) dst(%dma_wait3A_1298 : memref<50x128xf32, #tpu.memory_space<hbm>>)
      } else {
      }
      %dma_wait3A_756 = arith.constant 1 : i32
      %dma_wait3A_757 = arith.constant 0 : i32
      %dma_wait3A_758 = arith.constant 0 : i32
      %dma_wait3A_759 = tpu.memref_slice %arg5[%dma_wait3A_756, %dma_wait3A_757, %dma_wait3A_758] : memref<2x8x50xi32, #tpu.memory_space<vmem>> -> memref<1x8x50xi32, #tpu.memory_space<vmem>>
      %dma_wait3A_760 = tpu.memref_squeeze %dma_wait3A_759 : memref<1x8x50xi32, #tpu.memory_space<vmem>> -> memref<8x50xi32, #tpu.memory_space<vmem>>
      %dma_wait3A_761 = arith.constant 0 : i32
      %dma_wait3A_762 = tpu.memref_slice %arg3[%add3A_750, %dma_wait3A_761] : memref<4096x50xi32, #tpu.memory_space<hbm>> -> memref<8x50xi32, #tpu.memory_space<hbm>>
      %dma_wait3A_763 = arith.constant 0 : i32
      %dma_wait3A_764 = arith.constant 0 : i32
      %dma_wait3A_765 = tpu.memref_slice %arg5[%dma_wait3A_756, %dma_wait3A_763, %dma_wait3A_764] : memref<2x8x50xi32, #tpu.memory_space<vmem>> -> memref<1x8x50xi32, #tpu.memory_space<vmem>>
      %dma_wait3A_766 = tpu.memref_squeeze %dma_wait3A_765 : memref<1x8x50xi32, #tpu.memory_space<vmem>> -> memref<8x50xi32, #tpu.memory_space<vmem>>
      %dma_wait3A_767 = arith.constant 0 : i32
      %dma_wait3A_768 = tpu.memref_slice %arg3[%add3A_750, %dma_wait3A_767] : memref<4096x50xi32, #tpu.memory_space<hbm>> -> memref<8x50xi32, #tpu.memory_space<hbm>>
      tpu.wait_dma2 semaphore(%arg7 : memref<!tpu.dma_semaphore, #tpu.memory_space<semaphore_mem>>) src(%dma_wait3A_768 : memref<8x50xi32, #tpu.memory_space<hbm>>) dst(%dma_wait3A_766 : memref<8x50xi32, #tpu.memory_space<vmem>>)
      %add3A_769 = arith.constant 1 : i32
      %add3A_770 = arith.addi %add3A_747, %add3A_769 : i32
      %lt3A_771 = arith.constant 16 : i32
      %lt3A_772 = arith.cmpi slt, %add3A_770, %lt3A_771 : i32
      %convert_element_type3A_773 = arith.extui %lt3A_772 : i1 to i32
      %cond3A_774 = arith.constant 0 : i32
      %cond3A_775 = arith.cmpi ne, %convert_element_type3A_773, %cond3A_774 : i32
      scf.if %cond3A_775 {
        %add3A_1136 = arith.constant 8 : i32
        %add3A_1137 = arith.addi %add3A_750, %add3A_1136 : i32
        %dma_start3A_1138 = arith.constant 0 : i32
        %dma_start3A_1139 = arith.constant 0 : i32
        %dma_start3A_1140 = arith.constant 0 : i32
        %dma_start3A_1141 = tpu.memref_slice %arg5[%dma_start3A_1138, %dma_start3A_1139, %dma_start3A_1140] : memref<2x8x50xi32, #tpu.memory_space<vmem>> -> memref<1x8x50xi32, #tpu.memory_space<vmem>>
        %dma_start3A_1142 = tpu.memref_squeeze %dma_start3A_1141 : memref<1x8x50xi32, #tpu.memory_space<vmem>> -> memref<8x50xi32, #tpu.memory_space<vmem>>
        %dma_start3A_1143 = arith.constant 0 : i32
        %dma_start3A_1144 = tpu.memref_slice %arg3[%add3A_1137, %dma_start3A_1143] : memref<4096x50xi32, #tpu.memory_space<hbm>> -> memref<8x50xi32, #tpu.memory_space<hbm>>
        %dma_start3A_1145 = arith.constant 0 : i32
        %dma_start3A_1146 = arith.constant 0 : i32
        %dma_start3A_1147 = tpu.memref_slice %arg5[%dma_start3A_1138, %dma_start3A_1145, %dma_start3A_1146] : memref<2x8x50xi32, #tpu.memory_space<vmem>> -> memref<1x8x50xi32, #tpu.memory_space<vmem>>
        %dma_start3A_1148 = tpu.memref_squeeze %dma_start3A_1147 : memref<1x8x50xi32, #tpu.memory_space<vmem>> -> memref<8x50xi32, #tpu.memory_space<vmem>>
        %dma_start3A_1149 = arith.constant 0 : i32
        %dma_start3A_1150 = tpu.memref_slice %arg3[%add3A_1137, %dma_start3A_1149] : memref<4096x50xi32, #tpu.memory_space<hbm>> -> memref<8x50xi32, #tpu.memory_space<hbm>>
        tpu.enqueue_dma source(%dma_start3A_1150 : memref<8x50xi32, #tpu.memory_space<hbm>>) target(%dma_start3A_1148 : memref<8x50xi32, #tpu.memory_space<vmem>>) target_semaphore(%arg7 : memref<!tpu.dma_semaphore, #tpu.memory_space<semaphore_mem>>)
      } else {
      }
      %dma_start3A_776 = arith.constant 1 : i32
      %dma_start3A_777 = arith.constant 0 : i32
      %dma_start3A_778 = arith.constant 1 : i32
      %dma_start3A_779 = arith.constant 0 : i32
      %dma_start3A_780 = arith.constant 0 : i32
      %dma_start3A_781 = tpu.memref_slice %arg6[%dma_start3A_778, %dma_start3A_779, %dma_start3A_780] : memref<2x400x128xf32, #tpu.memory_space<vmem>> -> memref<1x50x128xf32, #tpu.memory_space<vmem>>
      %dma_start3A_782 = tpu.memref_squeeze %dma_start3A_781 : memref<1x50x128xf32, #tpu.memory_space<vmem>> -> memref<50x128xf32, #tpu.memory_space<vmem>>
      %dma_start3A_783 = arith.constant 0 : i32
      %dma_start3A_784 = tpu.memref_slice %arg5[%dma_start3A_776, %dma_start3A_777, %dma_start3A_783] : memref<2x8x50xi32, #tpu.memory_space<vmem>> -> memref<1x1x50xi32, #tpu.memory_space<vmem>>
      %dma_start3A_785 = tpu.memref_squeeze %dma_start3A_784 : memref<1x1x50xi32, #tpu.memory_space<vmem>> -> memref<50xi32, #tpu.memory_space<vmem>>
      %dma_start3A_786 = arith.constant 0 : i32
      %dma_start3A_787 = arith.constant 0 : i32
      %dma_start3A_788 = tpu.memref_slice %arg2[%dma_start3A_786, %dma_start3A_787] : memref<100000x128xf32, #tpu.memory_space<hbm>> -> memref<100000x128xf32, #tpu.memory_space<hbm>>
      tpu.enqueue_indirect_dma source(%dma_start3A_788 : memref<100000x128xf32, #tpu.memory_space<hbm>>) target(%dma_start3A_782 : memref<50x128xf32, #tpu.memory_space<vmem>>) offsets(%dma_start3A_785 : memref<50xi32, #tpu.memory_space<vmem>>) semaphore(%arg8 : memref<!tpu.dma_semaphore, #tpu.memory_space<semaphore_mem>>)
      %dma_start3A_789 = arith.constant 1 : i32
      %dma_start3A_790 = arith.constant 1 : i32
      %dma_start3A_791 = arith.constant 1 : i32
      %dma_start3A_792 = arith.constant 50 : i32
      %dma_start3A_793 = arith.constant 0 : i32
      %dma_start3A_794 = tpu.memref_slice %arg6[%dma_start3A_791, %dma_start3A_792, %dma_start3A_793] : memref<2x400x128xf32, #tpu.memory_space<vmem>> -> memref<1x50x128xf32, #tpu.memory_space<vmem>>
      %dma_start3A_795 = tpu.memref_squeeze %dma_start3A_794 : memref<1x50x128xf32, #tpu.memory_space<vmem>> -> memref<50x128xf32, #tpu.memory_space<vmem>>
      %dma_start3A_796 = arith.constant 0 : i32
      %dma_start3A_797 = tpu.memref_slice %arg5[%dma_start3A_789, %dma_start3A_790, %dma_start3A_796] : memref<2x8x50xi32, #tpu.memory_space<vmem>> -> memref<1x1x50xi32, #tpu.memory_space<vmem>>
      %dma_start3A_798 = tpu.memref_squeeze %dma_start3A_797 : memref<1x1x50xi32, #tpu.memory_space<vmem>> -> memref<50xi32, #tpu.memory_space<vmem>>
      %dma_start3A_799 = arith.constant 0 : i32
      %dma_start3A_800 = arith.constant 0 : i32
      %dma_start3A_801 = tpu.memref_slice %arg2[%dma_start3A_799, %dma_start3A_800] : memref<100000x128xf32, #tpu.memory_space<hbm>> -> memref<100000x128xf32, #tpu.memory_space<hbm>>
      tpu.enqueue_indirect_dma source(%dma_start3A_801 : memref<100000x128xf32, #tpu.memory_space<hbm>>) target(%dma_start3A_795 : memref<50x128xf32, #tpu.memory_space<vmem>>) offsets(%dma_start3A_798 : memref<50xi32, #tpu.memory_space<vmem>>) semaphore(%arg8 : memref<!tpu.dma_semaphore, #tpu.memory_space<semaphore_mem>>)
      %dma_start3A_802 = arith.constant 1 : i32
      %dma_start3A_803 = arith.constant 2 : i32
      %dma_start3A_804 = arith.constant 1 : i32
      %dma_start3A_805 = arith.constant 100 : i32
      %dma_start3A_806 = arith.constant 0 : i32
      %dma_start3A_807 = tpu.memref_slice %arg6[%dma_start3A_804, %dma_start3A_805, %dma_start3A_806] : memref<2x400x128xf32, #tpu.memory_space<vmem>> -> memref<1x50x128xf32, #tpu.memory_space<vmem>>
      %dma_start3A_808 = tpu.memref_squeeze %dma_start3A_807 : memref<1x50x128xf32, #tpu.memory_space<vmem>> -> memref<50x128xf32, #tpu.memory_space<vmem>>
      %dma_start3A_809 = arith.constant 0 : i32
      %dma_start3A_810 = tpu.memref_slice %arg5[%dma_start3A_802, %dma_start3A_803, %dma_start3A_809] : memref<2x8x50xi32, #tpu.memory_space<vmem>> -> memref<1x1x50xi32, #tpu.memory_space<vmem>>
      %dma_start3A_811 = tpu.memref_squeeze %dma_start3A_810 : memref<1x1x50xi32, #tpu.memory_space<vmem>> -> memref<50xi32, #tpu.memory_space<vmem>>
      %dma_start3A_812 = arith.constant 0 : i32
      %dma_start3A_813 = arith.constant 0 : i32
      %dma_start3A_814 = tpu.memref_slice %arg2[%dma_start3A_812, %dma_start3A_813] : memref<100000x128xf32, #tpu.memory_space<hbm>> -> memref<100000x128xf32, #tpu.memory_space<hbm>>
      tpu.enqueue_indirect_dma source(%dma_start3A_814 : memref<100000x128xf32, #tpu.memory_space<hbm>>) target(%dma_start3A_808 : memref<50x128xf32, #tpu.memory_space<vmem>>) offsets(%dma_start3A_811 : memref<50xi32, #tpu.memory_space<vmem>>) semaphore(%arg8 : memref<!tpu.dma_semaphore, #tpu.memory_space<semaphore_mem>>)
      %dma_start3A_815 = arith.constant 1 : i32
      %dma_start3A_816 = arith.constant 3 : i32
      %dma_start3A_817 = arith.constant 1 : i32
      %dma_start3A_818 = arith.constant 150 : i32
      %dma_start3A_819 = arith.constant 0 : i32
      %dma_start3A_820 = tpu.memref_slice %arg6[%dma_start3A_817, %dma_start3A_818, %dma_start3A_819] : memref<2x400x128xf32, #tpu.memory_space<vmem>> -> memref<1x50x128xf32, #tpu.memory_space<vmem>>
      %dma_start3A_821 = tpu.memref_squeeze %dma_start3A_820 : memref<1x50x128xf32, #tpu.memory_space<vmem>> -> memref<50x128xf32, #tpu.memory_space<vmem>>
      %dma_start3A_822 = arith.constant 0 : i32
      %dma_start3A_823 = tpu.memref_slice %arg5[%dma_start3A_815, %dma_start3A_816, %dma_start3A_822] : memref<2x8x50xi32, #tpu.memory_space<vmem>> -> memref<1x1x50xi32, #tpu.memory_space<vmem>>
      %dma_start3A_824 = tpu.memref_squeeze %dma_start3A_823 : memref<1x1x50xi32, #tpu.memory_space<vmem>> -> memref<50xi32, #tpu.memory_space<vmem>>
      %dma_start3A_825 = arith.constant 0 : i32
      %dma_start3A_826 = arith.constant 0 : i32
      %dma_start3A_827 = tpu.memref_slice %arg2[%dma_start3A_825, %dma_start3A_826] : memref<100000x128xf32, #tpu.memory_space<hbm>> -> memref<100000x128xf32, #tpu.memory_space<hbm>>
      tpu.enqueue_indirect_dma source(%dma_start3A_827 : memref<100000x128xf32, #tpu.memory_space<hbm>>) target(%dma_start3A_821 : memref<50x128xf32, #tpu.memory_space<vmem>>) offsets(%dma_start3A_824 : memref<50xi32, #tpu.memory_space<vmem>>) semaphore(%arg8 : memref<!tpu.dma_semaphore, #tpu.memory_space<semaphore_mem>>)
      %dma_start3A_828 = arith.constant 1 : i32
      %dma_start3A_829 = arith.constant 4 : i32
      %dma_start3A_830 = arith.constant 1 : i32
      %dma_start3A_831 = arith.constant 200 : i32
      %dma_start3A_832 = arith.constant 0 : i32
      %dma_start3A_833 = tpu.memref_slice %arg6[%dma_start3A_830, %dma_start3A_831, %dma_start3A_832] : memref<2x400x128xf32, #tpu.memory_space<vmem>> -> memref<1x50x128xf32, #tpu.memory_space<vmem>>
      %dma_start3A_834 = tpu.memref_squeeze %dma_start3A_833 : memref<1x50x128xf32, #tpu.memory_space<vmem>> -> memref<50x128xf32, #tpu.memory_space<vmem>>
      %dma_start3A_835 = arith.constant 0 : i32
      %dma_start3A_836 = tpu.memref_slice %arg5[%dma_start3A_828, %dma_start3A_829, %dma_start3A_835] : memref<2x8x50xi32, #tpu.memory_space<vmem>> -> memref<1x1x50xi32, #tpu.memory_space<vmem>>
      %dma_start3A_837 = tpu.memref_squeeze %dma_start3A_836 : memref<1x1x50xi32, #tpu.memory_space<vmem>> -> memref<50xi32, #tpu.memory_space<vmem>>
      %dma_start3A_838 = arith.constant 0 : i32
      %dma_start3A_839 = arith.constant 0 : i32
      %dma_start3A_840 = tpu.memref_slice %arg2[%dma_start3A_838, %dma_start3A_839] : memref<100000x128xf32, #tpu.memory_space<hbm>> -> memref<100000x128xf32, #tpu.memory_space<hbm>>
      tpu.enqueue_indirect_dma source(%dma_start3A_840 : memref<100000x128xf32, #tpu.memory_space<hbm>>) target(%dma_start3A_834 : memref<50x128xf32, #tpu.memory_space<vmem>>) offsets(%dma_start3A_837 : memref<50xi32, #tpu.memory_space<vmem>>) semaphore(%arg8 : memref<!tpu.dma_semaphore, #tpu.memory_space<semaphore_mem>>)
      %dma_start3A_841 = arith.constant 1 : i32
      %dma_start3A_842 = arith.constant 5 : i32
      %dma_start3A_843 = arith.constant 1 : i32
      %dma_start3A_844 = arith.constant 250 : i32
      %dma_start3A_845 = arith.constant 0 : i32
      %dma_start3A_846 = tpu.memref_slice %arg6[%dma_start3A_843, %dma_start3A_844, %dma_start3A_845] : memref<2x400x128xf32, #tpu.memory_space<vmem>> -> memref<1x50x128xf32, #tpu.memory_space<vmem>>
      %dma_start3A_847 = tpu.memref_squeeze %dma_start3A_846 : memref<1x50x128xf32, #tpu.memory_space<vmem>> -> memref<50x128xf32, #tpu.memory_space<vmem>>
      %dma_start3A_848 = arith.constant 0 : i32
      %dma_start3A_849 = tpu.memref_slice %arg5[%dma_start3A_841, %dma_start3A_842, %dma_start3A_848] : memref<2x8x50xi32, #tpu.memory_space<vmem>> -> memref<1x1x50xi32, #tpu.memory_space<vmem>>
      %dma_start3A_850 = tpu.memref_squeeze %dma_start3A_849 : memref<1x1x50xi32, #tpu.memory_space<vmem>> -> memref<50xi32, #tpu.memory_space<vmem>>
      %dma_start3A_851 = arith.constant 0 : i32
      %dma_start3A_852 = arith.constant 0 : i32
      %dma_start3A_853 = tpu.memref_slice %arg2[%dma_start3A_851, %dma_start3A_852] : memref<100000x128xf32, #tpu.memory_space<hbm>> -> memref<100000x128xf32, #tpu.memory_space<hbm>>
      tpu.enqueue_indirect_dma source(%dma_start3A_853 : memref<100000x128xf32, #tpu.memory_space<hbm>>) target(%dma_start3A_847 : memref<50x128xf32, #tpu.memory_space<vmem>>) offsets(%dma_start3A_850 : memref<50xi32, #tpu.memory_space<vmem>>) semaphore(%arg8 : memref<!tpu.dma_semaphore, #tpu.memory_space<semaphore_mem>>)
      %dma_start3A_854 = arith.constant 1 : i32
      %dma_start3A_855 = arith.constant 6 : i32
      %dma_start3A_856 = arith.constant 1 : i32
      %dma_start3A_857 = arith.constant 300 : i32
      %dma_start3A_858 = arith.constant 0 : i32
      %dma_start3A_859 = tpu.memref_slice %arg6[%dma_start3A_856, %dma_start3A_857, %dma_start3A_858] : memref<2x400x128xf32, #tpu.memory_space<vmem>> -> memref<1x50x128xf32, #tpu.memory_space<vmem>>
      %dma_start3A_860 = tpu.memref_squeeze %dma_start3A_859 : memref<1x50x128xf32, #tpu.memory_space<vmem>> -> memref<50x128xf32, #tpu.memory_space<vmem>>
      %dma_start3A_861 = arith.constant 0 : i32
      %dma_start3A_862 = tpu.memref_slice %arg5[%dma_start3A_854, %dma_start3A_855, %dma_start3A_861] : memref<2x8x50xi32, #tpu.memory_space<vmem>> -> memref<1x1x50xi32, #tpu.memory_space<vmem>>
      %dma_start3A_863 = tpu.memref_squeeze %dma_start3A_862 : memref<1x1x50xi32, #tpu.memory_space<vmem>> -> memref<50xi32, #tpu.memory_space<vmem>>
      %dma_start3A_864 = arith.constant 0 : i32
      %dma_start3A_865 = arith.constant 0 : i32
      %dma_start3A_866 = tpu.memref_slice %arg2[%dma_start3A_864, %dma_start3A_865] : memref<100000x128xf32, #tpu.memory_space<hbm>> -> memref<100000x128xf32, #tpu.memory_space<hbm>>
      tpu.enqueue_indirect_dma source(%dma_start3A_866 : memref<100000x128xf32, #tpu.memory_space<hbm>>) target(%dma_start3A_860 : memref<50x128xf32, #tpu.memory_space<vmem>>) offsets(%dma_start3A_863 : memref<50xi32, #tpu.memory_space<vmem>>) semaphore(%arg8 : memref<!tpu.dma_semaphore, #tpu.memory_space<semaphore_mem>>)
      %dma_start3A_867 = arith.constant 1 : i32
      %dma_start3A_868 = arith.constant 7 : i32
      %dma_start3A_869 = arith.constant 1 : i32
      %dma_start3A_870 = arith.constant 350 : i32
      %dma_start3A_871 = arith.constant 0 : i32
      %dma_start3A_872 = tpu.memref_slice %arg6[%dma_start3A_869, %dma_start3A_870, %dma_start3A_871] : memref<2x400x128xf32, #tpu.memory_space<vmem>> -> memref<1x50x128xf32, #tpu.memory_space<vmem>>
      %dma_start3A_873 = tpu.memref_squeeze %dma_start3A_872 : memref<1x50x128xf32, #tpu.memory_space<vmem>> -> memref<50x128xf32, #tpu.memory_space<vmem>>
      %dma_start3A_874 = arith.constant 0 : i32
      %dma_start3A_875 = tpu.memref_slice %arg5[%dma_start3A_867, %dma_start3A_868, %dma_start3A_874] : memref<2x8x50xi32, #tpu.memory_space<vmem>> -> memref<1x1x50xi32, #tpu.memory_space<vmem>>
      %dma_start3A_876 = tpu.memref_squeeze %dma_start3A_875 : memref<1x1x50xi32, #tpu.memory_space<vmem>> -> memref<50xi32, #tpu.memory_space<vmem>>
      %dma_start3A_877 = arith.constant 0 : i32
      %dma_start3A_878 = arith.constant 0 : i32
      %dma_start3A_879 = tpu.memref_slice %arg2[%dma_start3A_877, %dma_start3A_878] : memref<100000x128xf32, #tpu.memory_space<hbm>> -> memref<100000x128xf32, #tpu.memory_space<hbm>>
      tpu.enqueue_indirect_dma source(%dma_start3A_879 : memref<100000x128xf32, #tpu.memory_space<hbm>>) target(%dma_start3A_873 : memref<50x128xf32, #tpu.memory_space<vmem>>) offsets(%dma_start3A_876 : memref<50xi32, #tpu.memory_space<vmem>>) semaphore(%arg8 : memref<!tpu.dma_semaphore, #tpu.memory_space<semaphore_mem>>)
      %dma_wait3A_880 = arith.constant 1 : i32
      %dma_wait3A_881 = arith.constant 0 : i32
      %dma_wait3A_882 = arith.constant 1 : i32
      %dma_wait3A_883 = arith.constant 0 : i32
      %dma_wait3A_884 = arith.constant 0 : i32
      %dma_wait3A_885 = tpu.memref_slice %arg6[%dma_wait3A_882, %dma_wait3A_883, %dma_wait3A_884] : memref<2x400x128xf32, #tpu.memory_space<vmem>> -> memref<1x50x128xf32, #tpu.memory_space<vmem>>
      %dma_wait3A_886 = tpu.memref_squeeze %dma_wait3A_885 : memref<1x50x128xf32, #tpu.memory_space<vmem>> -> memref<50x128xf32, #tpu.memory_space<vmem>>
      %dma_wait3A_887 = arith.constant 0 : i32
      %dma_wait3A_888 = tpu.memref_slice %arg5[%dma_wait3A_880, %dma_wait3A_881, %dma_wait3A_887] : memref<2x8x50xi32, #tpu.memory_space<vmem>> -> memref<1x1x50xi32, #tpu.memory_space<vmem>>
      %dma_wait3A_889 = tpu.memref_squeeze %dma_wait3A_888 : memref<1x1x50xi32, #tpu.memory_space<vmem>> -> memref<50xi32, #tpu.memory_space<vmem>>
      %dma_wait3A_890 = arith.constant 0 : i32
      %dma_wait3A_891 = arith.constant 0 : i32
      %dma_wait3A_892 = tpu.memref_slice %arg2[%dma_wait3A_890, %dma_wait3A_891] : memref<100000x128xf32, #tpu.memory_space<hbm>> -> memref<100000x128xf32, #tpu.memory_space<hbm>>
      tpu.wait_indirect_dma semaphore(%arg8 : memref<!tpu.dma_semaphore, #tpu.memory_space<semaphore_mem>>) src(%dma_wait3A_892 : memref<100000x128xf32, #tpu.memory_space<hbm>>) dst(%dma_wait3A_886 : memref<50x128xf32, #tpu.memory_space<vmem>>)
      %dma_wait3A_893 = arith.constant 1 : i32
      %dma_wait3A_894 = arith.constant 1 : i32
      %dma_wait3A_895 = arith.constant 1 : i32
      %dma_wait3A_896 = arith.constant 50 : i32
      %dma_wait3A_897 = arith.constant 0 : i32
      %dma_wait3A_898 = tpu.memref_slice %arg6[%dma_wait3A_895, %dma_wait3A_896, %dma_wait3A_897] : memref<2x400x128xf32, #tpu.memory_space<vmem>> -> memref<1x50x128xf32, #tpu.memory_space<vmem>>
      %dma_wait3A_899 = tpu.memref_squeeze %dma_wait3A_898 : memref<1x50x128xf32, #tpu.memory_space<vmem>> -> memref<50x128xf32, #tpu.memory_space<vmem>>
      %dma_wait3A_900 = arith.constant 0 : i32
      %dma_wait3A_901 = tpu.memref_slice %arg5[%dma_wait3A_893, %dma_wait3A_894, %dma_wait3A_900] : memref<2x8x50xi32, #tpu.memory_space<vmem>> -> memref<1x1x50xi32, #tpu.memory_space<vmem>>
      %dma_wait3A_902 = tpu.memref_squeeze %dma_wait3A_901 : memref<1x1x50xi32, #tpu.memory_space<vmem>> -> memref<50xi32, #tpu.memory_space<vmem>>
      %dma_wait3A_903 = arith.constant 0 : i32
      %dma_wait3A_904 = arith.constant 0 : i32
      %dma_wait3A_905 = tpu.memref_slice %arg2[%dma_wait3A_903, %dma_wait3A_904] : memref<100000x128xf32, #tpu.memory_space<hbm>> -> memref<100000x128xf32, #tpu.memory_space<hbm>>
      tpu.wait_indirect_dma semaphore(%arg8 : memref<!tpu.dma_semaphore, #tpu.memory_space<semaphore_mem>>) src(%dma_wait3A_905 : memref<100000x128xf32, #tpu.memory_space<hbm>>) dst(%dma_wait3A_899 : memref<50x128xf32, #tpu.memory_space<vmem>>)
      %dma_wait3A_906 = arith.constant 1 : i32
      %dma_wait3A_907 = arith.constant 2 : i32
      %dma_wait3A_908 = arith.constant 1 : i32
      %dma_wait3A_909 = arith.constant 100 : i32
      %dma_wait3A_910 = arith.constant 0 : i32
      %dma_wait3A_911 = tpu.memref_slice %arg6[%dma_wait3A_908, %dma_wait3A_909, %dma_wait3A_910] : memref<2x400x128xf32, #tpu.memory_space<vmem>> -> memref<1x50x128xf32, #tpu.memory_space<vmem>>
      %dma_wait3A_912 = tpu.memref_squeeze %dma_wait3A_911 : memref<1x50x128xf32, #tpu.memory_space<vmem>> -> memref<50x128xf32, #tpu.memory_space<vmem>>
      %dma_wait3A_913 = arith.constant 0 : i32
      %dma_wait3A_914 = tpu.memref_slice %arg5[%dma_wait3A_906, %dma_wait3A_907, %dma_wait3A_913] : memref<2x8x50xi32, #tpu.memory_space<vmem>> -> memref<1x1x50xi32, #tpu.memory_space<vmem>>
      %dma_wait3A_915 = tpu.memref_squeeze %dma_wait3A_914 : memref<1x1x50xi32, #tpu.memory_space<vmem>> -> memref<50xi32, #tpu.memory_space<vmem>>
      %dma_wait3A_916 = arith.constant 0 : i32
      %dma_wait3A_917 = arith.constant 0 : i32
      %dma_wait3A_918 = tpu.memref_slice %arg2[%dma_wait3A_916, %dma_wait3A_917] : memref<100000x128xf32, #tpu.memory_space<hbm>> -> memref<100000x128xf32, #tpu.memory_space<hbm>>
      tpu.wait_indirect_dma semaphore(%arg8 : memref<!tpu.dma_semaphore, #tpu.memory_space<semaphore_mem>>) src(%dma_wait3A_918 : memref<100000x128xf32, #tpu.memory_space<hbm>>) dst(%dma_wait3A_912 : memref<50x128xf32, #tpu.memory_space<vmem>>)
      %dma_wait3A_919 = arith.constant 1 : i32
      %dma_wait3A_920 = arith.constant 3 : i32
      %dma_wait3A_921 = arith.constant 1 : i32
      %dma_wait3A_922 = arith.constant 150 : i32
      %dma_wait3A_923 = arith.constant 0 : i32
      %dma_wait3A_924 = tpu.memref_slice %arg6[%dma_wait3A_921, %dma_wait3A_922, %dma_wait3A_923] : memref<2x400x128xf32, #tpu.memory_space<vmem>> -> memref<1x50x128xf32, #tpu.memory_space<vmem>>
      %dma_wait3A_925 = tpu.memref_squeeze %dma_wait3A_924 : memref<1x50x128xf32, #tpu.memory_space<vmem>> -> memref<50x128xf32, #tpu.memory_space<vmem>>
      %dma_wait3A_926 = arith.constant 0 : i32
      %dma_wait3A_927 = tpu.memref_slice %arg5[%dma_wait3A_919, %dma_wait3A_920, %dma_wait3A_926] : memref<2x8x50xi32, #tpu.memory_space<vmem>> -> memref<1x1x50xi32, #tpu.memory_space<vmem>>
      %dma_wait3A_928 = tpu.memref_squeeze %dma_wait3A_927 : memref<1x1x50xi32, #tpu.memory_space<vmem>> -> memref<50xi32, #tpu.memory_space<vmem>>
      %dma_wait3A_929 = arith.constant 0 : i32
      %dma_wait3A_930 = arith.constant 0 : i32
      %dma_wait3A_931 = tpu.memref_slice %arg2[%dma_wait3A_929, %dma_wait3A_930] : memref<100000x128xf32, #tpu.memory_space<hbm>> -> memref<100000x128xf32, #tpu.memory_space<hbm>>
      tpu.wait_indirect_dma semaphore(%arg8 : memref<!tpu.dma_semaphore, #tpu.memory_space<semaphore_mem>>) src(%dma_wait3A_931 : memref<100000x128xf32, #tpu.memory_space<hbm>>) dst(%dma_wait3A_925 : memref<50x128xf32, #tpu.memory_space<vmem>>)
      %dma_wait3A_932 = arith.constant 1 : i32
      %dma_wait3A_933 = arith.constant 4 : i32
      %dma_wait3A_934 = arith.constant 1 : i32
      %dma_wait3A_935 = arith.constant 200 : i32
      %dma_wait3A_936 = arith.constant 0 : i32
      %dma_wait3A_937 = tpu.memref_slice %arg6[%dma_wait3A_934, %dma_wait3A_935, %dma_wait3A_936] : memref<2x400x128xf32, #tpu.memory_space<vmem>> -> memref<1x50x128xf32, #tpu.memory_space<vmem>>
      %dma_wait3A_938 = tpu.memref_squeeze %dma_wait3A_937 : memref<1x50x128xf32, #tpu.memory_space<vmem>> -> memref<50x128xf32, #tpu.memory_space<vmem>>
      %dma_wait3A_939 = arith.constant 0 : i32
      %dma_wait3A_940 = tpu.memref_slice %arg5[%dma_wait3A_932, %dma_wait3A_933, %dma_wait3A_939] : memref<2x8x50xi32, #tpu.memory_space<vmem>> -> memref<1x1x50xi32, #tpu.memory_space<vmem>>
      %dma_wait3A_941 = tpu.memref_squeeze %dma_wait3A_940 : memref<1x1x50xi32, #tpu.memory_space<vmem>> -> memref<50xi32, #tpu.memory_space<vmem>>
      %dma_wait3A_942 = arith.constant 0 : i32
      %dma_wait3A_943 = arith.constant 0 : i32
      %dma_wait3A_944 = tpu.memref_slice %arg2[%dma_wait3A_942, %dma_wait3A_943] : memref<100000x128xf32, #tpu.memory_space<hbm>> -> memref<100000x128xf32, #tpu.memory_space<hbm>>
      tpu.wait_indirect_dma semaphore(%arg8 : memref<!tpu.dma_semaphore, #tpu.memory_space<semaphore_mem>>) src(%dma_wait3A_944 : memref<100000x128xf32, #tpu.memory_space<hbm>>) dst(%dma_wait3A_938 : memref<50x128xf32, #tpu.memory_space<vmem>>)
      %dma_wait3A_945 = arith.constant 1 : i32
      %dma_wait3A_946 = arith.constant 5 : i32
      %dma_wait3A_947 = arith.constant 1 : i32
      %dma_wait3A_948 = arith.constant 250 : i32
      %dma_wait3A_949 = arith.constant 0 : i32
      %dma_wait3A_950 = tpu.memref_slice %arg6[%dma_wait3A_947, %dma_wait3A_948, %dma_wait3A_949] : memref<2x400x128xf32, #tpu.memory_space<vmem>> -> memref<1x50x128xf32, #tpu.memory_space<vmem>>
      %dma_wait3A_951 = tpu.memref_squeeze %dma_wait3A_950 : memref<1x50x128xf32, #tpu.memory_space<vmem>> -> memref<50x128xf32, #tpu.memory_space<vmem>>
      %dma_wait3A_952 = arith.constant 0 : i32
      %dma_wait3A_953 = tpu.memref_slice %arg5[%dma_wait3A_945, %dma_wait3A_946, %dma_wait3A_952] : memref<2x8x50xi32, #tpu.memory_space<vmem>> -> memref<1x1x50xi32, #tpu.memory_space<vmem>>
      %dma_wait3A_954 = tpu.memref_squeeze %dma_wait3A_953 : memref<1x1x50xi32, #tpu.memory_space<vmem>> -> memref<50xi32, #tpu.memory_space<vmem>>
      %dma_wait3A_955 = arith.constant 0 : i32
      %dma_wait3A_956 = arith.constant 0 : i32
      %dma_wait3A_957 = tpu.memref_slice %arg2[%dma_wait3A_955, %dma_wait3A_956] : memref<100000x128xf32, #tpu.memory_space<hbm>> -> memref<100000x128xf32, #tpu.memory_space<hbm>>
      tpu.wait_indirect_dma semaphore(%arg8 : memref<!tpu.dma_semaphore, #tpu.memory_space<semaphore_mem>>) src(%dma_wait3A_957 : memref<100000x128xf32, #tpu.memory_space<hbm>>) dst(%dma_wait3A_951 : memref<50x128xf32, #tpu.memory_space<vmem>>)
      %dma_wait3A_958 = arith.constant 1 : i32
      %dma_wait3A_959 = arith.constant 6 : i32
      %dma_wait3A_960 = arith.constant 1 : i32
      %dma_wait3A_961 = arith.constant 300 : i32
      %dma_wait3A_962 = arith.constant 0 : i32
      %dma_wait3A_963 = tpu.memref_slice %arg6[%dma_wait3A_960, %dma_wait3A_961, %dma_wait3A_962] : memref<2x400x128xf32, #tpu.memory_space<vmem>> -> memref<1x50x128xf32, #tpu.memory_space<vmem>>
      %dma_wait3A_964 = tpu.memref_squeeze %dma_wait3A_963 : memref<1x50x128xf32, #tpu.memory_space<vmem>> -> memref<50x128xf32, #tpu.memory_space<vmem>>
      %dma_wait3A_965 = arith.constant 0 : i32
      %dma_wait3A_966 = tpu.memref_slice %arg5[%dma_wait3A_958, %dma_wait3A_959, %dma_wait3A_965] : memref<2x8x50xi32, #tpu.memory_space<vmem>> -> memref<1x1x50xi32, #tpu.memory_space<vmem>>
      %dma_wait3A_967 = tpu.memref_squeeze %dma_wait3A_966 : memref<1x1x50xi32, #tpu.memory_space<vmem>> -> memref<50xi32, #tpu.memory_space<vmem>>
      %dma_wait3A_968 = arith.constant 0 : i32
      %dma_wait3A_969 = arith.constant 0 : i32
      %dma_wait3A_970 = tpu.memref_slice %arg2[%dma_wait3A_968, %dma_wait3A_969] : memref<100000x128xf32, #tpu.memory_space<hbm>> -> memref<100000x128xf32, #tpu.memory_space<hbm>>
      tpu.wait_indirect_dma semaphore(%arg8 : memref<!tpu.dma_semaphore, #tpu.memory_space<semaphore_mem>>) src(%dma_wait3A_970 : memref<100000x128xf32, #tpu.memory_space<hbm>>) dst(%dma_wait3A_964 : memref<50x128xf32, #tpu.memory_space<vmem>>)
      %dma_wait3A_971 = arith.constant 1 : i32
      %dma_wait3A_972 = arith.constant 7 : i32
      %dma_wait3A_973 = arith.constant 1 : i32
      %dma_wait3A_974 = arith.constant 350 : i32
      %dma_wait3A_975 = arith.constant 0 : i32
      %dma_wait3A_976 = tpu.memref_slice %arg6[%dma_wait3A_973, %dma_wait3A_974, %dma_wait3A_975] : memref<2x400x128xf32, #tpu.memory_space<vmem>> -> memref<1x50x128xf32, #tpu.memory_space<vmem>>
      %dma_wait3A_977 = tpu.memref_squeeze %dma_wait3A_976 : memref<1x50x128xf32, #tpu.memory_space<vmem>> -> memref<50x128xf32, #tpu.memory_space<vmem>>
      %dma_wait3A_978 = arith.constant 0 : i32
      %dma_wait3A_979 = tpu.memref_slice %arg5[%dma_wait3A_971, %dma_wait3A_972, %dma_wait3A_978] : memref<2x8x50xi32, #tpu.memory_space<vmem>> -> memref<1x1x50xi32, #tpu.memory_space<vmem>>
      %dma_wait3A_980 = tpu.memref_squeeze %dma_wait3A_979 : memref<1x1x50xi32, #tpu.memory_space<vmem>> -> memref<50xi32, #tpu.memory_space<vmem>>
      %dma_wait3A_981 = arith.constant 0 : i32
      %dma_wait3A_982 = arith.constant 0 : i32
      %dma_wait3A_983 = tpu.memref_slice %arg2[%dma_wait3A_981, %dma_wait3A_982] : memref<100000x128xf32, #tpu.memory_space<hbm>> -> memref<100000x128xf32, #tpu.memory_space<hbm>>
      tpu.wait_indirect_dma semaphore(%arg8 : memref<!tpu.dma_semaphore, #tpu.memory_space<semaphore_mem>>) src(%dma_wait3A_983 : memref<100000x128xf32, #tpu.memory_space<hbm>>) dst(%dma_wait3A_977 : memref<50x128xf32, #tpu.memory_space<vmem>>)
      %add3A_984 = arith.constant 0 : i32
      %add3A_985 = arith.addi %add3A_750, %add3A_984 : i32
      %dma_start3A_986 = arith.constant 1 : i32
      %dma_start3A_987 = arith.constant 0 : i32
      %dma_start3A_988 = arith.constant 0 : i32
      %dma_start3A_989 = tpu.memref_slice %arg6[%dma_start3A_986, %dma_start3A_987, %dma_start3A_988] : memref<2x400x128xf32, #tpu.memory_space<vmem>> -> memref<1x50x128xf32, #tpu.memory_space<vmem>>
      %dma_start3A_990 = tpu.memref_squeeze %dma_start3A_989 : memref<1x50x128xf32, #tpu.memory_space<vmem>> -> memref<50x128xf32, #tpu.memory_space<vmem>>
      %dma_start3A_991 = arith.constant 0 : i32
      %dma_start3A_992 = arith.constant 0 : i32
      %dma_start3A_993 = tpu.memref_slice %arg4[%add3A_985, %dma_start3A_991, %dma_start3A_992] : memref<4096x50x128xf32, #tpu.memory_space<hbm>> -> memref<1x50x128xf32, #tpu.memory_space<hbm>>
      %dma_start3A_994 = tpu.memref_squeeze %dma_start3A_993 : memref<1x50x128xf32, #tpu.memory_space<hbm>> -> memref<50x128xf32, #tpu.memory_space<hbm>>
      %dma_start3A_995 = arith.constant 0 : i32
      %dma_start3A_996 = arith.constant 0 : i32
      %dma_start3A_997 = tpu.memref_slice %arg4[%add3A_985, %dma_start3A_995, %dma_start3A_996] : memref<4096x50x128xf32, #tpu.memory_space<hbm>> -> memref<1x50x128xf32, #tpu.memory_space<hbm>>
      %dma_start3A_998 = tpu.memref_squeeze %dma_start3A_997 : memref<1x50x128xf32, #tpu.memory_space<hbm>> -> memref<50x128xf32, #tpu.memory_space<hbm>>
      %dma_start3A_999 = arith.constant 0 : i32
      %dma_start3A_1000 = arith.constant 0 : i32
      %dma_start3A_1001 = tpu.memref_slice %arg6[%dma_start3A_986, %dma_start3A_999, %dma_start3A_1000] : memref<2x400x128xf32, #tpu.memory_space<vmem>> -> memref<1x50x128xf32, #tpu.memory_space<vmem>>
      %dma_start3A_1002 = tpu.memref_squeeze %dma_start3A_1001 : memref<1x50x128xf32, #tpu.memory_space<vmem>> -> memref<50x128xf32, #tpu.memory_space<vmem>>
      tpu.enqueue_dma source(%dma_start3A_1002 : memref<50x128xf32, #tpu.memory_space<vmem>>) target(%dma_start3A_998 : memref<50x128xf32, #tpu.memory_space<hbm>>) target_semaphore(%arg9 : memref<!tpu.dma_semaphore, #tpu.memory_space<semaphore_mem>>)
      %add3A_1003 = arith.constant 1 : i32
      %add3A_1004 = arith.addi %add3A_750, %add3A_1003 : i32
      %dma_start3A_1005 = arith.constant 1 : i32
      %dma_start3A_1006 = arith.constant 50 : i32
      %dma_start3A_1007 = arith.constant 0 : i32
      %dma_start3A_1008 = tpu.memref_slice %arg6[%dma_start3A_1005, %dma_start3A_1006, %dma_start3A_1007] : memref<2x400x128xf32, #tpu.memory_space<vmem>> -> memref<1x50x128xf32, #tpu.memory_space<vmem>>
      %dma_start3A_1009 = tpu.memref_squeeze %dma_start3A_1008 : memref<1x50x128xf32, #tpu.memory_space<vmem>> -> memref<50x128xf32, #tpu.memory_space<vmem>>
      %dma_start3A_1010 = arith.constant 0 : i32
      %dma_start3A_1011 = arith.constant 0 : i32
      %dma_start3A_1012 = tpu.memref_slice %arg4[%add3A_1004, %dma_start3A_1010, %dma_start3A_1011] : memref<4096x50x128xf32, #tpu.memory_space<hbm>> -> memref<1x50x128xf32, #tpu.memory_space<hbm>>
      %dma_start3A_1013 = tpu.memref_squeeze %dma_start3A_1012 : memref<1x50x128xf32, #tpu.memory_space<hbm>> -> memref<50x128xf32, #tpu.memory_space<hbm>>
      %dma_start3A_1014 = arith.constant 0 : i32
      %dma_start3A_1015 = arith.constant 0 : i32
      %dma_start3A_1016 = tpu.memref_slice %arg4[%add3A_1004, %dma_start3A_1014, %dma_start3A_1015] : memref<4096x50x128xf32, #tpu.memory_space<hbm>> -> memref<1x50x128xf32, #tpu.memory_space<hbm>>
      %dma_start3A_1017 = tpu.memref_squeeze %dma_start3A_1016 : memref<1x50x128xf32, #tpu.memory_space<hbm>> -> memref<50x128xf32, #tpu.memory_space<hbm>>
      %dma_start3A_1018 = arith.constant 50 : i32
      %dma_start3A_1019 = arith.constant 0 : i32
      %dma_start3A_1020 = tpu.memref_slice %arg6[%dma_start3A_1005, %dma_start3A_1018, %dma_start3A_1019] : memref<2x400x128xf32, #tpu.memory_space<vmem>> -> memref<1x50x128xf32, #tpu.memory_space<vmem>>
      %dma_start3A_1021 = tpu.memref_squeeze %dma_start3A_1020 : memref<1x50x128xf32, #tpu.memory_space<vmem>> -> memref<50x128xf32, #tpu.memory_space<vmem>>
      tpu.enqueue_dma source(%dma_start3A_1021 : memref<50x128xf32, #tpu.memory_space<vmem>>) target(%dma_start3A_1017 : memref<50x128xf32, #tpu.memory_space<hbm>>) target_semaphore(%arg9 : memref<!tpu.dma_semaphore, #tpu.memory_space<semaphore_mem>>)
      %add3A_1022 = arith.constant 2 : i32
      %add3A_1023 = arith.addi %add3A_750, %add3A_1022 : i32
      %dma_start3A_1024 = arith.constant 1 : i32
      %dma_start3A_1025 = arith.constant 100 : i32
      %dma_start3A_1026 = arith.constant 0 : i32
      %dma_start3A_1027 = tpu.memref_slice %arg6[%dma_start3A_1024, %dma_start3A_1025, %dma_start3A_1026] : memref<2x400x128xf32, #tpu.memory_space<vmem>> -> memref<1x50x128xf32, #tpu.memory_space<vmem>>
      %dma_start3A_1028 = tpu.memref_squeeze %dma_start3A_1027 : memref<1x50x128xf32, #tpu.memory_space<vmem>> -> memref<50x128xf32, #tpu.memory_space<vmem>>
      %dma_start3A_1029 = arith.constant 0 : i32
      %dma_start3A_1030 = arith.constant 0 : i32
      %dma_start3A_1031 = tpu.memref_slice %arg4[%add3A_1023, %dma_start3A_1029, %dma_start3A_1030] : memref<4096x50x128xf32, #tpu.memory_space<hbm>> -> memref<1x50x128xf32, #tpu.memory_space<hbm>>
      %dma_start3A_1032 = tpu.memref_squeeze %dma_start3A_1031 : memref<1x50x128xf32, #tpu.memory_space<hbm>> -> memref<50x128xf32, #tpu.memory_space<hbm>>
      %dma_start3A_1033 = arith.constant 0 : i32
      %dma_start3A_1034 = arith.constant 0 : i32
      %dma_start3A_1035 = tpu.memref_slice %arg4[%add3A_1023, %dma_start3A_1033, %dma_start3A_1034] : memref<4096x50x128xf32, #tpu.memory_space<hbm>> -> memref<1x50x128xf32, #tpu.memory_space<hbm>>
      %dma_start3A_1036 = tpu.memref_squeeze %dma_start3A_1035 : memref<1x50x128xf32, #tpu.memory_space<hbm>> -> memref<50x128xf32, #tpu.memory_space<hbm>>
      %dma_start3A_1037 = arith.constant 100 : i32
      %dma_start3A_1038 = arith.constant 0 : i32
      %dma_start3A_1039 = tpu.memref_slice %arg6[%dma_start3A_1024, %dma_start3A_1037, %dma_start3A_1038] : memref<2x400x128xf32, #tpu.memory_space<vmem>> -> memref<1x50x128xf32, #tpu.memory_space<vmem>>
      %dma_start3A_1040 = tpu.memref_squeeze %dma_start3A_1039 : memref<1x50x128xf32, #tpu.memory_space<vmem>> -> memref<50x128xf32, #tpu.memory_space<vmem>>
      tpu.enqueue_dma source(%dma_start3A_1040 : memref<50x128xf32, #tpu.memory_space<vmem>>) target(%dma_start3A_1036 : memref<50x128xf32, #tpu.memory_space<hbm>>) target_semaphore(%arg9 : memref<!tpu.dma_semaphore, #tpu.memory_space<semaphore_mem>>)
      %add3A_1041 = arith.constant 3 : i32
      %add3A_1042 = arith.addi %add3A_750, %add3A_1041 : i32
      %dma_start3A_1043 = arith.constant 1 : i32
      %dma_start3A_1044 = arith.constant 150 : i32
      %dma_start3A_1045 = arith.constant 0 : i32
      %dma_start3A_1046 = tpu.memref_slice %arg6[%dma_start3A_1043, %dma_start3A_1044, %dma_start3A_1045] : memref<2x400x128xf32, #tpu.memory_space<vmem>> -> memref<1x50x128xf32, #tpu.memory_space<vmem>>
      %dma_start3A_1047 = tpu.memref_squeeze %dma_start3A_1046 : memref<1x50x128xf32, #tpu.memory_space<vmem>> -> memref<50x128xf32, #tpu.memory_space<vmem>>
      %dma_start3A_1048 = arith.constant 0 : i32
      %dma_start3A_1049 = arith.constant 0 : i32
      %dma_start3A_1050 = tpu.memref_slice %arg4[%add3A_1042, %dma_start3A_1048, %dma_start3A_1049] : memref<4096x50x128xf32, #tpu.memory_space<hbm>> -> memref<1x50x128xf32, #tpu.memory_space<hbm>>
      %dma_start3A_1051 = tpu.memref_squeeze %dma_start3A_1050 : memref<1x50x128xf32, #tpu.memory_space<hbm>> -> memref<50x128xf32, #tpu.memory_space<hbm>>
      %dma_start3A_1052 = arith.constant 0 : i32
      %dma_start3A_1053 = arith.constant 0 : i32
      %dma_start3A_1054 = tpu.memref_slice %arg4[%add3A_1042, %dma_start3A_1052, %dma_start3A_1053] : memref<4096x50x128xf32, #tpu.memory_space<hbm>> -> memref<1x50x128xf32, #tpu.memory_space<hbm>>
      %dma_start3A_1055 = tpu.memref_squeeze %dma_start3A_1054 : memref<1x50x128xf32, #tpu.memory_space<hbm>> -> memref<50x128xf32, #tpu.memory_space<hbm>>
      %dma_start3A_1056 = arith.constant 150 : i32
      %dma_start3A_1057 = arith.constant 0 : i32
      %dma_start3A_1058 = tpu.memref_slice %arg6[%dma_start3A_1043, %dma_start3A_1056, %dma_start3A_1057] : memref<2x400x128xf32, #tpu.memory_space<vmem>> -> memref<1x50x128xf32, #tpu.memory_space<vmem>>
      %dma_start3A_1059 = tpu.memref_squeeze %dma_start3A_1058 : memref<1x50x128xf32, #tpu.memory_space<vmem>> -> memref<50x128xf32, #tpu.memory_space<vmem>>
      tpu.enqueue_dma source(%dma_start3A_1059 : memref<50x128xf32, #tpu.memory_space<vmem>>) target(%dma_start3A_1055 : memref<50x128xf32, #tpu.memory_space<hbm>>) target_semaphore(%arg9 : memref<!tpu.dma_semaphore, #tpu.memory_space<semaphore_mem>>)
      %add3A_1060 = arith.constant 4 : i32
      %add3A_1061 = arith.addi %add3A_750, %add3A_1060 : i32
      %dma_start3A_1062 = arith.constant 1 : i32
      %dma_start3A_1063 = arith.constant 200 : i32
      %dma_start3A_1064 = arith.constant 0 : i32
      %dma_start3A_1065 = tpu.memref_slice %arg6[%dma_start3A_1062, %dma_start3A_1063, %dma_start3A_1064] : memref<2x400x128xf32, #tpu.memory_space<vmem>> -> memref<1x50x128xf32, #tpu.memory_space<vmem>>
      %dma_start3A_1066 = tpu.memref_squeeze %dma_start3A_1065 : memref<1x50x128xf32, #tpu.memory_space<vmem>> -> memref<50x128xf32, #tpu.memory_space<vmem>>
      %dma_start3A_1067 = arith.constant 0 : i32
      %dma_start3A_1068 = arith.constant 0 : i32
      %dma_start3A_1069 = tpu.memref_slice %arg4[%add3A_1061, %dma_start3A_1067, %dma_start3A_1068] : memref<4096x50x128xf32, #tpu.memory_space<hbm>> -> memref<1x50x128xf32, #tpu.memory_space<hbm>>
      %dma_start3A_1070 = tpu.memref_squeeze %dma_start3A_1069 : memref<1x50x128xf32, #tpu.memory_space<hbm>> -> memref<50x128xf32, #tpu.memory_space<hbm>>
      %dma_start3A_1071 = arith.constant 0 : i32
      %dma_start3A_1072 = arith.constant 0 : i32
      %dma_start3A_1073 = tpu.memref_slice %arg4[%add3A_1061, %dma_start3A_1071, %dma_start3A_1072] : memref<4096x50x128xf32, #tpu.memory_space<hbm>> -> memref<1x50x128xf32, #tpu.memory_space<hbm>>
      %dma_start3A_1074 = tpu.memref_squeeze %dma_start3A_1073 : memref<1x50x128xf32, #tpu.memory_space<hbm>> -> memref<50x128xf32, #tpu.memory_space<hbm>>
      %dma_start3A_1075 = arith.constant 200 : i32
      %dma_start3A_1076 = arith.constant 0 : i32
      %dma_start3A_1077 = tpu.memref_slice %arg6[%dma_start3A_1062, %dma_start3A_1075, %dma_start3A_1076] : memref<2x400x128xf32, #tpu.memory_space<vmem>> -> memref<1x50x128xf32, #tpu.memory_space<vmem>>
      %dma_start3A_1078 = tpu.memref_squeeze %dma_start3A_1077 : memref<1x50x128xf32, #tpu.memory_space<vmem>> -> memref<50x128xf32, #tpu.memory_space<vmem>>
      tpu.enqueue_dma source(%dma_start3A_1078 : memref<50x128xf32, #tpu.memory_space<vmem>>) target(%dma_start3A_1074 : memref<50x128xf32, #tpu.memory_space<hbm>>) target_semaphore(%arg9 : memref<!tpu.dma_semaphore, #tpu.memory_space<semaphore_mem>>)
      %add3A_1079 = arith.constant 5 : i32
      %add3A_1080 = arith.addi %add3A_750, %add3A_1079 : i32
      %dma_start3A_1081 = arith.constant 1 : i32
      %dma_start3A_1082 = arith.constant 250 : i32
      %dma_start3A_1083 = arith.constant 0 : i32
      %dma_start3A_1084 = tpu.memref_slice %arg6[%dma_start3A_1081, %dma_start3A_1082, %dma_start3A_1083] : memref<2x400x128xf32, #tpu.memory_space<vmem>> -> memref<1x50x128xf32, #tpu.memory_space<vmem>>
      %dma_start3A_1085 = tpu.memref_squeeze %dma_start3A_1084 : memref<1x50x128xf32, #tpu.memory_space<vmem>> -> memref<50x128xf32, #tpu.memory_space<vmem>>
      %dma_start3A_1086 = arith.constant 0 : i32
      %dma_start3A_1087 = arith.constant 0 : i32
      %dma_start3A_1088 = tpu.memref_slice %arg4[%add3A_1080, %dma_start3A_1086, %dma_start3A_1087] : memref<4096x50x128xf32, #tpu.memory_space<hbm>> -> memref<1x50x128xf32, #tpu.memory_space<hbm>>
      %dma_start3A_1089 = tpu.memref_squeeze %dma_start3A_1088 : memref<1x50x128xf32, #tpu.memory_space<hbm>> -> memref<50x128xf32, #tpu.memory_space<hbm>>
      %dma_start3A_1090 = arith.constant 0 : i32
      %dma_start3A_1091 = arith.constant 0 : i32
      %dma_start3A_1092 = tpu.memref_slice %arg4[%add3A_1080, %dma_start3A_1090, %dma_start3A_1091] : memref<4096x50x128xf32, #tpu.memory_space<hbm>> -> memref<1x50x128xf32, #tpu.memory_space<hbm>>
      %dma_start3A_1093 = tpu.memref_squeeze %dma_start3A_1092 : memref<1x50x128xf32, #tpu.memory_space<hbm>> -> memref<50x128xf32, #tpu.memory_space<hbm>>
      %dma_start3A_1094 = arith.constant 250 : i32
      %dma_start3A_1095 = arith.constant 0 : i32
      %dma_start3A_1096 = tpu.memref_slice %arg6[%dma_start3A_1081, %dma_start3A_1094, %dma_start3A_1095] : memref<2x400x128xf32, #tpu.memory_space<vmem>> -> memref<1x50x128xf32, #tpu.memory_space<vmem>>
      %dma_start3A_1097 = tpu.memref_squeeze %dma_start3A_1096 : memref<1x50x128xf32, #tpu.memory_space<vmem>> -> memref<50x128xf32, #tpu.memory_space<vmem>>
      tpu.enqueue_dma source(%dma_start3A_1097 : memref<50x128xf32, #tpu.memory_space<vmem>>) target(%dma_start3A_1093 : memref<50x128xf32, #tpu.memory_space<hbm>>) target_semaphore(%arg9 : memref<!tpu.dma_semaphore, #tpu.memory_space<semaphore_mem>>)
      %add3A_1098 = arith.constant 6 : i32
      %add3A_1099 = arith.addi %add3A_750, %add3A_1098 : i32
      %dma_start3A_1100 = arith.constant 1 : i32
      %dma_start3A_1101 = arith.constant 300 : i32
      %dma_start3A_1102 = arith.constant 0 : i32
      %dma_start3A_1103 = tpu.memref_slice %arg6[%dma_start3A_1100, %dma_start3A_1101, %dma_start3A_1102] : memref<2x400x128xf32, #tpu.memory_space<vmem>> -> memref<1x50x128xf32, #tpu.memory_space<vmem>>
      %dma_start3A_1104 = tpu.memref_squeeze %dma_start3A_1103 : memref<1x50x128xf32, #tpu.memory_space<vmem>> -> memref<50x128xf32, #tpu.memory_space<vmem>>
      %dma_start3A_1105 = arith.constant 0 : i32
      %dma_start3A_1106 = arith.constant 0 : i32
      %dma_start3A_1107 = tpu.memref_slice %arg4[%add3A_1099, %dma_start3A_1105, %dma_start3A_1106] : memref<4096x50x128xf32, #tpu.memory_space<hbm>> -> memref<1x50x128xf32, #tpu.memory_space<hbm>>
      %dma_start3A_1108 = tpu.memref_squeeze %dma_start3A_1107 : memref<1x50x128xf32, #tpu.memory_space<hbm>> -> memref<50x128xf32, #tpu.memory_space<hbm>>
      %dma_start3A_1109 = arith.constant 0 : i32
      %dma_start3A_1110 = arith.constant 0 : i32
      %dma_start3A_1111 = tpu.memref_slice %arg4[%add3A_1099, %dma_start3A_1109, %dma_start3A_1110] : memref<4096x50x128xf32, #tpu.memory_space<hbm>> -> memref<1x50x128xf32, #tpu.memory_space<hbm>>
      %dma_start3A_1112 = tpu.memref_squeeze %dma_start3A_1111 : memref<1x50x128xf32, #tpu.memory_space<hbm>> -> memref<50x128xf32, #tpu.memory_space<hbm>>
      %dma_start3A_1113 = arith.constant 300 : i32
      %dma_start3A_1114 = arith.constant 0 : i32
      %dma_start3A_1115 = tpu.memref_slice %arg6[%dma_start3A_1100, %dma_start3A_1113, %dma_start3A_1114] : memref<2x400x128xf32, #tpu.memory_space<vmem>> -> memref<1x50x128xf32, #tpu.memory_space<vmem>>
      %dma_start3A_1116 = tpu.memref_squeeze %dma_start3A_1115 : memref<1x50x128xf32, #tpu.memory_space<vmem>> -> memref<50x128xf32, #tpu.memory_space<vmem>>
      tpu.enqueue_dma source(%dma_start3A_1116 : memref<50x128xf32, #tpu.memory_space<vmem>>) target(%dma_start3A_1112 : memref<50x128xf32, #tpu.memory_space<hbm>>) target_semaphore(%arg9 : memref<!tpu.dma_semaphore, #tpu.memory_space<semaphore_mem>>)
      %add3A_1117 = arith.constant 7 : i32
      %add3A_1118 = arith.addi %add3A_750, %add3A_1117 : i32
      %dma_start3A_1119 = arith.constant 1 : i32
      %dma_start3A_1120 = arith.constant 350 : i32
      %dma_start3A_1121 = arith.constant 0 : i32
      %dma_start3A_1122 = tpu.memref_slice %arg6[%dma_start3A_1119, %dma_start3A_1120, %dma_start3A_1121] : memref<2x400x128xf32, #tpu.memory_space<vmem>> -> memref<1x50x128xf32, #tpu.memory_space<vmem>>
      %dma_start3A_1123 = tpu.memref_squeeze %dma_start3A_1122 : memref<1x50x128xf32, #tpu.memory_space<vmem>> -> memref<50x128xf32, #tpu.memory_space<vmem>>
      %dma_start3A_1124 = arith.constant 0 : i32
      %dma_start3A_1125 = arith.constant 0 : i32
      %dma_start3A_1126 = tpu.memref_slice %arg4[%add3A_1118, %dma_start3A_1124, %dma_start3A_1125] : memref<4096x50x128xf32, #tpu.memory_space<hbm>> -> memref<1x50x128xf32, #tpu.memory_space<hbm>>
      %dma_start3A_1127 = tpu.memref_squeeze %dma_start3A_1126 : memref<1x50x128xf32, #tpu.memory_space<hbm>> -> memref<50x128xf32, #tpu.memory_space<hbm>>
      %dma_start3A_1128 = arith.constant 0 : i32
      %dma_start3A_1129 = arith.constant 0 : i32
      %dma_start3A_1130 = tpu.memref_slice %arg4[%add3A_1118, %dma_start3A_1128, %dma_start3A_1129] : memref<4096x50x128xf32, #tpu.memory_space<hbm>> -> memref<1x50x128xf32, #tpu.memory_space<hbm>>
      %dma_start3A_1131 = tpu.memref_squeeze %dma_start3A_1130 : memref<1x50x128xf32, #tpu.memory_space<hbm>> -> memref<50x128xf32, #tpu.memory_space<hbm>>
      %dma_start3A_1132 = arith.constant 350 : i32
      %dma_start3A_1133 = arith.constant 0 : i32
      %dma_start3A_1134 = tpu.memref_slice %arg6[%dma_start3A_1119, %dma_start3A_1132, %dma_start3A_1133] : memref<2x400x128xf32, #tpu.memory_space<vmem>> -> memref<1x50x128xf32, #tpu.memory_space<vmem>>
      %dma_start3A_1135 = tpu.memref_squeeze %dma_start3A_1134 : memref<1x50x128xf32, #tpu.memory_space<vmem>> -> memref<50x128xf32, #tpu.memory_space<vmem>>
      tpu.enqueue_dma source(%dma_start3A_1135 : memref<50x128xf32, #tpu.memory_space<vmem>>) target(%dma_start3A_1131 : memref<50x128xf32, #tpu.memory_space<hbm>>) target_semaphore(%arg9 : memref<!tpu.dma_semaphore, #tpu.memory_space<semaphore_mem>>)
    }
    %scan3A_19 = arith.constant 8 : i32
    %add3A_20 = arith.constant 112 : i32
    %add3A_21 = arith.addi %mul3A_2, %add3A_20 : i32
    %add3A_22 = arith.constant 0 : i32
    %add3A_23 = arith.addi %add3A_21, %add3A_22 : i32
    %dma_wait3A = arith.constant 0 : i32
    %dma_wait3A_24 = arith.constant 0 : i32
    %dma_wait3A_25 = arith.constant 0 : i32
    %dma_wait3A_26 = tpu.memref_slice %arg6[%dma_wait3A, %dma_wait3A_24, %dma_wait3A_25] : memref<2x400x128xf32, #tpu.memory_space<vmem>> -> memref<1x50x128xf32, #tpu.memory_space<vmem>>
    %dma_wait3A_27 = tpu.memref_squeeze %dma_wait3A_26 : memref<1x50x128xf32, #tpu.memory_space<vmem>> -> memref<50x128xf32, #tpu.memory_space<vmem>>
    %dma_wait3A_28 = arith.constant 0 : i32
    %dma_wait3A_29 = arith.constant 0 : i32
    %dma_wait3A_30 = tpu.memref_slice %arg4[%add3A_23, %dma_wait3A_28, %dma_wait3A_29] : memref<4096x50x128xf32, #tpu.memory_space<hbm>> -> memref<1x50x128xf32, #tpu.memory_space<hbm>>
    %dma_wait3A_31 = tpu.memref_squeeze %dma_wait3A_30 : memref<1x50x128xf32, #tpu.memory_space<hbm>> -> memref<50x128xf32, #tpu.memory_space<hbm>>
    %dma_wait3A_32 = arith.constant 0 : i32
    %dma_wait3A_33 = arith.constant 0 : i32
    %dma_wait3A_34 = tpu.memref_slice %arg4[%add3A_23, %dma_wait3A_32, %dma_wait3A_33] : memref<4096x50x128xf32, #tpu.memory_space<hbm>> -> memref<1x50x128xf32, #tpu.memory_space<hbm>>
    %dma_wait3A_35 = tpu.memref_squeeze %dma_wait3A_34 : memref<1x50x128xf32, #tpu.memory_space<hbm>> -> memref<50x128xf32, #tpu.memory_space<hbm>>
    %dma_wait3A_36 = arith.constant 0 : i32
    %dma_wait3A_37 = arith.constant 0 : i32
    %dma_wait3A_38 = tpu.memref_slice %arg6[%dma_wait3A, %dma_wait3A_36, %dma_wait3A_37] : memref<2x400x128xf32, #tpu.memory_space<vmem>> -> memref<1x50x128xf32, #tpu.memory_space<vmem>>
    %dma_wait3A_39 = tpu.memref_squeeze %dma_wait3A_38 : memref<1x50x128xf32, #tpu.memory_space<vmem>> -> memref<50x128xf32, #tpu.memory_space<vmem>>
    tpu.wait_dma2 semaphore(%arg9 : memref<!tpu.dma_semaphore, #tpu.memory_space<semaphore_mem>>) src(%dma_wait3A_39 : memref<50x128xf32, #tpu.memory_space<vmem>>) dst(%dma_wait3A_35 : memref<50x128xf32, #tpu.memory_space<hbm>>)
    %add3A_40 = arith.constant 112 : i32
    %add3A_41 = arith.addi %mul3A_2, %add3A_40 : i32
    %add3A_42 = arith.constant 1 : i32
    %add3A_43 = arith.addi %add3A_41, %add3A_42 : i32
    %dma_wait3A_44 = arith.constant 0 : i32
    %dma_wait3A_45 = arith.constant 50 : i32
    %dma_wait3A_46 = arith.constant 0 : i32
    %dma_wait3A_47 = tpu.memref_slice %arg6[%dma_wait3A_44, %dma_wait3A_45, %dma_wait3A_46] : memref<2x400x128xf32, #tpu.memory_space<vmem>> -> memref<1x50x128xf32, #tpu.memory_space<vmem>>
    %dma_wait3A_48 = tpu.memref_squeeze %dma_wait3A_47 : memref<1x50x128xf32, #tpu.memory_space<vmem>> -> memref<50x128xf32, #tpu.memory_space<vmem>>
    %dma_wait3A_49 = arith.constant 0 : i32
    %dma_wait3A_50 = arith.constant 0 : i32
    %dma_wait3A_51 = tpu.memref_slice %arg4[%add3A_43, %dma_wait3A_49, %dma_wait3A_50] : memref<4096x50x128xf32, #tpu.memory_space<hbm>> -> memref<1x50x128xf32, #tpu.memory_space<hbm>>
    %dma_wait3A_52 = tpu.memref_squeeze %dma_wait3A_51 : memref<1x50x128xf32, #tpu.memory_space<hbm>> -> memref<50x128xf32, #tpu.memory_space<hbm>>
    %dma_wait3A_53 = arith.constant 0 : i32
    %dma_wait3A_54 = arith.constant 0 : i32
    %dma_wait3A_55 = tpu.memref_slice %arg4[%add3A_43, %dma_wait3A_53, %dma_wait3A_54] : memref<4096x50x128xf32, #tpu.memory_space<hbm>> -> memref<1x50x128xf32, #tpu.memory_space<hbm>>
    %dma_wait3A_56 = tpu.memref_squeeze %dma_wait3A_55 : memref<1x50x128xf32, #tpu.memory_space<hbm>> -> memref<50x128xf32, #tpu.memory_space<hbm>>
    %dma_wait3A_57 = arith.constant 50 : i32
    %dma_wait3A_58 = arith.constant 0 : i32
    %dma_wait3A_59 = tpu.memref_slice %arg6[%dma_wait3A_44, %dma_wait3A_57, %dma_wait3A_58] : memref<2x400x128xf32, #tpu.memory_space<vmem>> -> memref<1x50x128xf32, #tpu.memory_space<vmem>>
    %dma_wait3A_60 = tpu.memref_squeeze %dma_wait3A_59 : memref<1x50x128xf32, #tpu.memory_space<vmem>> -> memref<50x128xf32, #tpu.memory_space<vmem>>
    tpu.wait_dma2 semaphore(%arg9 : memref<!tpu.dma_semaphore, #tpu.memory_space<semaphore_mem>>) src(%dma_wait3A_60 : memref<50x128xf32, #tpu.memory_space<vmem>>) dst(%dma_wait3A_56 : memref<50x128xf32, #tpu.memory_space<hbm>>)
    %add3A_61 = arith.constant 112 : i32
    %add3A_62 = arith.addi %mul3A_2, %add3A_61 : i32
    %add3A_63 = arith.constant 2 : i32
    %add3A_64 = arith.addi %add3A_62, %add3A_63 : i32
    %dma_wait3A_65 = arith.constant 0 : i32
    %dma_wait3A_66 = arith.constant 100 : i32
    %dma_wait3A_67 = arith.constant 0 : i32
    %dma_wait3A_68 = tpu.memref_slice %arg6[%dma_wait3A_65, %dma_wait3A_66, %dma_wait3A_67] : memref<2x400x128xf32, #tpu.memory_space<vmem>> -> memref<1x50x128xf32, #tpu.memory_space<vmem>>
    %dma_wait3A_69 = tpu.memref_squeeze %dma_wait3A_68 : memref<1x50x128xf32, #tpu.memory_space<vmem>> -> memref<50x128xf32, #tpu.memory_space<vmem>>
    %dma_wait3A_70 = arith.constant 0 : i32
    %dma_wait3A_71 = arith.constant 0 : i32
    %dma_wait3A_72 = tpu.memref_slice %arg4[%add3A_64, %dma_wait3A_70, %dma_wait3A_71] : memref<4096x50x128xf32, #tpu.memory_space<hbm>> -> memref<1x50x128xf32, #tpu.memory_space<hbm>>
    %dma_wait3A_73 = tpu.memref_squeeze %dma_wait3A_72 : memref<1x50x128xf32, #tpu.memory_space<hbm>> -> memref<50x128xf32, #tpu.memory_space<hbm>>
    %dma_wait3A_74 = arith.constant 0 : i32
    %dma_wait3A_75 = arith.constant 0 : i32
    %dma_wait3A_76 = tpu.memref_slice %arg4[%add3A_64, %dma_wait3A_74, %dma_wait3A_75] : memref<4096x50x128xf32, #tpu.memory_space<hbm>> -> memref<1x50x128xf32, #tpu.memory_space<hbm>>
    %dma_wait3A_77 = tpu.memref_squeeze %dma_wait3A_76 : memref<1x50x128xf32, #tpu.memory_space<hbm>> -> memref<50x128xf32, #tpu.memory_space<hbm>>
    %dma_wait3A_78 = arith.constant 100 : i32
    %dma_wait3A_79 = arith.constant 0 : i32
    %dma_wait3A_80 = tpu.memref_slice %arg6[%dma_wait3A_65, %dma_wait3A_78, %dma_wait3A_79] : memref<2x400x128xf32, #tpu.memory_space<vmem>> -> memref<1x50x128xf32, #tpu.memory_space<vmem>>
    %dma_wait3A_81 = tpu.memref_squeeze %dma_wait3A_80 : memref<1x50x128xf32, #tpu.memory_space<vmem>> -> memref<50x128xf32, #tpu.memory_space<vmem>>
    tpu.wait_dma2 semaphore(%arg9 : memref<!tpu.dma_semaphore, #tpu.memory_space<semaphore_mem>>) src(%dma_wait3A_81 : memref<50x128xf32, #tpu.memory_space<vmem>>) dst(%dma_wait3A_77 : memref<50x128xf32, #tpu.memory_space<hbm>>)
    %add3A_82 = arith.constant 112 : i32
    %add3A_83 = arith.addi %mul3A_2, %add3A_82 : i32
    %add3A_84 = arith.constant 3 : i32
    %add3A_85 = arith.addi %add3A_83, %add3A_84 : i32
    %dma_wait3A_86 = arith.constant 0 : i32
    %dma_wait3A_87 = arith.constant 150 : i32
    %dma_wait3A_88 = arith.constant 0 : i32
    %dma_wait3A_89 = tpu.memref_slice %arg6[%dma_wait3A_86, %dma_wait3A_87, %dma_wait3A_88] : memref<2x400x128xf32, #tpu.memory_space<vmem>> -> memref<1x50x128xf32, #tpu.memory_space<vmem>>
    %dma_wait3A_90 = tpu.memref_squeeze %dma_wait3A_89 : memref<1x50x128xf32, #tpu.memory_space<vmem>> -> memref<50x128xf32, #tpu.memory_space<vmem>>
    %dma_wait3A_91 = arith.constant 0 : i32
    %dma_wait3A_92 = arith.constant 0 : i32
    %dma_wait3A_93 = tpu.memref_slice %arg4[%add3A_85, %dma_wait3A_91, %dma_wait3A_92] : memref<4096x50x128xf32, #tpu.memory_space<hbm>> -> memref<1x50x128xf32, #tpu.memory_space<hbm>>
    %dma_wait3A_94 = tpu.memref_squeeze %dma_wait3A_93 : memref<1x50x128xf32, #tpu.memory_space<hbm>> -> memref<50x128xf32, #tpu.memory_space<hbm>>
    %dma_wait3A_95 = arith.constant 0 : i32
    %dma_wait3A_96 = arith.constant 0 : i32
    %dma_wait3A_97 = tpu.memref_slice %arg4[%add3A_85, %dma_wait3A_95, %dma_wait3A_96] : memref<4096x50x128xf32, #tpu.memory_space<hbm>> -> memref<1x50x128xf32, #tpu.memory_space<hbm>>
    %dma_wait3A_98 = tpu.memref_squeeze %dma_wait3A_97 : memref<1x50x128xf32, #tpu.memory_space<hbm>> -> memref<50x128xf32, #tpu.memory_space<hbm>>
    %dma_wait3A_99 = arith.constant 150 : i32
    %dma_wait3A_100 = arith.constant 0 : i32
    %dma_wait3A_101 = tpu.memref_slice %arg6[%dma_wait3A_86, %dma_wait3A_99, %dma_wait3A_100] : memref<2x400x128xf32, #tpu.memory_space<vmem>> -> memref<1x50x128xf32, #tpu.memory_space<vmem>>
    %dma_wait3A_102 = tpu.memref_squeeze %dma_wait3A_101 : memref<1x50x128xf32, #tpu.memory_space<vmem>> -> memref<50x128xf32, #tpu.memory_space<vmem>>
    tpu.wait_dma2 semaphore(%arg9 : memref<!tpu.dma_semaphore, #tpu.memory_space<semaphore_mem>>) src(%dma_wait3A_102 : memref<50x128xf32, #tpu.memory_space<vmem>>) dst(%dma_wait3A_98 : memref<50x128xf32, #tpu.memory_space<hbm>>)
    %add3A_103 = arith.constant 112 : i32
    %add3A_104 = arith.addi %mul3A_2, %add3A_103 : i32
    %add3A_105 = arith.constant 4 : i32
    %add3A_106 = arith.addi %add3A_104, %add3A_105 : i32
    %dma_wait3A_107 = arith.constant 0 : i32
    %dma_wait3A_108 = arith.constant 200 : i32
    %dma_wait3A_109 = arith.constant 0 : i32
    %dma_wait3A_110 = tpu.memref_slice %arg6[%dma_wait3A_107, %dma_wait3A_108, %dma_wait3A_109] : memref<2x400x128xf32, #tpu.memory_space<vmem>> -> memref<1x50x128xf32, #tpu.memory_space<vmem>>
    %dma_wait3A_111 = tpu.memref_squeeze %dma_wait3A_110 : memref<1x50x128xf32, #tpu.memory_space<vmem>> -> memref<50x128xf32, #tpu.memory_space<vmem>>
    %dma_wait3A_112 = arith.constant 0 : i32
    %dma_wait3A_113 = arith.constant 0 : i32
    %dma_wait3A_114 = tpu.memref_slice %arg4[%add3A_106, %dma_wait3A_112, %dma_wait3A_113] : memref<4096x50x128xf32, #tpu.memory_space<hbm>> -> memref<1x50x128xf32, #tpu.memory_space<hbm>>
    %dma_wait3A_115 = tpu.memref_squeeze %dma_wait3A_114 : memref<1x50x128xf32, #tpu.memory_space<hbm>> -> memref<50x128xf32, #tpu.memory_space<hbm>>
    %dma_wait3A_116 = arith.constant 0 : i32
    %dma_wait3A_117 = arith.constant 0 : i32
    %dma_wait3A_118 = tpu.memref_slice %arg4[%add3A_106, %dma_wait3A_116, %dma_wait3A_117] : memref<4096x50x128xf32, #tpu.memory_space<hbm>> -> memref<1x50x128xf32, #tpu.memory_space<hbm>>
    %dma_wait3A_119 = tpu.memref_squeeze %dma_wait3A_118 : memref<1x50x128xf32, #tpu.memory_space<hbm>> -> memref<50x128xf32, #tpu.memory_space<hbm>>
    %dma_wait3A_120 = arith.constant 200 : i32
    %dma_wait3A_121 = arith.constant 0 : i32
    %dma_wait3A_122 = tpu.memref_slice %arg6[%dma_wait3A_107, %dma_wait3A_120, %dma_wait3A_121] : memref<2x400x128xf32, #tpu.memory_space<vmem>> -> memref<1x50x128xf32, #tpu.memory_space<vmem>>
    %dma_wait3A_123 = tpu.memref_squeeze %dma_wait3A_122 : memref<1x50x128xf32, #tpu.memory_space<vmem>> -> memref<50x128xf32, #tpu.memory_space<vmem>>
    tpu.wait_dma2 semaphore(%arg9 : memref<!tpu.dma_semaphore, #tpu.memory_space<semaphore_mem>>) src(%dma_wait3A_123 : memref<50x128xf32, #tpu.memory_space<vmem>>) dst(%dma_wait3A_119 : memref<50x128xf32, #tpu.memory_space<hbm>>)
    %add3A_124 = arith.constant 112 : i32
    %add3A_125 = arith.addi %mul3A_2, %add3A_124 : i32
    %add3A_126 = arith.constant 5 : i32
    %add3A_127 = arith.addi %add3A_125, %add3A_126 : i32
    %dma_wait3A_128 = arith.constant 0 : i32
    %dma_wait3A_129 = arith.constant 250 : i32
    %dma_wait3A_130 = arith.constant 0 : i32
    %dma_wait3A_131 = tpu.memref_slice %arg6[%dma_wait3A_128, %dma_wait3A_129, %dma_wait3A_130] : memref<2x400x128xf32, #tpu.memory_space<vmem>> -> memref<1x50x128xf32, #tpu.memory_space<vmem>>
    %dma_wait3A_132 = tpu.memref_squeeze %dma_wait3A_131 : memref<1x50x128xf32, #tpu.memory_space<vmem>> -> memref<50x128xf32, #tpu.memory_space<vmem>>
    %dma_wait3A_133 = arith.constant 0 : i32
    %dma_wait3A_134 = arith.constant 0 : i32
    %dma_wait3A_135 = tpu.memref_slice %arg4[%add3A_127, %dma_wait3A_133, %dma_wait3A_134] : memref<4096x50x128xf32, #tpu.memory_space<hbm>> -> memref<1x50x128xf32, #tpu.memory_space<hbm>>
    %dma_wait3A_136 = tpu.memref_squeeze %dma_wait3A_135 : memref<1x50x128xf32, #tpu.memory_space<hbm>> -> memref<50x128xf32, #tpu.memory_space<hbm>>
    %dma_wait3A_137 = arith.constant 0 : i32
    %dma_wait3A_138 = arith.constant 0 : i32
    %dma_wait3A_139 = tpu.memref_slice %arg4[%add3A_127, %dma_wait3A_137, %dma_wait3A_138] : memref<4096x50x128xf32, #tpu.memory_space<hbm>> -> memref<1x50x128xf32, #tpu.memory_space<hbm>>
    %dma_wait3A_140 = tpu.memref_squeeze %dma_wait3A_139 : memref<1x50x128xf32, #tpu.memory_space<hbm>> -> memref<50x128xf32, #tpu.memory_space<hbm>>
    %dma_wait3A_141 = arith.constant 250 : i32
    %dma_wait3A_142 = arith.constant 0 : i32
    %dma_wait3A_143 = tpu.memref_slice %arg6[%dma_wait3A_128, %dma_wait3A_141, %dma_wait3A_142] : memref<2x400x128xf32, #tpu.memory_space<vmem>> -> memref<1x50x128xf32, #tpu.memory_space<vmem>>
    %dma_wait3A_144 = tpu.memref_squeeze %dma_wait3A_143 : memref<1x50x128xf32, #tpu.memory_space<vmem>> -> memref<50x128xf32, #tpu.memory_space<vmem>>
    tpu.wait_dma2 semaphore(%arg9 : memref<!tpu.dma_semaphore, #tpu.memory_space<semaphore_mem>>) src(%dma_wait3A_144 : memref<50x128xf32, #tpu.memory_space<vmem>>) dst(%dma_wait3A_140 : memref<50x128xf32, #tpu.memory_space<hbm>>)
    %add3A_145 = arith.constant 112 : i32
    %add3A_146 = arith.addi %mul3A_2, %add3A_145 : i32
    %add3A_147 = arith.constant 6 : i32
    %add3A_148 = arith.addi %add3A_146, %add3A_147 : i32
    %dma_wait3A_149 = arith.constant 0 : i32
    %dma_wait3A_150 = arith.constant 300 : i32
    %dma_wait3A_151 = arith.constant 0 : i32
    %dma_wait3A_152 = tpu.memref_slice %arg6[%dma_wait3A_149, %dma_wait3A_150, %dma_wait3A_151] : memref<2x400x128xf32, #tpu.memory_space<vmem>> -> memref<1x50x128xf32, #tpu.memory_space<vmem>>
    %dma_wait3A_153 = tpu.memref_squeeze %dma_wait3A_152 : memref<1x50x128xf32, #tpu.memory_space<vmem>> -> memref<50x128xf32, #tpu.memory_space<vmem>>
    %dma_wait3A_154 = arith.constant 0 : i32
    %dma_wait3A_155 = arith.constant 0 : i32
    %dma_wait3A_156 = tpu.memref_slice %arg4[%add3A_148, %dma_wait3A_154, %dma_wait3A_155] : memref<4096x50x128xf32, #tpu.memory_space<hbm>> -> memref<1x50x128xf32, #tpu.memory_space<hbm>>
    %dma_wait3A_157 = tpu.memref_squeeze %dma_wait3A_156 : memref<1x50x128xf32, #tpu.memory_space<hbm>> -> memref<50x128xf32, #tpu.memory_space<hbm>>
    %dma_wait3A_158 = arith.constant 0 : i32
    %dma_wait3A_159 = arith.constant 0 : i32
    %dma_wait3A_160 = tpu.memref_slice %arg4[%add3A_148, %dma_wait3A_158, %dma_wait3A_159] : memref<4096x50x128xf32, #tpu.memory_space<hbm>> -> memref<1x50x128xf32, #tpu.memory_space<hbm>>
    %dma_wait3A_161 = tpu.memref_squeeze %dma_wait3A_160 : memref<1x50x128xf32, #tpu.memory_space<hbm>> -> memref<50x128xf32, #tpu.memory_space<hbm>>
    %dma_wait3A_162 = arith.constant 300 : i32
    %dma_wait3A_163 = arith.constant 0 : i32
    %dma_wait3A_164 = tpu.memref_slice %arg6[%dma_wait3A_149, %dma_wait3A_162, %dma_wait3A_163] : memref<2x400x128xf32, #tpu.memory_space<vmem>> -> memref<1x50x128xf32, #tpu.memory_space<vmem>>
    %dma_wait3A_165 = tpu.memref_squeeze %dma_wait3A_164 : memref<1x50x128xf32, #tpu.memory_space<vmem>> -> memref<50x128xf32, #tpu.memory_space<vmem>>
    tpu.wait_dma2 semaphore(%arg9 : memref<!tpu.dma_semaphore, #tpu.memory_space<semaphore_mem>>) src(%dma_wait3A_165 : memref<50x128xf32, #tpu.memory_space<vmem>>) dst(%dma_wait3A_161 : memref<50x128xf32, #tpu.memory_space<hbm>>)
    %add3A_166 = arith.constant 112 : i32
    %add3A_167 = arith.addi %mul3A_2, %add3A_166 : i32
    %add3A_168 = arith.constant 7 : i32
    %add3A_169 = arith.addi %add3A_167, %add3A_168 : i32
    %dma_wait3A_170 = arith.constant 0 : i32
    %dma_wait3A_171 = arith.constant 350 : i32
    %dma_wait3A_172 = arith.constant 0 : i32
    %dma_wait3A_173 = tpu.memref_slice %arg6[%dma_wait3A_170, %dma_wait3A_171, %dma_wait3A_172] : memref<2x400x128xf32, #tpu.memory_space<vmem>> -> memref<1x50x128xf32, #tpu.memory_space<vmem>>
    %dma_wait3A_174 = tpu.memref_squeeze %dma_wait3A_173 : memref<1x50x128xf32, #tpu.memory_space<vmem>> -> memref<50x128xf32, #tpu.memory_space<vmem>>
    %dma_wait3A_175 = arith.constant 0 : i32
    %dma_wait3A_176 = arith.constant 0 : i32
    %dma_wait3A_177 = tpu.memref_slice %arg4[%add3A_169, %dma_wait3A_175, %dma_wait3A_176] : memref<4096x50x128xf32, #tpu.memory_space<hbm>> -> memref<1x50x128xf32, #tpu.memory_space<hbm>>
    %dma_wait3A_178 = tpu.memref_squeeze %dma_wait3A_177 : memref<1x50x128xf32, #tpu.memory_space<hbm>> -> memref<50x128xf32, #tpu.memory_space<hbm>>
    %dma_wait3A_179 = arith.constant 0 : i32
    %dma_wait3A_180 = arith.constant 0 : i32
    %dma_wait3A_181 = tpu.memref_slice %arg4[%add3A_169, %dma_wait3A_179, %dma_wait3A_180] : memref<4096x50x128xf32, #tpu.memory_space<hbm>> -> memref<1x50x128xf32, #tpu.memory_space<hbm>>
    %dma_wait3A_182 = tpu.memref_squeeze %dma_wait3A_181 : memref<1x50x128xf32, #tpu.memory_space<hbm>> -> memref<50x128xf32, #tpu.memory_space<hbm>>
    %dma_wait3A_183 = arith.constant 350 : i32
    %dma_wait3A_184 = arith.constant 0 : i32
    %dma_wait3A_185 = tpu.memref_slice %arg6[%dma_wait3A_170, %dma_wait3A_183, %dma_wait3A_184] : memref<2x400x128xf32, #tpu.memory_space<vmem>> -> memref<1x50x128xf32, #tpu.memory_space<vmem>>
    %dma_wait3A_186 = tpu.memref_squeeze %dma_wait3A_185 : memref<1x50x128xf32, #tpu.memory_space<vmem>> -> memref<50x128xf32, #tpu.memory_space<vmem>>
    tpu.wait_dma2 semaphore(%arg9 : memref<!tpu.dma_semaphore, #tpu.memory_space<semaphore_mem>>) src(%dma_wait3A_186 : memref<50x128xf32, #tpu.memory_space<vmem>>) dst(%dma_wait3A_182 : memref<50x128xf32, #tpu.memory_space<hbm>>)
    %add3A_187 = arith.constant 120 : i32
    %add3A_188 = arith.addi %mul3A_2, %add3A_187 : i32
    %add3A_189 = arith.constant 0 : i32
    %add3A_190 = arith.addi %add3A_188, %add3A_189 : i32
    %dma_wait3A_191 = arith.constant 1 : i32
    %dma_wait3A_192 = arith.constant 0 : i32
    %dma_wait3A_193 = arith.constant 0 : i32
    %dma_wait3A_194 = tpu.memref_slice %arg6[%dma_wait3A_191, %dma_wait3A_192, %dma_wait3A_193] : memref<2x400x128xf32, #tpu.memory_space<vmem>> -> memref<1x50x128xf32, #tpu.memory_space<vmem>>
    %dma_wait3A_195 = tpu.memref_squeeze %dma_wait3A_194 : memref<1x50x128xf32, #tpu.memory_space<vmem>> -> memref<50x128xf32, #tpu.memory_space<vmem>>
    %dma_wait3A_196 = arith.constant 0 : i32
    %dma_wait3A_197 = arith.constant 0 : i32
    %dma_wait3A_198 = tpu.memref_slice %arg4[%add3A_190, %dma_wait3A_196, %dma_wait3A_197] : memref<4096x50x128xf32, #tpu.memory_space<hbm>> -> memref<1x50x128xf32, #tpu.memory_space<hbm>>
    %dma_wait3A_199 = tpu.memref_squeeze %dma_wait3A_198 : memref<1x50x128xf32, #tpu.memory_space<hbm>> -> memref<50x128xf32, #tpu.memory_space<hbm>>
    %dma_wait3A_200 = arith.constant 0 : i32
    %dma_wait3A_201 = arith.constant 0 : i32
    %dma_wait3A_202 = tpu.memref_slice %arg4[%add3A_190, %dma_wait3A_200, %dma_wait3A_201] : memref<4096x50x128xf32, #tpu.memory_space<hbm>> -> memref<1x50x128xf32, #tpu.memory_space<hbm>>
    %dma_wait3A_203 = tpu.memref_squeeze %dma_wait3A_202 : memref<1x50x128xf32, #tpu.memory_space<hbm>> -> memref<50x128xf32, #tpu.memory_space<hbm>>
    %dma_wait3A_204 = arith.constant 0 : i32
    %dma_wait3A_205 = arith.constant 0 : i32
    %dma_wait3A_206 = tpu.memref_slice %arg6[%dma_wait3A_191, %dma_wait3A_204, %dma_wait3A_205] : memref<2x400x128xf32, #tpu.memory_space<vmem>> -> memref<1x50x128xf32, #tpu.memory_space<vmem>>
    %dma_wait3A_207 = tpu.memref_squeeze %dma_wait3A_206 : memref<1x50x128xf32, #tpu.memory_space<vmem>> -> memref<50x128xf32, #tpu.memory_space<vmem>>
    tpu.wait_dma2 semaphore(%arg9 : memref<!tpu.dma_semaphore, #tpu.memory_space<semaphore_mem>>) src(%dma_wait3A_207 : memref<50x128xf32, #tpu.memory_space<vmem>>) dst(%dma_wait3A_203 : memref<50x128xf32, #tpu.memory_space<hbm>>)
    %add3A_208 = arith.constant 120 : i32
    %add3A_209 = arith.addi %mul3A_2, %add3A_208 : i32
    %add3A_210 = arith.constant 1 : i32
    %add3A_211 = arith.addi %add3A_209, %add3A_210 : i32
    %dma_wait3A_212 = arith.constant 1 : i32
    %dma_wait3A_213 = arith.constant 50 : i32
    %dma_wait3A_214 = arith.constant 0 : i32
    %dma_wait3A_215 = tpu.memref_slice %arg6[%dma_wait3A_212, %dma_wait3A_213, %dma_wait3A_214] : memref<2x400x128xf32, #tpu.memory_space<vmem>> -> memref<1x50x128xf32, #tpu.memory_space<vmem>>
    %dma_wait3A_216 = tpu.memref_squeeze %dma_wait3A_215 : memref<1x50x128xf32, #tpu.memory_space<vmem>> -> memref<50x128xf32, #tpu.memory_space<vmem>>
    %dma_wait3A_217 = arith.constant 0 : i32
    %dma_wait3A_218 = arith.constant 0 : i32
    %dma_wait3A_219 = tpu.memref_slice %arg4[%add3A_211, %dma_wait3A_217, %dma_wait3A_218] : memref<4096x50x128xf32, #tpu.memory_space<hbm>> -> memref<1x50x128xf32, #tpu.memory_space<hbm>>
    %dma_wait3A_220 = tpu.memref_squeeze %dma_wait3A_219 : memref<1x50x128xf32, #tpu.memory_space<hbm>> -> memref<50x128xf32, #tpu.memory_space<hbm>>
    %dma_wait3A_221 = arith.constant 0 : i32
    %dma_wait3A_222 = arith.constant 0 : i32
    %dma_wait3A_223 = tpu.memref_slice %arg4[%add3A_211, %dma_wait3A_221, %dma_wait3A_222] : memref<4096x50x128xf32, #tpu.memory_space<hbm>> -> memref<1x50x128xf32, #tpu.memory_space<hbm>>
    %dma_wait3A_224 = tpu.memref_squeeze %dma_wait3A_223 : memref<1x50x128xf32, #tpu.memory_space<hbm>> -> memref<50x128xf32, #tpu.memory_space<hbm>>
    %dma_wait3A_225 = arith.constant 50 : i32
    %dma_wait3A_226 = arith.constant 0 : i32
    %dma_wait3A_227 = tpu.memref_slice %arg6[%dma_wait3A_212, %dma_wait3A_225, %dma_wait3A_226] : memref<2x400x128xf32, #tpu.memory_space<vmem>> -> memref<1x50x128xf32, #tpu.memory_space<vmem>>
    %dma_wait3A_228 = tpu.memref_squeeze %dma_wait3A_227 : memref<1x50x128xf32, #tpu.memory_space<vmem>> -> memref<50x128xf32, #tpu.memory_space<vmem>>
    tpu.wait_dma2 semaphore(%arg9 : memref<!tpu.dma_semaphore, #tpu.memory_space<semaphore_mem>>) src(%dma_wait3A_228 : memref<50x128xf32, #tpu.memory_space<vmem>>) dst(%dma_wait3A_224 : memref<50x128xf32, #tpu.memory_space<hbm>>)
    %add3A_229 = arith.constant 120 : i32
    %add3A_230 = arith.addi %mul3A_2, %add3A_229 : i32
    %add3A_231 = arith.constant 2 : i32
    %add3A_232 = arith.addi %add3A_230, %add3A_231 : i32
    %dma_wait3A_233 = arith.constant 1 : i32
    %dma_wait3A_234 = arith.constant 100 : i32
    %dma_wait3A_235 = arith.constant 0 : i32
    %dma_wait3A_236 = tpu.memref_slice %arg6[%dma_wait3A_233, %dma_wait3A_234, %dma_wait3A_235] : memref<2x400x128xf32, #tpu.memory_space<vmem>> -> memref<1x50x128xf32, #tpu.memory_space<vmem>>
    %dma_wait3A_237 = tpu.memref_squeeze %dma_wait3A_236 : memref<1x50x128xf32, #tpu.memory_space<vmem>> -> memref<50x128xf32, #tpu.memory_space<vmem>>
    %dma_wait3A_238 = arith.constant 0 : i32
    %dma_wait3A_239 = arith.constant 0 : i32
    %dma_wait3A_240 = tpu.memref_slice %arg4[%add3A_232, %dma_wait3A_238, %dma_wait3A_239] : memref<4096x50x128xf32, #tpu.memory_space<hbm>> -> memref<1x50x128xf32, #tpu.memory_space<hbm>>
    %dma_wait3A_241 = tpu.memref_squeeze %dma_wait3A_240 : memref<1x50x128xf32, #tpu.memory_space<hbm>> -> memref<50x128xf32, #tpu.memory_space<hbm>>
    %dma_wait3A_242 = arith.constant 0 : i32
    %dma_wait3A_243 = arith.constant 0 : i32
    %dma_wait3A_244 = tpu.memref_slice %arg4[%add3A_232, %dma_wait3A_242, %dma_wait3A_243] : memref<4096x50x128xf32, #tpu.memory_space<hbm>> -> memref<1x50x128xf32, #tpu.memory_space<hbm>>
    %dma_wait3A_245 = tpu.memref_squeeze %dma_wait3A_244 : memref<1x50x128xf32, #tpu.memory_space<hbm>> -> memref<50x128xf32, #tpu.memory_space<hbm>>
    %dma_wait3A_246 = arith.constant 100 : i32
    %dma_wait3A_247 = arith.constant 0 : i32
    %dma_wait3A_248 = tpu.memref_slice %arg6[%dma_wait3A_233, %dma_wait3A_246, %dma_wait3A_247] : memref<2x400x128xf32, #tpu.memory_space<vmem>> -> memref<1x50x128xf32, #tpu.memory_space<vmem>>
    %dma_wait3A_249 = tpu.memref_squeeze %dma_wait3A_248 : memref<1x50x128xf32, #tpu.memory_space<vmem>> -> memref<50x128xf32, #tpu.memory_space<vmem>>
    tpu.wait_dma2 semaphore(%arg9 : memref<!tpu.dma_semaphore, #tpu.memory_space<semaphore_mem>>) src(%dma_wait3A_249 : memref<50x128xf32, #tpu.memory_space<vmem>>) dst(%dma_wait3A_245 : memref<50x128xf32, #tpu.memory_space<hbm>>)
    %add3A_250 = arith.constant 120 : i32
    %add3A_251 = arith.addi %mul3A_2, %add3A_250 : i32
    %add3A_252 = arith.constant 3 : i32
    %add3A_253 = arith.addi %add3A_251, %add3A_252 : i32
    %dma_wait3A_254 = arith.constant 1 : i32
    %dma_wait3A_255 = arith.constant 150 : i32
    %dma_wait3A_256 = arith.constant 0 : i32
    %dma_wait3A_257 = tpu.memref_slice %arg6[%dma_wait3A_254, %dma_wait3A_255, %dma_wait3A_256] : memref<2x400x128xf32, #tpu.memory_space<vmem>> -> memref<1x50x128xf32, #tpu.memory_space<vmem>>
    %dma_wait3A_258 = tpu.memref_squeeze %dma_wait3A_257 : memref<1x50x128xf32, #tpu.memory_space<vmem>> -> memref<50x128xf32, #tpu.memory_space<vmem>>
    %dma_wait3A_259 = arith.constant 0 : i32
    %dma_wait3A_260 = arith.constant 0 : i32
    %dma_wait3A_261 = tpu.memref_slice %arg4[%add3A_253, %dma_wait3A_259, %dma_wait3A_260] : memref<4096x50x128xf32, #tpu.memory_space<hbm>> -> memref<1x50x128xf32, #tpu.memory_space<hbm>>
    %dma_wait3A_262 = tpu.memref_squeeze %dma_wait3A_261 : memref<1x50x128xf32, #tpu.memory_space<hbm>> -> memref<50x128xf32, #tpu.memory_space<hbm>>
    %dma_wait3A_263 = arith.constant 0 : i32
    %dma_wait3A_264 = arith.constant 0 : i32
    %dma_wait3A_265 = tpu.memref_slice %arg4[%add3A_253, %dma_wait3A_263, %dma_wait3A_264] : memref<4096x50x128xf32, #tpu.memory_space<hbm>> -> memref<1x50x128xf32, #tpu.memory_space<hbm>>
    %dma_wait3A_266 = tpu.memref_squeeze %dma_wait3A_265 : memref<1x50x128xf32, #tpu.memory_space<hbm>> -> memref<50x128xf32, #tpu.memory_space<hbm>>
    %dma_wait3A_267 = arith.constant 150 : i32
    %dma_wait3A_268 = arith.constant 0 : i32
    %dma_wait3A_269 = tpu.memref_slice %arg6[%dma_wait3A_254, %dma_wait3A_267, %dma_wait3A_268] : memref<2x400x128xf32, #tpu.memory_space<vmem>> -> memref<1x50x128xf32, #tpu.memory_space<vmem>>
    %dma_wait3A_270 = tpu.memref_squeeze %dma_wait3A_269 : memref<1x50x128xf32, #tpu.memory_space<vmem>> -> memref<50x128xf32, #tpu.memory_space<vmem>>
    tpu.wait_dma2 semaphore(%arg9 : memref<!tpu.dma_semaphore, #tpu.memory_space<semaphore_mem>>) src(%dma_wait3A_270 : memref<50x128xf32, #tpu.memory_space<vmem>>) dst(%dma_wait3A_266 : memref<50x128xf32, #tpu.memory_space<hbm>>)
    %add3A_271 = arith.constant 120 : i32
    %add3A_272 = arith.addi %mul3A_2, %add3A_271 : i32
    %add3A_273 = arith.constant 4 : i32
    %add3A_274 = arith.addi %add3A_272, %add3A_273 : i32
    %dma_wait3A_275 = arith.constant 1 : i32
    %dma_wait3A_276 = arith.constant 200 : i32
    %dma_wait3A_277 = arith.constant 0 : i32
    %dma_wait3A_278 = tpu.memref_slice %arg6[%dma_wait3A_275, %dma_wait3A_276, %dma_wait3A_277] : memref<2x400x128xf32, #tpu.memory_space<vmem>> -> memref<1x50x128xf32, #tpu.memory_space<vmem>>
    %dma_wait3A_279 = tpu.memref_squeeze %dma_wait3A_278 : memref<1x50x128xf32, #tpu.memory_space<vmem>> -> memref<50x128xf32, #tpu.memory_space<vmem>>
    %dma_wait3A_280 = arith.constant 0 : i32
    %dma_wait3A_281 = arith.constant 0 : i32
    %dma_wait3A_282 = tpu.memref_slice %arg4[%add3A_274, %dma_wait3A_280, %dma_wait3A_281] : memref<4096x50x128xf32, #tpu.memory_space<hbm>> -> memref<1x50x128xf32, #tpu.memory_space<hbm>>
    %dma_wait3A_283 = tpu.memref_squeeze %dma_wait3A_282 : memref<1x50x128xf32, #tpu.memory_space<hbm>> -> memref<50x128xf32, #tpu.memory_space<hbm>>
    %dma_wait3A_284 = arith.constant 0 : i32
    %dma_wait3A_285 = arith.constant 0 : i32
    %dma_wait3A_286 = tpu.memref_slice %arg4[%add3A_274, %dma_wait3A_284, %dma_wait3A_285] : memref<4096x50x128xf32, #tpu.memory_space<hbm>> -> memref<1x50x128xf32, #tpu.memory_space<hbm>>
    %dma_wait3A_287 = tpu.memref_squeeze %dma_wait3A_286 : memref<1x50x128xf32, #tpu.memory_space<hbm>> -> memref<50x128xf32, #tpu.memory_space<hbm>>
    %dma_wait3A_288 = arith.constant 200 : i32
    %dma_wait3A_289 = arith.constant 0 : i32
    %dma_wait3A_290 = tpu.memref_slice %arg6[%dma_wait3A_275, %dma_wait3A_288, %dma_wait3A_289] : memref<2x400x128xf32, #tpu.memory_space<vmem>> -> memref<1x50x128xf32, #tpu.memory_space<vmem>>
    %dma_wait3A_291 = tpu.memref_squeeze %dma_wait3A_290 : memref<1x50x128xf32, #tpu.memory_space<vmem>> -> memref<50x128xf32, #tpu.memory_space<vmem>>
    tpu.wait_dma2 semaphore(%arg9 : memref<!tpu.dma_semaphore, #tpu.memory_space<semaphore_mem>>) src(%dma_wait3A_291 : memref<50x128xf32, #tpu.memory_space<vmem>>) dst(%dma_wait3A_287 : memref<50x128xf32, #tpu.memory_space<hbm>>)
    %add3A_292 = arith.constant 120 : i32
    %add3A_293 = arith.addi %mul3A_2, %add3A_292 : i32
    %add3A_294 = arith.constant 5 : i32
    %add3A_295 = arith.addi %add3A_293, %add3A_294 : i32
    %dma_wait3A_296 = arith.constant 1 : i32
    %dma_wait3A_297 = arith.constant 250 : i32
    %dma_wait3A_298 = arith.constant 0 : i32
    %dma_wait3A_299 = tpu.memref_slice %arg6[%dma_wait3A_296, %dma_wait3A_297, %dma_wait3A_298] : memref<2x400x128xf32, #tpu.memory_space<vmem>> -> memref<1x50x128xf32, #tpu.memory_space<vmem>>
    %dma_wait3A_300 = tpu.memref_squeeze %dma_wait3A_299 : memref<1x50x128xf32, #tpu.memory_space<vmem>> -> memref<50x128xf32, #tpu.memory_space<vmem>>
    %dma_wait3A_301 = arith.constant 0 : i32
    %dma_wait3A_302 = arith.constant 0 : i32
    %dma_wait3A_303 = tpu.memref_slice %arg4[%add3A_295, %dma_wait3A_301, %dma_wait3A_302] : memref<4096x50x128xf32, #tpu.memory_space<hbm>> -> memref<1x50x128xf32, #tpu.memory_space<hbm>>
    %dma_wait3A_304 = tpu.memref_squeeze %dma_wait3A_303 : memref<1x50x128xf32, #tpu.memory_space<hbm>> -> memref<50x128xf32, #tpu.memory_space<hbm>>
    %dma_wait3A_305 = arith.constant 0 : i32
    %dma_wait3A_306 = arith.constant 0 : i32
    %dma_wait3A_307 = tpu.memref_slice %arg4[%add3A_295, %dma_wait3A_305, %dma_wait3A_306] : memref<4096x50x128xf32, #tpu.memory_space<hbm>> -> memref<1x50x128xf32, #tpu.memory_space<hbm>>
    %dma_wait3A_308 = tpu.memref_squeeze %dma_wait3A_307 : memref<1x50x128xf32, #tpu.memory_space<hbm>> -> memref<50x128xf32, #tpu.memory_space<hbm>>
    %dma_wait3A_309 = arith.constant 250 : i32
    %dma_wait3A_310 = arith.constant 0 : i32
    %dma_wait3A_311 = tpu.memref_slice %arg6[%dma_wait3A_296, %dma_wait3A_309, %dma_wait3A_310] : memref<2x400x128xf32, #tpu.memory_space<vmem>> -> memref<1x50x128xf32, #tpu.memory_space<vmem>>
    %dma_wait3A_312 = tpu.memref_squeeze %dma_wait3A_311 : memref<1x50x128xf32, #tpu.memory_space<vmem>> -> memref<50x128xf32, #tpu.memory_space<vmem>>
    tpu.wait_dma2 semaphore(%arg9 : memref<!tpu.dma_semaphore, #tpu.memory_space<semaphore_mem>>) src(%dma_wait3A_312 : memref<50x128xf32, #tpu.memory_space<vmem>>) dst(%dma_wait3A_308 : memref<50x128xf32, #tpu.memory_space<hbm>>)
    %add3A_313 = arith.constant 120 : i32
    %add3A_314 = arith.addi %mul3A_2, %add3A_313 : i32
    %add3A_315 = arith.constant 6 : i32
    %add3A_316 = arith.addi %add3A_314, %add3A_315 : i32
    %dma_wait3A_317 = arith.constant 1 : i32
    %dma_wait3A_318 = arith.constant 300 : i32
    %dma_wait3A_319 = arith.constant 0 : i32
    %dma_wait3A_320 = tpu.memref_slice %arg6[%dma_wait3A_317, %dma_wait3A_318, %dma_wait3A_319] : memref<2x400x128xf32, #tpu.memory_space<vmem>> -> memref<1x50x128xf32, #tpu.memory_space<vmem>>
    %dma_wait3A_321 = tpu.memref_squeeze %dma_wait3A_320 : memref<1x50x128xf32, #tpu.memory_space<vmem>> -> memref<50x128xf32, #tpu.memory_space<vmem>>
    %dma_wait3A_322 = arith.constant 0 : i32
    %dma_wait3A_323 = arith.constant 0 : i32
    %dma_wait3A_324 = tpu.memref_slice %arg4[%add3A_316, %dma_wait3A_322, %dma_wait3A_323] : memref<4096x50x128xf32, #tpu.memory_space<hbm>> -> memref<1x50x128xf32, #tpu.memory_space<hbm>>
    %dma_wait3A_325 = tpu.memref_squeeze %dma_wait3A_324 : memref<1x50x128xf32, #tpu.memory_space<hbm>> -> memref<50x128xf32, #tpu.memory_space<hbm>>
    %dma_wait3A_326 = arith.constant 0 : i32
    %dma_wait3A_327 = arith.constant 0 : i32
    %dma_wait3A_328 = tpu.memref_slice %arg4[%add3A_316, %dma_wait3A_326, %dma_wait3A_327] : memref<4096x50x128xf32, #tpu.memory_space<hbm>> -> memref<1x50x128xf32, #tpu.memory_space<hbm>>
    %dma_wait3A_329 = tpu.memref_squeeze %dma_wait3A_328 : memref<1x50x128xf32, #tpu.memory_space<hbm>> -> memref<50x128xf32, #tpu.memory_space<hbm>>
    %dma_wait3A_330 = arith.constant 300 : i32
    %dma_wait3A_331 = arith.constant 0 : i32
    %dma_wait3A_332 = tpu.memref_slice %arg6[%dma_wait3A_317, %dma_wait3A_330, %dma_wait3A_331] : memref<2x400x128xf32, #tpu.memory_space<vmem>> -> memref<1x50x128xf32, #tpu.memory_space<vmem>>
    %dma_wait3A_333 = tpu.memref_squeeze %dma_wait3A_332 : memref<1x50x128xf32, #tpu.memory_space<vmem>> -> memref<50x128xf32, #tpu.memory_space<vmem>>
    tpu.wait_dma2 semaphore(%arg9 : memref<!tpu.dma_semaphore, #tpu.memory_space<semaphore_mem>>) src(%dma_wait3A_333 : memref<50x128xf32, #tpu.memory_space<vmem>>) dst(%dma_wait3A_329 : memref<50x128xf32, #tpu.memory_space<hbm>>)
    %add3A_334 = arith.constant 120 : i32
    %add3A_335 = arith.addi %mul3A_2, %add3A_334 : i32
    %add3A_336 = arith.constant 7 : i32
    %add3A_337 = arith.addi %add3A_335, %add3A_336 : i32
    %dma_wait3A_338 = arith.constant 1 : i32
    %dma_wait3A_339 = arith.constant 350 : i32
    %dma_wait3A_340 = arith.constant 0 : i32
    %dma_wait3A_341 = tpu.memref_slice %arg6[%dma_wait3A_338, %dma_wait3A_339, %dma_wait3A_340] : memref<2x400x128xf32, #tpu.memory_space<vmem>> -> memref<1x50x128xf32, #tpu.memory_space<vmem>>
    %dma_wait3A_342 = tpu.memref_squeeze %dma_wait3A_341 : memref<1x50x128xf32, #tpu.memory_space<vmem>> -> memref<50x128xf32, #tpu.memory_space<vmem>>
    %dma_wait3A_343 = arith.constant 0 : i32
    %dma_wait3A_344 = arith.constant 0 : i32
    %dma_wait3A_345 = tpu.memref_slice %arg4[%add3A_337, %dma_wait3A_343, %dma_wait3A_344] : memref<4096x50x128xf32, #tpu.memory_space<hbm>> -> memref<1x50x128xf32, #tpu.memory_space<hbm>>
    %dma_wait3A_346 = tpu.memref_squeeze %dma_wait3A_345 : memref<1x50x128xf32, #tpu.memory_space<hbm>> -> memref<50x128xf32, #tpu.memory_space<hbm>>
    %dma_wait3A_347 = arith.constant 0 : i32
    %dma_wait3A_348 = arith.constant 0 : i32
    %dma_wait3A_349 = tpu.memref_slice %arg4[%add3A_337, %dma_wait3A_347, %dma_wait3A_348] : memref<4096x50x128xf32, #tpu.memory_space<hbm>> -> memref<1x50x128xf32, #tpu.memory_space<hbm>>
    %dma_wait3A_350 = tpu.memref_squeeze %dma_wait3A_349 : memref<1x50x128xf32, #tpu.memory_space<hbm>> -> memref<50x128xf32, #tpu.memory_space<hbm>>
    %dma_wait3A_351 = arith.constant 350 : i32
    %dma_wait3A_352 = arith.constant 0 : i32
    %dma_wait3A_353 = tpu.memref_slice %arg6[%dma_wait3A_338, %dma_wait3A_351, %dma_wait3A_352] : memref<2x400x128xf32, #tpu.memory_space<vmem>> -> memref<1x50x128xf32, #tpu.memory_space<vmem>>
    %dma_wait3A_354 = tpu.memref_squeeze %dma_wait3A_353 : memref<1x50x128xf32, #tpu.memory_space<vmem>> -> memref<50x128xf32, #tpu.memory_space<vmem>>
    tpu.wait_dma2 semaphore(%arg9 : memref<!tpu.dma_semaphore, #tpu.memory_space<semaphore_mem>>) src(%dma_wait3A_354 : memref<50x128xf32, #tpu.memory_space<vmem>>) dst(%dma_wait3A_350 : memref<50x128xf32, #tpu.memory_space<hbm>>)
    return
  }
}

module attributes {stable_mosaic.version = 14 : i64} {
  func.func @_dequant_body(%arg0: i32, %arg1: memref<1xf32, #tpu.memory_space<smem>>, %arg2: memref<20000x128xi8, #tpu.memory_space<vmem>>, %arg3: memref<20000x128xf32, #tpu.memory_space<vmem>>) attributes {dimension_semantics = [#tpu.dimension_semantics<arbitrary>], iteration_bounds = array<i64: 5>, scalar_prefetch = 0 : i64, scratch_operands = 0 : i64, tpu.core_type = #tpu.core_type<tc>, window_params = [{transform_indices = @transform_0, window_bounds = array<i64: 1>}, {transform_indices = @transform_1, window_bounds = array<i64: 20000, 128>}, {transform_indices = @transform_2, window_bounds = array<i64: 20000, 128>}]} {
    %get3A = arith.constant 0 : index
    %get3A_0 = arith.constant 0 : index
    %get3A_1 = vector.load %arg2[%get3A, %get3A_0] : memref<20000x128xi8, #tpu.memory_space<vmem>>, vector<20000x128xi8>
    %convert_element_type3A = arith.sitofp %get3A_1 : vector<20000x128xi8> to vector<20000x128xf32>
    %get3A_2 = arith.constant 0 : index
    %get3A_3 = memref.load %arg1[%get3A_2] : memref<1xf32, #tpu.memory_space<smem>>
    %mul3A = vector.broadcast %get3A_3 : f32 to vector<20000x128xf32>
    %mul3A_4 = arith.mulf %convert_element_type3A, %mul3A : vector<20000x128xf32>
    %swap3A = arith.constant 0 : index
    %swap3A_5 = arith.constant 0 : index
    %swap3A_6 = vector.load %arg3[%swap3A, %swap3A_5] : memref<20000x128xf32, #tpu.memory_space<vmem>>, vector<20000x128xf32>
    tpu.vector_store %arg3[%swap3A, %swap3A_5], %mul3A_4 {strides = array<i32>} : memref<20000x128xf32, #tpu.memory_space<vmem>>, vector<20000x128xf32>,
    return
  }
  func.func @transform_0(%arg0: i32) -> i32 {
    %c0_i32 = arith.constant 0 : i32
    %c0_i32_0 = arith.constant 0 : i32
    return %c0_i32 : i32
  }
  func.func @transform_1(%arg0: i32) -> (i32, i32) {
    %c0_i32 = arith.constant 0 : i32
    %c0_i32_0 = arith.constant 0 : i32
    return %arg0, %c0_i32 : i32, i32
  }
  func.func @transform_2(%arg0: i32) -> (i32, i32) {
    %c0_i32 = arith.constant 0 : i32
    %c0_i32_0 = arith.constant 0 : i32
    return %arg0, %c0_i32 : i32, i32
  }
}

</mosaic_0001>

<sc_bundles>
// kernel: kernel.4.cloned.1.call-start
scs
__scs_entry_jumppad:
0x0: {  	(pc) =	sbr.rel $0x88, $3  }
0x1: {  	(tag) =	ssettag $0x0;
	lr =	simm.s32 $0x1  }
0x2: {  	[smem:$0x3F9E] =	sst lr;
	_ =	strace $0xD0000000  }
0x3: {  	_ = 	snop  }
0x4: {  	_ = 	snop  }
0x5: {  	_ = 	snop  }
0x6: {  	_ = 	snop  }
0x7: {  	_ = 	snop  }
__scs_overlays_trampoline_lowered:
0x8: {  	[smem:$0x3FAD] =	sst s0  }
0x9: {  	[smem:$0x3FAE] =	sst s1  }
0xa: {  	[smem:$0x3FAF] =	sst s2  }
0xb: {  	[smem:$0x3FB0] =	sst s3  }
0xc: {  	[smem:$0x3FB1] =	sst s4  }
0xd: {  	[smem:$0x3FB2] =	sst s5  }
0xe: {  	[smem:$0x3FB3] =	sst s6  }
0xf: {  	[smem:$0x3FB4] =	sst s7  }
0x10: {  	[smem:$0x3FB5] =	sst s8  }
0x11: {  	[smem:$0x3FB6] =	sst s9;
	s0 =	simm.s32 @!p0 $0x0  }
0x12: {  	s1 =	sld [smem:$0x3F9C];
	s0 =	simm.s32 @p0 $0x1  }
0x13: {  	[smem:$0x3FB7] =	sst s0;
	s0 =	simm.s32 @!p1 $0x0  }
0x14: {  	s2 =	sld [smem:$0x3F9B];
	s0 =	simm.s32 @p1 $0x1  }
0x15: {  	[smem:$0x3FB8] =	sst s0;
	s0 =	simm.s32 @!p2 $0x0  }
0x16: {  	s3 =	sld [smem:$0x3FDB];
	s0 =	simm.s32 @p2 $0x1  }
0x17: {  	s4 =	simm.s32 $0x1BF5;
	[smem:$0x3FBA] =	sst s0  }
0x18: {  	s0 =	sld [smem:$0x3F9D];
	_ =	swait.ge [sflag:s4], $0x0  }
0x19: {  	s7 =	sld [smem:$0x3F9E]  }
0x1a: {  	s8 =	sadd.s32 $0xFFFFE003, lr  }
0x1b: {  	s9 =	sadd.s32 $0xFFFFFEF7, lr;
	s5 =	simm.s32 $0xFFFFFFFF;
	p2 =	slt.u32 s8, $0xFFFFF086  }
0x1c: {  	p1 =	slt.u32 s9, $0xF7A;
	s5 =	simm.s32 @!p2 $0x0  }
0x1d: {  	s5 =	simm.s32 @p1 $0x1;
	p0 =	seq.s32 s7, s2  }
0x1e: {  	s7 =	smul.u32 @!p0 $0xF7A, s2;
	p2 =	seq.s32 @!p0 s5, $0x0  }
0x1f: {  	s9 =	smul.u32 $0xF7A, s1;
	s8 =	simm.s32 @!p0 $0x1BF5;
	p2 =	por !p2, p0  }
0x20: {  	[sflag:s8] =	ssyncset.s32 @!p0 $0xFFFFF086;
	s6 =	sadd.s32 @!p0 s3, s7;
	s7 =	simm.s32 @!p0 $0x108  }
0x21: {  	s3 =	sadd.s32 s3, s9;
	s6 =	sadd.s32 @!p0 $0x88, s6;
	s7 =	simm.s32 @p2 $0x1082  }
0x22: {  	[simem:s7], [sflag:s8] =	dma.local @!p0 [hbm:s6], $0xF7A  }
0x23: {  	s9 =	sor.u32 $0xD0000000, s2;
	s6 =	simm.s32 $0x108;
	_ =	swait.ge @!p0 [sflag:s8], $0x0  }
0x24: {  	s3 =	sadd.s32 $0x88, s3;
	s6 =	simm.s32 @!p1 $0x1082;
	[sflag:s4] =	ssyncset.s32 $0xFFFFF086  }
0x25: {  	[simem:s6], [sflag:s4] =	dma.local [hbm:s3], $0xF7A  }
0x26: {  	[smem:$0x3F9E] =	sst s1;
	(tag) =	ssettag s2;
	_ =	strace s9  }
0x27: {  	s1 =	sld [smem:$0x3FAE]  }
0x28: {  	s2 =	sld [smem:$0x3FAF]  }
0x29: {  	s4 =	sld [smem:$0x3FB1]  }
0x2a: {  	p0 =	seq.s32 s5, $0x0;
	s5 =	sld [smem:$0x3FB2]  }
0x2b: {  	s6 =	sld [smem:$0x3FB3]  }
0x2c: {  	s7 =	sld [smem:$0x3FB4]  }
0x2d: {  	s3 =	simm.s32 $0x108;
	s8 =	sld [smem:$0x3FB5]  }
0x2e: {  	s3 =	simm.s32 @!p0 $0x1082;
	s9 =	sld [smem:$0x3FB6]  }
0x2f: {  	lr =	sadd.s32 s0, s3;
	s0 =	sld [smem:$0x3FAD]  }
0x30: {  	s3 =	sld [smem:$0x3FB0]  }
0x31: {  	[smem:$0x3FB9] =	sst s10  }
0x32: {  	s10 =	sld [smem:$0x3FB7];
	_ =	sdelay $0x3  }
0x33: {  	p0 =	seq.s32 s10, $0x1;
	s10 =	sld [smem:$0x3FB9];
	_ =	sdelay $0x3  }
0x34: {  	[smem:$0x3FB9] =	sst s10  }
0x35: {  	s10 =	sld [smem:$0x3FB8];
	_ =	sdelay $0x3  }
0x36: {  	p1 =	seq.s32 s10, $0x1;
	s10 =	sld [smem:$0x3FB9];
	_ =	sdelay $0x3  }
0x37: {  	[smem:$0x3FB9] =	sst s10  }
0x38: {  	s10 =	sld [smem:$0x3FBA]  }
0x39: {  	_ = 	snop;
	(pc) =	sbr.ind lr, $3  }
0x3a: {  	_ = 	snop  }
0x3b: {  	_ = 	snop  }
0x3c: {  	p2 =	seq.s32 s10, $0x1;
	s10 =	sld [smem:$0x3FB9]  }
0x3d: {  	_ =	shalt  }
0x3e: {  	_ =	shalt  }
0x3f: {  	_ =	shalt  }
0x40: {  	_ =	shalt  }
0x41: {  	_ =	shalt  }
0x42: {  	_ =	shalt  }
0x43: {  	_ =	shalt  }
0x44: {  	_ =	shalt  }
0x45: {  	_ =	shalt  }
0x46: {  	_ =	shalt  }
0x47: {  	_ =	shalt  }
0x48: {  	_ =	shalt  }
0x49: {  	_ =	shalt  }
0x4a: {  	_ =	shalt  }
0x4b: {  	_ =	shalt  }
0x4c: {  	_ =	shalt  }
0x4d: {  	_ =	shalt  }
0x4e: {  	_ =	shalt  }
0x4f: {  	_ =	shalt  }
0x50: {  	_ =	shalt  }
0x51: {  	_ =	shalt  }
0x52: {  	_ =	shalt  }
0x53: {  	_ =	shalt  }
0x54: {  	_ =	shalt  }
0x55: {  	_ =	shalt  }
0x56: {  	_ =	shalt  }
0x57: {  	_ =	shalt  }
0x58: {  	_ =	shalt  }
0x59: {  	_ =	shalt  }
0x5a: {  	_ =	shalt  }
0x5b: {  	_ =	shalt  }
0x5c: {  	_ =	shalt  }
0x5d: {  	_ =	shalt  }
0x5e: {  	_ =	shalt  }
0x5f: {  	_ =	shalt  }
0x60: {  	_ =	shalt  }
0x61: {  	_ =	shalt  }
0x62: {  	_ =	shalt  }
0x63: {  	_ =	shalt  }
0x64: {  	_ =	shalt  }
0x65: {  	_ =	shalt  }
0x66: {  	_ =	shalt  }
0x67: {  	_ =	shalt  }
0x68: {  	_ =	shalt  }
0x69: {  	_ =	shalt  }
0x6a: {  	_ =	shalt  }
0x6b: {  	_ =	shalt  }
0x6c: {  	_ =	shalt  }
0x6d: {  	_ =	shalt  }
0x6e: {  	_ =	shalt  }
0x6f: {  	_ =	shalt  }
0x70: {  	_ =	shalt  }
0x71: {  	_ =	shalt  }
0x72: {  	_ =	shalt  }
0x73: {  	_ =	shalt  }
0x74: {  	_ =	shalt  }
0x75: {  	_ =	shalt  }
0x76: {  	_ =	shalt  }
0x77: {  	_ =	shalt  }
0x78: {  	_ =	shalt  }
0x79: {  	_ =	shalt  }
0x7a: {  	_ =	shalt  }
0x7b: {  	_ =	shalt  }
0x7c: {  	_ =	shalt  }
0x7d: {  	_ =	shalt  }
0x7e: {  	_ =	shalt  }
0x7f: {  	_ =	shalt  }
0x80: {  	_ =	shalt  }
0x81: {  	_ =	shalt  }
0x82: {  	_ =	shalt  }
0x83: {  	_ =	shalt  }
0x84: {  	_ =	shalt  }
0x85: {  	_ =	shalt  }
0x86: {  	_ =	shalt  }
0x87: {  	_ =	shalt  }
.Lfunc_end0:
.L_simem_size_0:
called_computation_lowered:
.L_overlay_start_0:
0x88: {  	s2 =	sld [smem:$0x3FD9]  }
0x89: {  	s3 =	sld [smem:$0x3FFE];
	_ =	sdelay $0x1  }
0x8a: {  	s1 =	srdreg.scid  }
0x8b: {  	s0 =	sand.u32 $0x1, s1  }
0x8c: {  	s17 =	sshll.u32 s0, $0xA;
	s2 =	sadd.s32 s3, s2  }
0x8d: {  	s2 =	sadd.s32 s2, s17  }
0x8e: {  	[smem:$0x3FC5] =	sst s2  }
0x8f: {  	_ = 	snop  }
0x90: {  	s2 =	sld [smem:$0x3FD0];
	(tm) =	ssettm $0x1  }
0x91: {  	s18 =	sld [smem:$0x3FFB];
	_ =	sdelay $0x3  }
0x92: {  	_ =	strace s18  }
0x93: {  	s3 =	sld [smem:$0x3FFC];
	_ =	sdelay $0x3  }
0x94: {  	_ =	strace s3  }
0x95: {  	s3 =	sld [smem:$0x3FFD];
	_ =	sdelay $0x3  }
0x96: {  	_ =	strace s3  }
0x97: {  	_ =	strace $0x8FFFFFFF  }
0x98: {  	s19 =	sld [smem:$0x3FDB];
	_ =	sdelay $0x1  }
0x99: {  	s4 =	simm.s32 $_scs_section_size  }
0x9a: {  	s5 =	simm.s32 $_size__tile_overlayer_lowered;
	s6 =	simm.s32 $_tile_overlayer_lowered  }
0x9b: {  	s22 =	simm.s32 $0x1BFF;
	s21 =	sshll.u32 s6, $0x1;
	s3 =	sadd.s32 s4, s19  }
0x9c: {  	s7 =	simm.s32 $0x0;
	s20 =	sshll.u32 s5, $0x1;
	s5 =	sadd.s32 s21, s3  }
0x9d: {  	[timem:s7], [sflag:s22] =	dma.local [hbm:s5], s20  }
0x9e: {  	_ =	swait.ge [sflag:s22], s20  }
0x9f: {  	s4 =	ssub.s32 $0x0, s20;
	[sflag:s22] =	ssyncset.done $0x0  }
0xa0: {  	[sflag:s22] =	ssyncadd.s32 s4;
	_ =	sdelay $0x1  }
0xa1: {  	s23 =	simm.s32 $0x1B8B  }
0xa2: {  	_ =	swait.ge [sflag:s23], $0x1  }
0xa3: {  	[sflag:s23] =	ssyncset.done $0x0  }
0xa4: {  	s25 =	simm.s32 $0x1B8E;
	s24 =	sld [smem:$0x3FFE];
	[sflag:s23] =	ssyncadd.s32 $0xFFFFFFFF  }
0xa5: {  	s26 =	simm.s32 $execute0_lowered;
	[smem:$0x3FD2] =	sst s25  }
0xa6: {  	s5 =	sshll.u32 s26, $0x1;
	_ =	strace $0x80000046;
	[dreg:$0x1] =	wrdreg $0xFFFFFFFF  }
0xa7: {  	s28 =	simm.s32 $_size_execute0_lowered;
	s3 =	sadd.s32 s3, s5;
	[dreg:$0x0] =	wrdreg $0x0  }
0xa8: {  	s5 =	sshll.u32 s28, $0x1;
	[dreg:$0x2] =	wrdreg s3  }
0xa9: {  	[dreg:$0x3] =	wrdreg s5  }
0xaa: {  	[dreg:$0x4] =	wrdreg $0xC0  }
0xab: {  	_ =	task [dreg:s7], $0x5FFFF  }
0xac: {  	[dreg:$0x1] =	wrdreg $0xFFFFFFFF  }
0xad: {  	[dreg:$0x0] =	wrdreg $0x60  }
0xae: {  	[dreg:$0x2] =	wrdreg s2  }
0xaf: {  	[dreg:$0x3] =	wrdreg s24  }
0xb0: {  	[dreg:$0x4] =	wrdreg $0x9  }
0xb1: {  	_ =	task.clear_ibuf [dreg:s7], $0x5FFFF;
	_ =	strace $0x90000046  }
0xb2: {  	s29 =	simm.s32 $0x9;
	_ =	strace $0x80000048  }
0xb3: {  	_ =	swait.ge [sflag:s29], $0x1  }
0xb4: {  	[sflag:s29] =	ssyncadd.s32 $0xFFFFFFFF  }
0xb5: {  	_ =	strace $0x90000048  }
0xb6: {  	_ =	sfence  }
0xb7: {  	s30 =	sld [smem:$0x0];
	_ =	sdelay $0x2  }
0xb8: {  	s31 =	sshll.u32 s1, $0xD;
	s1 =	sshrl.u32 s1, $0x2  }
0xb9: {  	s3 =	sand.u32 $0x4000, s31;
	s1 =	sadd.s32 s1, s30  }
0xba: {  	s0 =	sor.u32 s3, s0;
	s1 =	sshll.u32 s1, $0x11  }
0xbb: {  	s0 =	sor.u32 s1, s0  }
0xbc: {  	s0 =	sadd.s32 $0x8F2B, s0  }
0xbd: {  	[sflag:s0] =	ssyncadd.remote.s32 $0x1  }
0xbe: {  	_ =	sfence.sel $0xFFFF  }
0xbf: {  	[dreg:$0x0] =	wrdreg $0xFFFFFFFF;
	(pc) =	sbr.abs _section_cstart, $3  }
0xc0: {  	[dreg:$0x1] =	wrdreg $0xFFFFFFFF  }
0xc1: {  	_ =	task.clear_ibuf [dreg:s7], $0x2FFFF;
	_ =	strace $0x9FFFFFFF  }
0xc2: {  	(tm) =	ssettm $0x7FFFFFFF  }
0xc3: {  	_ =	shalt  }
tec
execute0_lowered:
.L_overlay_start_1:
0x0: {  	(tag) =	ssettag $0x1  }
0x1: {  	s1 =	rddreg [dreg:$0x0]  }
0x2: {  	s0 =	rddreg [dreg:$0x1]  }
0x3: {  	s3 =	simm.s32 $0x0;
	s2 =	srdreg.scid;
	s12 =	stileid.u32  }
0x4: {  	[smem:$0x7FF] =	sst s3;
	s2 =	sand.u32 $0x1, s2;
	s4 =	smul.u32 $0x1C0000, s12  }
0x5: {  	s5 =	sadd.s32 $0x600, s0;
	s0 =	sadd.s32 $0x10600, s0;
	s28 =	smul.u32 $0x38000, s12  }
0x6: {  	s8 =	sshll.u32 s12, $0xC;
	_ =	strace $0x80000047;
	s6 =	smul.u32 $0xE0000, s2  }
0x7: {  	s7 =	ssub.s32 $0x2, s2;
	s9 =	sshll.u32 s2, $0xB;
	s2 =	smul.u32 $0x1C000, s2  }
0x8: {  	s10 =	sshrl.u32 s7, $0x1;
	s11 =	sor.u32 s9, s8;
	s30 =	sadd.s32 s28, s0  }
0x9: {  	s28 =	simm.s32 $0x600;
	s4 =	sadd.s32 s6, s4;
	s13 =	ssub.s32 s7, s10  }
0xa: {  	s14 =	sadd.s32 s5, s11;
	s5 =	sadd.s32 s8, s5;
	[dreg:$0x19] =	wrdreg s28  }
0xb: {  	s2 =	sadd.s32 s2, s30;
	s30 =	simm.s32 $0x700;
	[dreg:$0x1d] =	wrdreg s14  }
0xc: {  	s15 =	sor.u32 $0x1A400, s4;
	s6 =	smax.u32 s13, $0x1;
	s5 =	sadd.s32 s9, s5  }
0xd: {  	s17 =	sor.u32 $0x18800, s4;
	s19 =	sor.u32 $0x16C00, s4;
	s20 =	sor.u32 $0x15000, s4  }
0xe: {  	s24 =	sor.u32 $0x13400, s4;
	s26 =	sor.u32 $0x11800, s4;
	[dreg:$0x9] =	wrdreg s2  }
0xf: {  	s31 =	sor.u32 $0xC400, s4;
	s9 =	sor.u32 $0xA800, s4;
	[dreg:$0x1b] =	wrdreg s30  }
0x10: {  	s13 =	sor.u32 $0x8C00, s4;
	[dreg:$0x1e] =	wrdreg s6;
	s16 =	sshrl.u32 s15, $0x3  }
0x11: {  	s18 =	sshrl.u32 s17, $0x3;
	s7 =	sshrl.u32 s19, $0x3;
	s22 =	sshrl.u32 s20, $0x3  }
0x12: {  	s25 =	sshrl.u32 s24, $0x3;
	s8 =	sshrl.u32 s31, $0x3;
	s11 =	sshrl.u32 s9, $0x3  }
0x13: {  	s14 =	sshrl.u32 s13, $0x3;
	s15 =	sor.u32 $0x7000, s4;
	s5 =	sadd.s32 $0x100, s5  }
0x14: {  	s4 =	sor.u32 $0x5400, s4;
	s17 =	simm.s32 $0x80;
	[dreg:$0x1f] =	wrdreg s5  }
0x15: {  	s9 =	simm.s32 $0x32;
	s19 =	simm.s32 $0x180;
	[dreg:$0xf] =	wrdreg s17  }
0x16: {  	s13 =	simm.s32 $0x5300;
	s20 =	simm.s32 $0x200;
	[dreg:$0x11] =	wrdreg s19  }
0x17: {  	s24 =	simm.s32 $0x480;
	s31 =	simm.s32 $0x780;
	[dreg:$0x12] =	wrdreg s20  }
0x18: {  	s6 =	sadd.s32 s16, s0;
	s21 =	sadd.s32 s7, s0;
	[dreg:$0x16] =	wrdreg s24  }
0x19: {  	s23 =	sadd.s32 s22, s0;
	s7 =	sshrl.u32 s26, $0x3;
	[dreg:$0x1c] =	wrdreg s31  }
0x1a: {  	s10 =	sadd.s32 s8, s0;
	s12 =	sadd.s32 s11, s0;
	[dreg:$0x3] =	wrdreg s6  }
0x1b: {  	s2 =	sadd.s32 s14, s0;
	s4 =	sshrl.u32 s4, $0x3;
	[dreg:$0x5] =	wrdreg s21  }
0x1c: {  	s8 =	simm.s32 $0x400;
	s11 =	simm.s32 $0x2100;
	[dreg:$0x6] =	wrdreg s23  }
0x1d: {  	s14 =	simm.s32 $0x6C00;
	s22 =	simm.s32 $0x300;
	[dreg:$0xa] =	wrdreg s10  }
0x1e: {  	s17 =	simm.s32 $0xB700;
	s19 =	simm.s32 $0xD000;
	[dreg:$0xb] =	wrdreg s12  }
0x1f: {  	s26 =	simm.s32 $0x580;
	s20 =	simm.s32 $0xE900;
	[dreg:$0xc] =	wrdreg s2  }
0x20: {  	s24 =	simm.s32 $0x14D00;
	s6 =	sadd.s32 s18, s0;
	[dreg:$0x14] =	wrdreg s22  }
0x21: {  	s29 =	sadd.s32 s7, s0;
	s7 =	simm.s32 $0x1;
	[dreg:$0x18] =	wrdreg s26  }
0x22: {  	s10 =	simm.s32 $0x800;
	s18 =	simm.s32 $0x100;
	[dreg:$0x4] =	wrdreg s6  }
0x23: {  	s12 =	simm.s32 $0x3A00;
	s21 =	simm.s32 $0x280;
	[dreg:$0x8] =	wrdreg s29  }
0x24: {  	s23 =	simm.s32 $0x380;
	s22 =	simm.s32 $0x11B00;
	[dreg:$0x10] =	wrdreg s18  }
0x25: {  	s26 =	simm.s32 $0x17F00;
	s6 =	sadd.s32 s25, s0;
	[dreg:$0x13] =	wrdreg s21  }
0x26: {  	[dreg:$0x15] =	wrdreg s23;
	s18 =	simm.s32 $0x2;
	s25 =	simm.s32 $0x500  }
0x27: {  	s21 =	simm.s32 $0x10200;
	s29 =	simm.s32 $0x680;
	[dreg:$0x7] =	wrdreg s6  }
0x28: {  	s23 =	simm.s32 $0x13400;
	s6 =	sshrl.u32 s15, $0x3;
	[dreg:$0x17] =	wrdreg s25  }
0x29: {  	s15 =	simm.s32 $0x8500;
	[dreg:$0x1a] =	wrdreg s29;
	s16 =	sadd.s32 s6, s0  }
0x2a: {  	s25 =	simm.s32 $0x16600;
	s0 =	sadd.s32 s4, s0;
	[dreg:$0xd] =	wrdreg s16  }
0x2b: {  	s4 =	simm.s32 $0x0;
	[dreg:$0xe] =	wrdreg s0;
	s16 =	simm.s32 $0x9E00  }
.LBB2_1:
0x2c: {  	s0 =	rddreg [dreg:$0x1d];
	p0 =	por $0x1, $0x1  }
0x2d: {  	[tilespmem:s3], [sflag:$0x1] =	stream.linear.gather [hbm4b:s0+s3], $0x400, $0x38;
	[tilespmem:$0x19800] =	vst v63  }
0x2e: {  	p0 =	por p0, p0  }
0x2f: {  	[smem:$0x7FD] =	sst s4;
	s0 =	simm.s32 @!p0 $0x3  }
0x30: {  	_ =	swait.ge @!p0 [sflag:s0], $0x1900  }
0x31: {  	[sflag:s0] =	ssyncset.done @!p0 $0x0  }
0x32: {  	[sflag:s0] =	ssyncadd.s32 @!p0 $0xFFFFE700  }
0x33: {  	_ =	swait.ge @!p0 [sflag:s0], $0x1900  }
0x34: {  	[sflag:s0] =	ssyncset.done @!p0 $0x0  }
0x35: {  	[sflag:s0] =	ssyncadd.s32 @!p0 $0xFFFFE700  }
0x36: {  	_ =	swait.ge @!p0 [sflag:s0], $0x1900  }
0x37: {  	[sflag:s0] =	ssyncset.done @!p0 $0x0  }
0x38: {  	[sflag:s0] =	ssyncadd.s32 @!p0 $0xFFFFE700  }
0x39: {  	_ =	swait.ge @!p0 [sflag:s0], $0x1900  }
0x3a: {  	[sflag:s0] =	ssyncset.done @!p0 $0x0  }
0x3b: {  	[sflag:s0] =	ssyncadd.s32 @!p0 $0xFFFFE700  }
0x3c: {  	_ =	swait.ge @!p0 [sflag:s0], $0x1900  }
0x3d: {  	[sflag:s0] =	ssyncset.done @!p0 $0x0  }
0x3e: {  	[sflag:s0] =	ssyncadd.s32 @!p0 $0xFFFFE700  }
0x3f: {  	_ =	swait.ge @!p0 [sflag:s0], $0x1900  }
0x40: {  	[sflag:s0] =	ssyncset.done @!p0 $0x0  }
0x41: {  	[sflag:s0] =	ssyncadd.s32 @!p0 $0xFFFFE700  }
0x42: {  	_ =	swait.ge @!p0 [sflag:s0], $0x1900  }
0x43: {  	[sflag:s0] =	ssyncset.done @!p0 $0x0  }
0x44: {  	[sflag:s0] =	ssyncadd.s32 @!p0 $0xFFFFE700  }
0x45: {  	_ =	swait.ge @!p0 [sflag:s0], $0x1900  }
0x46: {  	[sflag:s0] =	ssyncset.done @!p0 $0x0  }
0x47: {  	[sflag:s0] =	ssyncadd.s32 @!p0 $0xFFFFE700  }
0x48: {  	_ =	swait.ge [sflag:s7], $0x400  }
0x49: {  	[sflag:s7] =	ssyncset.done $0x0;
	s6 =	rddreg [dreg:$0x1f]  }
0x4a: {  	[sflag:s7] =	ssyncadd.s32 $0xFFFFFC00;
	s2 =	sadd.s32 $0xFFFFFF80, s6  }
0x4b: {  	[tilespmem:s8], [sflag:$0x1] =	stream.linear.gather [hbm4b:s2+s3], $0x400, $0x38;
	[tilespmem:$0x19800] =	vst v63  }
0x4c: {  	_ = 	snop  }
0x4d: {  	[tilespmem:s10], [sflag:$0x2] =	stream.indirect.gather [hbm4b:s1+s9], $0x80, s3, s9, $0xb8;
	[tilespmem:$0x19800] =	vst v63  }
0x4e: {  	s4 =	rddreg [dreg:$0xf]  }
0x4f: {  	[tilespmem:s11], [sflag:$0x2] =	stream.indirect.gather [hbm4b:s1+s9], $0x80, s4, s9, $0xb8;
	[tilespmem:$0x19800] =	vst v63  }
0x50: {  	s5 =	rddreg [dreg:$0x10]  }
0x51: {  	[tilespmem:s12], [sflag:$0x2] =	stream.indirect.gather [hbm4b:s1+s9], $0x80, s5, s9, $0xb8;
	[tilespmem:$0x19800] =	vst v63  }
0x52: {  	s28 =	rddreg [dreg:$0x11]  }
0x53: {  	[tilespmem:s13], [sflag:$0x2] =	stream.indirect.gather [hbm4b:s1+s9], $0x80, s28, s9, $0xb8;
	[tilespmem:$0x19800] =	vst v63  }
0x54: {  	s29 =	rddreg [dreg:$0x12]  }
0x55: {  	[tilespmem:s14], [sflag:$0x2] =	stream.indirect.gather [hbm4b:s1+s9], $0x80, s29, s9, $0xb8;
	[tilespmem:$0x19800] =	vst v63  }
0x56: {  	s5 =	rddreg [dreg:$0x13]  }
0x57: {  	[tilespmem:s15], [sflag:$0x2] =	stream.indirect.gather [hbm4b:s1+s9], $0x80, s5, s9, $0xb8;
	[tilespmem:$0x19800] =	vst v63  }
0x58: {  	s28 =	rddreg [dreg:$0x14]  }
0x59: {  	[tilespmem:s16], [sflag:$0x2] =	stream.indirect.gather [hbm4b:s1+s9], $0x80, s28, s9, $0xb8;
	[tilespmem:$0x19800] =	vst v63  }
0x5a: {  	s29 =	rddreg [dreg:$0x15]  }
0x5b: {  	[tilespmem:s17], [sflag:$0x2] =	stream.indirect.gather [hbm4b:s1+s9], $0x80, s29, s9, $0xb8;
	[tilespmem:$0x19800] =	vst v63  }
0x5c: {  	_ =	swait.ge [sflag:s18], $0x1900  }
0x5d: {  	[sflag:s18] =	ssyncset.done $0x0  }
0x5e: {  	[sflag:s18] =	ssyncadd.s32 $0xFFFFE700  }
0x5f: {  	_ =	swait.ge [sflag:s18], $0x1900  }
0x60: {  	[sflag:s18] =	ssyncset.done $0x0  }
0x61: {  	[sflag:s18] =	ssyncadd.s32 $0xFFFFE700  }
0x62: {  	_ =	swait.ge [sflag:s18], $0x1900  }
0x63: {  	[sflag:s18] =	ssyncset.done $0x0  }
0x64: {  	[sflag:s18] =	ssyncadd.s32 $0xFFFFE700  }
0x65: {  	_ =	swait.ge [sflag:s18], $0x1900  }
0x66: {  	[sflag:s18] =	ssyncset.done $0x0  }
0x67: {  	[sflag:s18] =	ssyncadd.s32 $0xFFFFE700  }
0x68: {  	_ =	swait.ge [sflag:s18], $0x1900  }
0x69: {  	[sflag:s18] =	ssyncset.done $0x0  }
0x6a: {  	[sflag:s18] =	ssyncadd.s32 $0xFFFFE700  }
0x6b: {  	_ =	swait.ge [sflag:s18], $0x1900  }
0x6c: {  	[sflag:s18] =	ssyncset.done $0x0  }
0x6d: {  	[sflag:s18] =	ssyncadd.s32 $0xFFFFE700  }
0x6e: {  	_ =	swait.ge [sflag:s18], $0x1900  }
0x6f: {  	[sflag:s18] =	ssyncset.done $0x0  }
0x70: {  	[sflag:s18] =	ssyncadd.s32 $0xFFFFE700  }
0x71: {  	_ =	swait.ge [sflag:s18], $0x1900  }
0x72: {  	s5 =	rddreg [dreg:$0x9];
	[sflag:s18] =	ssyncset.done $0x0  }
0x73: {  	[sflag:s18] =	ssyncadd.s32 $0xFFFFE700;
	s2 =	sadd.s32 $0x0, s5  }
0x74: {  	[hbm4b:s2+s3] =	stream.linear.scatter [tilespmem:s10], [sflag:$0x3], $0x1900, $0x38;
	[tilespmem:$0x19800] =	vst v63  }
0x75: {  	s28 =	sadd.s32 $0x380, s2  }
0x76: {  	[hbm4b:s28+s3] =	stream.linear.scatter [tilespmem:s11], [sflag:$0x3], $0x1900, $0x38;
	[tilespmem:$0x19800] =	vst v63  }
0x77: {  	s5 =	rddreg [dreg:$0xe];
	s29 =	sadd.s32 $0x700, s2  }
0x78: {  	[hbm4b:s29+s3] =	stream.linear.scatter [tilespmem:s12], [sflag:$0x3], $0x1900, $0x38;
	[tilespmem:$0x19800] =	vst v63  }
0x79: {  	s5 =	sadd.s32 $0x0, s5;
	s28 =	rddreg [dreg:$0xd]  }
0x7a: {  	[hbm4b:s5+s3] =	stream.linear.scatter [tilespmem:s13], [sflag:$0x3], $0x1900, $0x38;
	[tilespmem:$0x19800] =	vst v63  }
0x7b: {  	s4 =	sadd.s32 $0x0, s28;
	s29 =	rddreg [dreg:$0xc]  }
0x7c: {  	[hbm4b:s4+s3] =	stream.linear.scatter [tilespmem:s14], [sflag:$0x3], $0x1900, $0x38;
	[tilespmem:$0x19800] =	vst v63  }
0x7d: {  	s28 =	rddreg [dreg:$0xb];
	s5 =	sadd.s32 $0x0, s29  }
0x7e: {  	[hbm4b:s5+s3] =	stream.linear.scatter [tilespmem:s15], [sflag:$0x3], $0x1900, $0x38;
	[tilespmem:$0x19800] =	vst v63  }
0x7f: {  	s29 =	rddreg [dreg:$0xa];
	s4 =	sadd.s32 $0x0, s28  }
0x80: {  	[hbm4b:s4+s3] =	stream.linear.scatter [tilespmem:s16], [sflag:$0x3], $0x1900, $0x38;
	[tilespmem:$0x19800] =	vst v63  }
0x81: {  	s5 =	sadd.s32 $0x0, s29  }
0x82: {  	[hbm4b:s5+s3] =	stream.linear.scatter [tilespmem:s17], [sflag:$0x3], $0x1900, $0x38;
	[tilespmem:$0x19800] =	vst v63  }
0x83: {  	_ =	swait.ge @!p0 [sflag:s0], $0x1900  }
0x84: {  	[sflag:s0] =	ssyncset.done @!p0 $0x0  }
0x85: {  	[sflag:s0] =	ssyncadd.s32 @!p0 $0xFFFFE700  }
0x86: {  	_ =	swait.ge @!p0 [sflag:s0], $0x1900  }
0x87: {  	[sflag:s0] =	ssyncset.done @!p0 $0x0  }
0x88: {  	[sflag:s0] =	ssyncadd.s32 @!p0 $0xFFFFE700  }
0x89: {  	_ =	swait.ge @!p0 [sflag:s0], $0x1900  }
0x8a: {  	[sflag:s0] =	ssyncset.done @!p0 $0x0  }
0x8b: {  	[sflag:s0] =	ssyncadd.s32 @!p0 $0xFFFFE700  }
0x8c: {  	_ =	swait.ge @!p0 [sflag:s0], $0x1900  }
0x8d: {  	[sflag:s0] =	ssyncset.done @!p0 $0x0  }
0x8e: {  	[sflag:s0] =	ssyncadd.s32 @!p0 $0xFFFFE700  }
0x8f: {  	_ =	swait.ge @!p0 [sflag:s0], $0x1900  }
0x90: {  	[sflag:s0] =	ssyncset.done @!p0 $0x0  }
0x91: {  	[sflag:s0] =	ssyncadd.s32 @!p0 $0xFFFFE700  }
0x92: {  	_ =	swait.ge @!p0 [sflag:s0], $0x1900  }
0x93: {  	[sflag:s0] =	ssyncset.done @!p0 $0x0  }
0x94: {  	[sflag:s0] =	ssyncadd.s32 @!p0 $0xFFFFE700  }
0x95: {  	_ =	swait.ge @!p0 [sflag:s0], $0x1900  }
0x96: {  	[sflag:s0] =	ssyncset.done @!p0 $0x0  }
0x97: {  	[sflag:s0] =	ssyncadd.s32 @!p0 $0xFFFFE700  }
0x98: {  	_ =	swait.ge @!p0 [sflag:s0], $0x1900  }
0x99: {  	[sflag:s0] =	ssyncset.done @!p0 $0x0  }
0x9a: {  	[sflag:s0] =	ssyncadd.s32 @!p0 $0xFFFFE700  }
0x9b: {  	_ =	swait.ge [sflag:s7], $0x400  }
0x9c: {  	p0 =	por $0x0, $0x0;
	[sflag:s7] =	ssyncset.done $0x0  }
0x9d: {  	s0 =	simm.s32 @!p0 $0x0;
	[sflag:s7] =	ssyncadd.s32 $0xFFFFFC00  }
0x9e: {  	[tilespmem:s0], [sflag:$0x1] =	stream.linear.gather @!p0 [hbm4b:s6+s0], $0x400, $0x38;
	[tilespmem:$0x19800] =	vst v63  }
0x9f: {  	_ = 	snop  }
0xa0: {  	[tilespmem:s19], [sflag:$0x2] =	stream.indirect.gather [hbm4b:s1+s9], $0x80, s8, s9, $0xb8;
	[tilespmem:$0x19800] =	vst v63  }
0xa1: {  	s28 =	rddreg [dreg:$0x16]  }
0xa2: {  	[tilespmem:s20], [sflag:$0x2] =	stream.indirect.gather [hbm4b:s1+s9], $0x80, s28, s9, $0xb8;
	[tilespmem:$0x19800] =	vst v63  }
0xa3: {  	s29 =	rddreg [dreg:$0x17]  }
0xa4: {  	[tilespmem:s21], [sflag:$0x2] =	stream.indirect.gather [hbm4b:s1+s9], $0x80, s29, s9, $0xb8;
	[tilespmem:$0x19800] =	vst v63  }
0xa5: {  	s5 =	rddreg [dreg:$0x18]  }
0xa6: {  	[tilespmem:s22], [sflag:$0x2] =	stream.indirect.gather [hbm4b:s1+s9], $0x80, s5, s9, $0xb8;
	[tilespmem:$0x19800] =	vst v63  }
0xa7: {  	s28 =	rddreg [dreg:$0x19]  }
0xa8: {  	[tilespmem:s23], [sflag:$0x2] =	stream.indirect.gather [hbm4b:s1+s9], $0x80, s28, s9, $0xb8;
	[tilespmem:$0x19800] =	vst v63  }
0xa9: {  	s29 =	rddreg [dreg:$0x1a]  }
0xaa: {  	[tilespmem:s24], [sflag:$0x2] =	stream.indirect.gather [hbm4b:s1+s9], $0x80, s29, s9, $0xb8;
	[tilespmem:$0x19800] =	vst v63  }
0xab: {  	s5 =	rddreg [dreg:$0x1b]  }
0xac: {  	[tilespmem:s25], [sflag:$0x2] =	stream.indirect.gather [hbm4b:s1+s9], $0x80, s5, s9, $0xb8;
	[tilespmem:$0x19800] =	vst v63  }
0xad: {  	s28 =	rddreg [dreg:$0x1c]  }
0xae: {  	[tilespmem:s26], [sflag:$0x2] =	stream.indirect.gather [hbm4b:s1+s9], $0x80, s28, s9, $0xb8;
	[tilespmem:$0x19800] =	vst v63  }
0xaf: {  	_ =	swait.ge [sflag:s18], $0x1900  }
0xb0: {  	[sflag:s18] =	ssyncset.done $0x0  }
0xb1: {  	[sflag:s18] =	ssyncadd.s32 $0xFFFFE700  }
0xb2: {  	_ =	swait.ge [sflag:s18], $0x1900  }
0xb3: {  	[sflag:s18] =	ssyncset.done $0x0  }
0xb4: {  	[sflag:s18] =	ssyncadd.s32 $0xFFFFE700  }
0xb5: {  	_ =	swait.ge [sflag:s18], $0x1900  }
0xb6: {  	[sflag:s18] =	ssyncset.done $0x0  }
0xb7: {  	[sflag:s18] =	ssyncadd.s32 $0xFFFFE700  }
0xb8: {  	_ =	swait.ge [sflag:s18], $0x1900  }
0xb9: {  	[sflag:s18] =	ssyncset.done $0x0  }
0xba: {  	[sflag:s18] =	ssyncadd.s32 $0xFFFFE700  }
0xbb: {  	_ =	swait.ge [sflag:s18], $0x1900  }
0xbc: {  	[sflag:s18] =	ssyncset.done $0x0  }
0xbd: {  	[sflag:s18] =	ssyncadd.s32 $0xFFFFE700  }
0xbe: {  	_ =	swait.ge [sflag:s18], $0x1900  }
0xbf: {  	[sflag:s18] =	ssyncset.done $0x0  }
0xc0: {  	[sflag:s18] =	ssyncadd.s32 $0xFFFFE700  }
0xc1: {  	_ =	swait.ge [sflag:s18], $0x1900  }
0xc2: {  	[sflag:s18] =	ssyncset.done $0x0  }
0xc3: {  	[sflag:s18] =	ssyncadd.s32 $0xFFFFE700  }
0xc4: {  	_ =	swait.ge [sflag:s18], $0x1900  }
0xc5: {  	[sflag:s18] =	ssyncset.done $0x0  }
0xc6: {  	s29 =	sadd.s32 $0x1C00, s2;
	s0 =	rddreg [dreg:$0x8];
	[sflag:s18] =	ssyncadd.s32 $0xFFFFE700  }
0xc7: {  	[hbm4b:s29+s3] =	stream.linear.scatter [tilespmem:s19], [sflag:$0x3], $0x1900, $0x38;
	[tilespmem:$0x19800] =	vst v63  }
0xc8: {  	s2 =	sadd.s32 $0x1F80, s2;
	s5 =	rddreg [dreg:$0x7]  }
0xc9: {  	[hbm4b:s2+s3] =	stream.linear.scatter [tilespmem:s20], [sflag:$0x3], $0x1900, $0x38;
	[tilespmem:$0x19800] =	vst v63  }
0xca: {  	s30 =	simm.s32 $0x3800;
	s28 =	rddreg [dreg:$0x6];
	s0 =	sadd.s32 $0x0, s0  }
0xcb: {  	[hbm4b:s0+s3] =	stream.linear.scatter [tilespmem:s21], [sflag:$0x3], $0x1900, $0x38;
	[tilespmem:$0x19800] =	vst v63  }
0xcc: {  	p6 =	por $0x0, $0x0;
	s4 =	sadd.s32 $0x0, s5;
	s5 =	rddreg [dreg:$0x4]  }
0xcd: {  	[hbm4b:s4+s3] =	stream.linear.scatter [tilespmem:s22], [sflag:$0x3], $0x1900, $0x38;
	[tilespmem:$0x19800] =	vst v63  }
0xce: {  	s31 =	sadd.s32 $0x100, s6;
	s29 =	rddreg [dreg:$0x5];
	s2 =	sadd.s32 $0x0, s28  }
0xcf: {  	[hbm4b:s2+s3] =	stream.linear.scatter [tilespmem:s23], [sflag:$0x3], $0x1900, $0x38;
	[tilespmem:$0x19800] =	vst v63  }
0xd0: {  	p0 =	por p6, p6;
	s28 =	rddreg [dreg:$0x3];
	s0 =	sadd.s32 $0x0, s29  }
0xd1: {  	[hbm4b:s0+s3] =	stream.linear.scatter [tilespmem:s24], [sflag:$0x3], $0x1900, $0x38;
	[tilespmem:$0x19800] =	vst v63  }
0xd2: {  	s29 =	sadd.s32 $0x0, s5;
	s4 =	sadd.s32 $0x0, s28;
	s0 =	simm.s32 $0x7000  }
0xd3: {  	[hbm4b:s29+s3] =	stream.linear.scatter [tilespmem:s25], [sflag:$0x3], $0x1900, $0x38;
	[tilespmem:$0x19800] =	vst v63  }
.LBB2_2:
0xd4: {  	[hbm4b:s4+s3] =	stream.linear.scatter [tilespmem:s26], [sflag:$0x3], $0x1900, $0x38;
	[tilespmem:$0x19800] =	vst v63  }
0xd5: {  	s4 =	simm.s32 @!p0 $0x3  }
0xd6: {  	_ =	swait.ge @!p0 [sflag:s4], $0x1900  }
0xd7: {  	[sflag:s4] =	ssyncset.done @!p0 $0x0  }
0xd8: {  	[sflag:s4] =	ssyncadd.s32 @!p0 $0xFFFFE700  }
0xd9: {  	_ =	swait.ge @!p0 [sflag:s4], $0x1900  }
0xda: {  	[sflag:s4] =	ssyncset.done @!p0 $0x0  }
0xdb: {  	[sflag:s4] =	ssyncadd.s32 @!p0 $0xFFFFE700  }
0xdc: {  	_ =	swait.ge @!p0 [sflag:s4], $0x1900  }
0xdd: {  	[sflag:s4] =	ssyncset.done @!p0 $0x0  }
0xde: {  	[sflag:s4] =	ssyncadd.s32 @!p0 $0xFFFFE700  }
0xdf: {  	_ =	swait.ge @!p0 [sflag:s4], $0x1900  }
0xe0: {  	[sflag:s4] =	ssyncset.done @!p0 $0x0  }
0xe1: {  	[sflag:s4] =	ssyncadd.s32 @!p0 $0xFFFFE700  }
0xe2: {  	_ =	swait.ge @!p0 [sflag:s4], $0x1900  }
0xe3: {  	[sflag:s4] =	ssyncset.done @!p0 $0x0  }
0xe4: {  	[sflag:s4] =	ssyncadd.s32 @!p0 $0xFFFFE700  }
0xe5: {  	_ =	swait.ge @!p0 [sflag:s4], $0x1900  }
0xe6: {  	[sflag:s4] =	ssyncset.done @!p0 $0x0  }
0xe7: {  	[sflag:s4] =	ssyncadd.s32 @!p0 $0xFFFFE700  }
0xe8: {  	_ =	swait.ge @!p0 [sflag:s4], $0x1900  }
0xe9: {  	[sflag:s4] =	ssyncset.done @!p0 $0x0  }
0xea: {  	[sflag:s4] =	ssyncadd.s32 @!p0 $0xFFFFE700  }
0xeb: {  	_ =	swait.ge @!p0 [sflag:s4], $0x1900  }
0xec: {  	[sflag:s4] =	ssyncset.done @!p0 $0x0  }
0xed: {  	[sflag:s4] =	ssyncadd.s32 @!p0 $0xFFFFE700  }
0xee: {  	_ =	swait.ge [sflag:s7], $0x400  }
0xef: {  	[sflag:s7] =	ssyncset.done $0x0  }
0xf0: {  	s5 =	sadd.s32 $0xFFFFFF80, s31;
	[sflag:s7] =	ssyncadd.s32 $0xFFFFFC00  }
0xf1: {  	[tilespmem:s8], [sflag:$0x1] =	stream.linear.gather [hbm4b:s5+s3], $0x400, $0x38;
	[tilespmem:$0x19800] =	vst v63  }
0xf2: {  	_ = 	snop  }
0xf3: {  	[tilespmem:s10], [sflag:$0x2] =	stream.indirect.gather [hbm4b:s1+s9], $0x80, s3, s9, $0xb8;
	[tilespmem:$0x19800] =	vst v63  }
0xf4: {  	s28 =	rddreg [dreg:$0xf]  }
0xf5: {  	[tilespmem:s11], [sflag:$0x2] =	stream.indirect.gather [hbm4b:s1+s9], $0x80, s28, s9, $0xb8;
	[tilespmem:$0x19800] =	vst v63  }
0xf6: {  	s6 =	rddreg [dreg:$0x10]  }
0xf7: {  	[tilespmem:s12], [sflag:$0x2] =	stream.indirect.gather [hbm4b:s1+s9], $0x80, s6, s9, $0xb8;
	[tilespmem:$0x19800] =	vst v63  }
0xf8: {  	s29 =	rddreg [dreg:$0x11]  }
0xf9: {  	[tilespmem:s13], [sflag:$0x2] =	stream.indirect.gather [hbm4b:s1+s9], $0x80, s29, s9, $0xb8;
	[tilespmem:$0x19800] =	vst v63  }
0xfa: {  	s28 =	rddreg [dreg:$0x12]  }
0xfb: {  	[tilespmem:s14], [sflag:$0x2] =	stream.indirect.gather [hbm4b:s1+s9], $0x80, s28, s9, $0xb8;
	[tilespmem:$0x19800] =	vst v63  }
0xfc: {  	s29 =	rddreg [dreg:$0x13]  }
0xfd: {  	[tilespmem:s15], [sflag:$0x2] =	stream.indirect.gather [hbm4b:s1+s9], $0x80, s29, s9, $0xb8;
	[tilespmem:$0x19800] =	vst v63  }
0xfe: {  	s28 =	rddreg [dreg:$0x14]  }
0xff: {  	[tilespmem:s16], [sflag:$0x2] =	stream.indirect.gather [hbm4b:s1+s9], $0x80, s28, s9, $0xb8;
	[tilespmem:$0x19800] =	vst v63  }
0x100: {  	s29 =	rddreg [dreg:$0x15]  }
0x101: {  	[tilespmem:s17], [sflag:$0x2] =	stream.indirect.gather [hbm4b:s1+s9], $0x80, s29, s9, $0xb8;
	[tilespmem:$0x19800] =	vst v63  }
0x102: {  	_ =	swait.ge [sflag:s18], $0x1900  }
0x103: {  	[sflag:s18] =	ssyncset.done $0x0  }
0x104: {  	[sflag:s18] =	ssyncadd.s32 $0xFFFFE700  }
0x105: {  	_ =	swait.ge [sflag:s18], $0x1900  }
0x106: {  	[sflag:s18] =	ssyncset.done $0x0  }
0x107: {  	[sflag:s18] =	ssyncadd.s32 $0xFFFFE700  }
0x108: {  	_ =	swait.ge [sflag:s18], $0x1900  }
0x109: {  	[sflag:s18] =	ssyncset.done $0x0  }
0x10a: {  	[sflag:s18] =	ssyncadd.s32 $0xFFFFE700  }
0x10b: {  	_ =	swait.ge [sflag:s18], $0x1900  }
0x10c: {  	[sflag:s18] =	ssyncset.done $0x0  }
0x10d: {  	[sflag:s18] =	ssyncadd.s32 $0xFFFFE700  }
0x10e: {  	_ =	swait.ge [sflag:s18], $0x1900  }
0x10f: {  	[sflag:s18] =	ssyncset.done $0x0  }
0x110: {  	[sflag:s18] =	ssyncadd.s32 $0xFFFFE700  }
0x111: {  	_ =	swait.ge [sflag:s18], $0x1900  }
0x112: {  	[sflag:s18] =	ssyncset.done $0x0  }
0x113: {  	[sflag:s18] =	ssyncadd.s32 $0xFFFFE700  }
0x114: {  	_ =	swait.ge [sflag:s18], $0x1900  }
0x115: {  	[sflag:s18] =	ssyncset.done $0x0  }
0x116: {  	[sflag:s18] =	ssyncadd.s32 $0xFFFFE700  }
0x117: {  	_ =	swait.ge [sflag:s18], $0x1900  }
0x118: {  	s6 =	rddreg [dreg:$0x9];
	[sflag:s18] =	ssyncset.done $0x0  }
0x119: {  	[sflag:s18] =	ssyncadd.s32 $0xFFFFE700;
	s5 =	sadd.s32 s30, s6  }
0x11a: {  	[hbm4b:s5+s3] =	stream.linear.scatter [tilespmem:s10], [sflag:$0x3], $0x1900, $0x38;
	[tilespmem:$0x19800] =	vst v63  }
0x11b: {  	s28 =	sadd.s32 $0x380, s5  }
0x11c: {  	[hbm4b:s28+s3] =	stream.linear.scatter [tilespmem:s11], [sflag:$0x3], $0x1900, $0x38;
	[tilespmem:$0x19800] =	vst v63  }
0x11d: {  	s29 =	rddreg [dreg:$0xe];
	s6 =	sadd.s32 $0x700, s5  }
0x11e: {  	[hbm4b:s6+s3] =	stream.linear.scatter [tilespmem:s12], [sflag:$0x3], $0x1900, $0x38;
	[tilespmem:$0x19800] =	vst v63  }
0x11f: {  	s28 =	rddreg [dreg:$0xd];
	s6 =	sadd.s32 s30, s29  }
0x120: {  	[hbm4b:s6+s3] =	stream.linear.scatter [tilespmem:s13], [sflag:$0x3], $0x1900, $0x38;
	[tilespmem:$0x19800] =	vst v63  }
0x121: {  	s29 =	rddreg [dreg:$0xc];
	s6 =	sadd.s32 s30, s28  }
0x122: {  	[hbm4b:s6+s3] =	stream.linear.scatter [tilespmem:s14], [sflag:$0x3], $0x1900, $0x38;
	[tilespmem:$0x19800] =	vst v63  }
0x123: {  	s28 =	rddreg [dreg:$0xb];
	s6 =	sadd.s32 s30, s29  }
0x124: {  	[hbm4b:s6+s3] =	stream.linear.scatter [tilespmem:s15], [sflag:$0x3], $0x1900, $0x38;
	[tilespmem:$0x19800] =	vst v63  }
0x125: {  	s28 =	sadd.s32 s30, s28;
	s29 =	rddreg [dreg:$0xa]  }
0x126: {  	[hbm4b:s28+s3] =	stream.linear.scatter [tilespmem:s16], [sflag:$0x3], $0x1900, $0x38;
	[tilespmem:$0x19800] =	vst v63  }
0x127: {  	s29 =	sadd.s32 s30, s29  }
0x128: {  	[hbm4b:s29+s3] =	stream.linear.scatter [tilespmem:s17], [sflag:$0x3], $0x1900, $0x38;
	[tilespmem:$0x19800] =	vst v63  }
0x129: {  	_ =	swait.ge @!p0 [sflag:s4], $0x1900  }
0x12a: {  	[sflag:s4] =	ssyncset.done @!p0 $0x0  }
0x12b: {  	[sflag:s4] =	ssyncadd.s32 @!p0 $0xFFFFE700  }
0x12c: {  	_ =	swait.ge @!p0 [sflag:s4], $0x1900  }
0x12d: {  	[sflag:s4] =	ssyncset.done @!p0 $0x0  }
0x12e: {  	[sflag:s4] =	ssyncadd.s32 @!p0 $0xFFFFE700  }
0x12f: {  	_ =	swait.ge @!p0 [sflag:s4], $0x1900  }
0x130: {  	[sflag:s4] =	ssyncset.done @!p0 $0x0  }
0x131: {  	[sflag:s4] =	ssyncadd.s32 @!p0 $0xFFFFE700  }
0x132: {  	_ =	swait.ge @!p0 [sflag:s4], $0x1900  }
0x133: {  	[sflag:s4] =	ssyncset.done @!p0 $0x0  }
0x134: {  	[sflag:s4] =	ssyncadd.s32 @!p0 $0xFFFFE700  }
0x135: {  	_ =	swait.ge @!p0 [sflag:s4], $0x1900  }
0x136: {  	[sflag:s4] =	ssyncset.done @!p0 $0x0  }
0x137: {  	[sflag:s4] =	ssyncadd.s32 @!p0 $0xFFFFE700  }
0x138: {  	_ =	swait.ge @!p0 [sflag:s4], $0x1900  }
0x139: {  	[sflag:s4] =	ssyncset.done @!p0 $0x0  }
0x13a: {  	[sflag:s4] =	ssyncadd.s32 @!p0 $0xFFFFE700  }
0x13b: {  	_ =	swait.ge @!p0 [sflag:s4], $0x1900  }
0x13c: {  	[sflag:s4] =	ssyncset.done @!p0 $0x0  }
0x13d: {  	[sflag:s4] =	ssyncadd.s32 @!p0 $0xFFFFE700  }
0x13e: {  	_ =	swait.ge @!p0 [sflag:s4], $0x1900  }
0x13f: {  	[sflag:s4] =	ssyncset.done @!p0 $0x0  }
0x140: {  	s2 =	smov.u32 s0;
	[sflag:s4] =	ssyncadd.s32 @!p0 $0xFFFFE700  }
0x141: {  	p2 =	seq.s32 s2, $0x0;
	_ =	swait.ge [sflag:s7], $0x400  }
0x142: {  	p0 =	por p2, p2;
	p2 =	seq.s32 s30, $0x18800;
	[sflag:s7] =	ssyncset.done $0x0  }
0x143: {  	s4 =	simm.s32 @!p2 $0x0;
	[sflag:s7] =	ssyncadd.s32 $0xFFFFFC00  }
0x144: {  	[tilespmem:s4], [sflag:$0x1] =	stream.linear.gather @!p2 [hbm4b:s31+s4], $0x400, $0x38;
	[tilespmem:$0x19800] =	vst v63  }
0x145: {  	_ = 	snop  }
0x146: {  	[tilespmem:s19], [sflag:$0x2] =	stream.indirect.gather [hbm4b:s1+s9], $0x80, s8, s9, $0xb8;
	[tilespmem:$0x19800] =	vst v63  }
0x147: {  	s28 =	rddreg [dreg:$0x16]  }
0x148: {  	[tilespmem:s20], [sflag:$0x2] =	stream.indirect.gather [hbm4b:s1+s9], $0x80, s28, s9, $0xb8;
	[tilespmem:$0x19800] =	vst v63  }
0x149: {  	s29 =	rddreg [dreg:$0x17]  }
0x14a: {  	[tilespmem:s21], [sflag:$0x2] =	stream.indirect.gather [hbm4b:s1+s9], $0x80, s29, s9, $0xb8;
	[tilespmem:$0x19800] =	vst v63  }
0x14b: {  	s28 =	rddreg [dreg:$0x18]  }
0x14c: {  	[tilespmem:s22], [sflag:$0x2] =	stream.indirect.gather [hbm4b:s1+s9], $0x80, s28, s9, $0xb8;
	[tilespmem:$0x19800] =	vst v63  }
0x14d: {  	s29 =	rddreg [dreg:$0x19]  }
0x14e: {  	[tilespmem:s23], [sflag:$0x2] =	stream.indirect.gather [hbm4b:s1+s9], $0x80, s29, s9, $0xb8;
	[tilespmem:$0x19800] =	vst v63  }
0x14f: {  	s28 =	rddreg [dreg:$0x1a]  }
0x150: {  	[tilespmem:s24], [sflag:$0x2] =	stream.indirect.gather [hbm4b:s1+s9], $0x80, s28, s9, $0xb8;
	[tilespmem:$0x19800] =	vst v63  }
0x151: {  	s29 =	rddreg [dreg:$0x1b]  }
0x152: {  	[tilespmem:s25], [sflag:$0x2] =	stream.indirect.gather [hbm4b:s1+s9], $0x80, s29, s9, $0xb8;
	[tilespmem:$0x19800] =	vst v63  }
0x153: {  	s28 =	rddreg [dreg:$0x1c]  }
0x154: {  	[tilespmem:s26], [sflag:$0x2] =	stream.indirect.gather [hbm4b:s1+s9], $0x80, s28, s9, $0xb8;
	[tilespmem:$0x19800] =	vst v63  }
0x155: {  	_ =	swait.ge [sflag:s18], $0x1900  }
0x156: {  	[sflag:s18] =	ssyncset.done $0x0  }
0x157: {  	[sflag:s18] =	ssyncadd.s32 $0xFFFFE700  }
0x158: {  	_ =	swait.ge [sflag:s18], $0x1900  }
0x159: {  	[sflag:s18] =	ssyncset.done $0x0  }
0x15a: {  	[sflag:s18] =	ssyncadd.s32 $0xFFFFE700  }
0x15b: {  	_ =	swait.ge [sflag:s18], $0x1900  }
0x15c: {  	[sflag:s18] =	ssyncset.done $0x0  }
0x15d: {  	[sflag:s18] =	ssyncadd.s32 $0xFFFFE700  }
0x15e: {  	_ =	swait.ge [sflag:s18], $0x1900  }
0x15f: {  	[sflag:s18] =	ssyncset.done $0x0  }
0x160: {  	[sflag:s18] =	ssyncadd.s32 $0xFFFFE700  }
0x161: {  	_ =	swait.ge [sflag:s18], $0x1900  }
0x162: {  	[sflag:s18] =	ssyncset.done $0x0  }
0x163: {  	[sflag:s18] =	ssyncadd.s32 $0xFFFFE700  }
0x164: {  	_ =	swait.ge [sflag:s18], $0x1900  }
0x165: {  	[sflag:s18] =	ssyncset.done $0x0  }
0x166: {  	[sflag:s18] =	ssyncadd.s32 $0xFFFFE700  }
0x167: {  	_ =	swait.ge [sflag:s18], $0x1900  }
0x168: {  	[sflag:s18] =	ssyncset.done $0x0  }
0x169: {  	[sflag:s18] =	ssyncadd.s32 $0xFFFFE700  }
0x16a: {  	_ =	swait.ge [sflag:s18], $0x1900  }
0x16b: {  	[sflag:s18] =	ssyncset.done $0x0  }
0x16c: {  	s6 =	sadd.s32 $0x1C00, s5;
	[sflag:s18] =	ssyncadd.s32 $0xFFFFE700  }
0x16d: {  	[hbm4b:s6+s3] =	stream.linear.scatter [tilespmem:s19], [sflag:$0x3], $0x1900, $0x38;
	[tilespmem:$0x19800] =	vst v63  }
0x16e: {  	s5 =	sadd.s32 $0x1F80, s5;
	s4 =	rddreg [dreg:$0x8]  }
0x16f: {  	[hbm4b:s5+s3] =	stream.linear.scatter [tilespmem:s20], [sflag:$0x3], $0x1900, $0x38;
	[tilespmem:$0x19800] =	vst v63  }
0x170: {  	s29 =	rddreg [dreg:$0x7];
	s4 =	sadd.s32 s30, s4  }
0x171: {  	[hbm4b:s4+s3] =	stream.linear.scatter [tilespmem:s21], [sflag:$0x3], $0x1900, $0x38;
	[tilespmem:$0x19800] =	vst v63  }
0x172: {  	s0 =	sadd.s32 $0x3800, s0;
	s29 =	sadd.s32 s30, s29;
	s6 =	rddreg [dreg:$0x6]  }
0x173: {  	[hbm4b:s29+s3] =	stream.linear.scatter [tilespmem:s22], [sflag:$0x3], $0x1900, $0x38;
	[tilespmem:$0x19800] =	vst v63  }
0x174: {  	p1 =	sne.s32 s0, $0x1C000;
	s28 =	rddreg [dreg:$0x4];
	s29 =	sadd.s32 s30, s6  }
0x175: {  	[hbm4b:s29+s3] =	stream.linear.scatter [tilespmem:s23], [sflag:$0x3], $0x1900, $0x38;
	[tilespmem:$0x19800] =	vst v63  }
.Ltmp0:
0x176: {  	s5 =	rddreg [dreg:$0x5];
	(pc) =	sbr.rel @p1 .LBB2_2-.Ltmp0, $4  }
0x177: {  	s31 =	sadd.s32 $0x100, s31;
	s5 =	sadd.s32 s30, s5;
	s6 =	rddreg [dreg:$0x3]  }
0x178: {  	[hbm4b:s5+s3] =	stream.linear.scatter [tilespmem:s24], [sflag:$0x3], $0x1900, $0x38;
	[tilespmem:$0x19800] =	vst v63  }
0x179: {  	s4 =	sadd.s32 s30, s6;
	s29 =	sadd.s32 s30, s28;
	s30 =	smov.u32 s2  }
0x17a: {  	[hbm4b:s29+s3] =	stream.linear.scatter [tilespmem:s25], [sflag:$0x3], $0x1900, $0x38;
	[tilespmem:$0x19800] =	vst v63  }
0x17b: {  	[hbm4b:s4+s3] =	stream.linear.scatter [tilespmem:s26], [sflag:$0x3], $0x1900, $0x38;
	[tilespmem:$0x19800] =	vst v63  }
0x17c: {  	s0 =	simm.s32 @!p0 $0x3  }
0x17d: {  	_ =	swait.ge @!p0 [sflag:s0], $0x1900  }
0x17e: {  	[sflag:s0] =	ssyncset.done @!p0 $0x0  }
0x17f: {  	[sflag:s0] =	ssyncadd.s32 @!p0 $0xFFFFE700  }
0x180: {  	_ =	swait.ge @!p0 [sflag:s0], $0x1900  }
0x181: {  	[sflag:s0] =	ssyncset.done @!p0 $0x0  }
0x182: {  	[sflag:s0] =	ssyncadd.s32 @!p0 $0xFFFFE700  }
0x183: {  	_ =	swait.ge @!p0 [sflag:s0], $0x1900  }
0x184: {  	[sflag:s0] =	ssyncset.done @!p0 $0x0  }
0x185: {  	[sflag:s0] =	ssyncadd.s32 @!p0 $0xFFFFE700  }
0x186: {  	_ =	swait.ge @!p0 [sflag:s0], $0x1900  }
0x187: {  	[sflag:s0] =	ssyncset.done @!p0 $0x0  }
0x188: {  	[sflag:s0] =	ssyncadd.s32 @!p0 $0xFFFFE700  }
0x189: {  	_ =	swait.ge @!p0 [sflag:s0], $0x1900  }
0x18a: {  	[sflag:s0] =	ssyncset.done @!p0 $0x0  }
0x18b: {  	[sflag:s0] =	ssyncadd.s32 @!p0 $0xFFFFE700  }
0x18c: {  	_ =	swait.ge @!p0 [sflag:s0], $0x1900  }
0x18d: {  	[sflag:s0] =	ssyncset.done @!p0 $0x0  }
0x18e: {  	[sflag:s0] =	ssyncadd.s32 @!p0 $0xFFFFE700  }
0x18f: {  	_ =	swait.ge @!p0 [sflag:s0], $0x1900  }
0x190: {  	[sflag:s0] =	ssyncset.done @!p0 $0x0  }
0x191: {  	[sflag:s0] =	ssyncadd.s32 @!p0 $0xFFFFE700  }
0x192: {  	_ =	swait.ge @!p0 [sflag:s0], $0x1900  }
0x193: {  	[sflag:s0] =	ssyncset.done @!p0 $0x0  }
0x194: {  	[sflag:s0] =	ssyncadd.s32 @!p0 $0xFFFFE700  }
0x195: {  	_ =	swait.ge [sflag:s7], $0x400  }
0x196: {  	[sflag:s7] =	ssyncset.done $0x0  }
0x197: {  	s2 =	sadd.s32 $0xFFFFFF80, s31;
	[sflag:s7] =	ssyncadd.s32 $0xFFFFFC00  }
0x198: {  	[tilespmem:s8], [sflag:$0x1] =	stream.linear.gather [hbm4b:s2+s3], $0x400, $0x38;
	[tilespmem:$0x19800] =	vst v63  }
0x199: {  	_ = 	snop  }
0x19a: {  	[tilespmem:s10], [sflag:$0x2] =	stream.indirect.gather [hbm4b:s1+s9], $0x80, s3, s9, $0xb8;
	[tilespmem:$0x19800] =	vst v63  }
0x19b: {  	s4 =	rddreg [dreg:$0xf]  }
0x19c: {  	[tilespmem:s11], [sflag:$0x2] =	stream.indirect.gather [hbm4b:s1+s9], $0x80, s4, s9, $0xb8;
	[tilespmem:$0x19800] =	vst v63  }
0x19d: {  	s5 =	rddreg [dreg:$0x10]  }
0x19e: {  	[tilespmem:s12], [sflag:$0x2] =	stream.indirect.gather [hbm4b:s1+s9], $0x80, s5, s9, $0xb8;
	[tilespmem:$0x19800] =	vst v63  }
0x19f: {  	s6 =	rddreg [dreg:$0x11]  }
0x1a0: {  	[tilespmem:s13], [sflag:$0x2] =	stream.indirect.gather [hbm4b:s1+s9], $0x80, s6, s9, $0xb8;
	[tilespmem:$0x19800] =	vst v63  }
0x1a1: {  	s28 =	rddreg [dreg:$0x12]  }
0x1a2: {  	[tilespmem:s14], [sflag:$0x2] =	stream.indirect.gather [hbm4b:s1+s9], $0x80, s28, s9, $0xb8;
	[tilespmem:$0x19800] =	vst v63  }
0x1a3: {  	s29 =	rddreg [dreg:$0x13]  }
0x1a4: {  	[tilespmem:s15], [sflag:$0x2] =	stream.indirect.gather [hbm4b:s1+s9], $0x80, s29, s9, $0xb8;
	[tilespmem:$0x19800] =	vst v63  }
0x1a5: {  	s5 =	rddreg [dreg:$0x14]  }
0x1a6: {  	[tilespmem:s16], [sflag:$0x2] =	stream.indirect.gather [hbm4b:s1+s9], $0x80, s5, s9, $0xb8;
	[tilespmem:$0x19800] =	vst v63  }
0x1a7: {  	s6 =	rddreg [dreg:$0x15]  }
0x1a8: {  	[tilespmem:s17], [sflag:$0x2] =	stream.indirect.gather [hbm4b:s1+s9], $0x80, s6, s9, $0xb8;
	[tilespmem:$0x19800] =	vst v63  }
0x1a9: {  	_ =	swait.ge [sflag:s18], $0x1900  }
0x1aa: {  	[sflag:s18] =	ssyncset.done $0x0  }
0x1ab: {  	[sflag:s18] =	ssyncadd.s32 $0xFFFFE700  }
0x1ac: {  	_ =	swait.ge [sflag:s18], $0x1900  }
0x1ad: {  	[sflag:s18] =	ssyncset.done $0x0  }
0x1ae: {  	[sflag:s18] =	ssyncadd.s32 $0xFFFFE700  }
0x1af: {  	_ =	swait.ge [sflag:s18], $0x1900  }
0x1b0: {  	[sflag:s18] =	ssyncset.done $0x0  }
0x1b1: {  	[sflag:s18] =	ssyncadd.s32 $0xFFFFE700  }
0x1b2: {  	_ =	swait.ge [sflag:s18], $0x1900  }
0x1b3: {  	[sflag:s18] =	ssyncset.done $0x0  }
0x1b4: {  	[sflag:s18] =	ssyncadd.s32 $0xFFFFE700  }
0x1b5: {  	_ =	swait.ge [sflag:s18], $0x1900  }
0x1b6: {  	[sflag:s18] =	ssyncset.done $0x0  }
0x1b7: {  	[sflag:s18] =	ssyncadd.s32 $0xFFFFE700  }
0x1b8: {  	_ =	swait.ge [sflag:s18], $0x1900  }
0x1b9: {  	[sflag:s18] =	ssyncset.done $0x0  }
0x1ba: {  	[sflag:s18] =	ssyncadd.s32 $0xFFFFE700  }
0x1bb: {  	_ =	swait.ge [sflag:s18], $0x1900  }
0x1bc: {  	[sflag:s18] =	ssyncset.done $0x0  }
0x1bd: {  	[sflag:s18] =	ssyncadd.s32 $0xFFFFE700  }
0x1be: {  	_ =	swait.ge [sflag:s18], $0x1900  }
0x1bf: {  	s28 =	rddreg [dreg:$0x9];
	[sflag:s18] =	ssyncset.done $0x0  }
0x1c0: {  	[sflag:s18] =	ssyncadd.s32 $0xFFFFE700;
	s2 =	sadd.s32 s30, s28  }
0x1c1: {  	[hbm4b:s2+s3] =	stream.linear.scatter [tilespmem:s10], [sflag:$0x3], $0x1900, $0x38;
	[tilespmem:$0x19800] =	vst v63  }
0x1c2: {  	s29 =	sadd.s32 $0x380, s2  }
0x1c3: {  	[hbm4b:s29+s3] =	stream.linear.scatter [tilespmem:s11], [sflag:$0x3], $0x1900, $0x38;
	[tilespmem:$0x19800] =	vst v63  }
0x1c4: {  	s5 =	rddreg [dreg:$0xe];
	s6 =	sadd.s32 $0x700, s2  }
0x1c5: {  	[hbm4b:s6+s3] =	stream.linear.scatter [tilespmem:s12], [sflag:$0x3], $0x1900, $0x38;
	[tilespmem:$0x19800] =	vst v63  }
0x1c6: {  	s28 =	rddreg [dreg:$0xd];
	s5 =	sadd.s32 s30, s5  }
0x1c7: {  	[hbm4b:s5+s3] =	stream.linear.scatter [tilespmem:s13], [sflag:$0x3], $0x1900, $0x38;
	[tilespmem:$0x19800] =	vst v63  }
0x1c8: {  	s4 =	sadd.s32 s30, s28;
	s29 =	rddreg [dreg:$0xc]  }
0x1c9: {  	[hbm4b:s4+s3] =	stream.linear.scatter [tilespmem:s14], [sflag:$0x3], $0x1900, $0x38;
	[tilespmem:$0x19800] =	vst v63  }
0x1ca: {  	s6 =	rddreg [dreg:$0xb];
	s5 =	sadd.s32 s30, s29  }
0x1cb: {  	[hbm4b:s5+s3] =	stream.linear.scatter [tilespmem:s15], [sflag:$0x3], $0x1900, $0x38;
	[tilespmem:$0x19800] =	vst v63  }
0x1cc: {  	s28 =	rddreg [dreg:$0xa];
	s4 =	sadd.s32 s30, s6  }
0x1cd: {  	[hbm4b:s4+s3] =	stream.linear.scatter [tilespmem:s16], [sflag:$0x3], $0x1900, $0x38;
	[tilespmem:$0x19800] =	vst v63  }
0x1ce: {  	s29 =	sadd.s32 s30, s28  }
0x1cf: {  	[hbm4b:s29+s3] =	stream.linear.scatter [tilespmem:s17], [sflag:$0x3], $0x1900, $0x38;
	[tilespmem:$0x19800] =	vst v63  }
0x1d0: {  	_ =	swait.ge @!p0 [sflag:s0], $0x1900  }
0x1d1: {  	[sflag:s0] =	ssyncset.done @!p0 $0x0  }
0x1d2: {  	[sflag:s0] =	ssyncadd.s32 @!p0 $0xFFFFE700  }
0x1d3: {  	_ =	swait.ge @!p0 [sflag:s0], $0x1900  }
0x1d4: {  	[sflag:s0] =	ssyncset.done @!p0 $0x0  }
0x1d5: {  	[sflag:s0] =	ssyncadd.s32 @!p0 $0xFFFFE700  }
0x1d6: {  	_ =	swait.ge @!p0 [sflag:s0], $0x1900  }
0x1d7: {  	[sflag:s0] =	ssyncset.done @!p0 $0x0  }
0x1d8: {  	[sflag:s0] =	ssyncadd.s32 @!p0 $0xFFFFE700  }
0x1d9: {  	_ =	swait.ge @!p0 [sflag:s0], $0x1900  }
0x1da: {  	[sflag:s0] =	ssyncset.done @!p0 $0x0  }
0x1db: {  	[sflag:s0] =	ssyncadd.s32 @!p0 $0xFFFFE700  }
0x1dc: {  	_ =	swait.ge @!p0 [sflag:s0], $0x1900  }
0x1dd: {  	[sflag:s0] =	ssyncset.done @!p0 $0x0  }
0x1de: {  	[sflag:s0] =	ssyncadd.s32 @!p0 $0xFFFFE700  }
0x1df: {  	_ =	swait.ge @!p0 [sflag:s0], $0x1900  }
0x1e0: {  	[sflag:s0] =	ssyncset.done @!p0 $0x0  }
0x1e1: {  	[sflag:s0] =	ssyncadd.s32 @!p0 $0xFFFFE700  }
0x1e2: {  	_ =	swait.ge @!p0 [sflag:s0], $0x1900  }
0x1e3: {  	[sflag:s0] =	ssyncset.done @!p0 $0x0  }
0x1e4: {  	[sflag:s0] =	ssyncadd.s32 @!p0 $0xFFFFE700  }
0x1e5: {  	_ =	swait.ge @!p0 [sflag:s0], $0x1900  }
0x1e6: {  	[sflag:s0] =	ssyncset.done @!p0 $0x0  }
0x1e7: {  	[sflag:s0] =	ssyncadd.s32 @!p0 $0xFFFFE700  }
0x1e8: {  	_ =	swait.ge [sflag:s7], $0x400  }
0x1e9: {  	p0 =	seq.s32 s30, $0x18800;
	[sflag:s7] =	ssyncset.done $0x0  }
0x1ea: {  	s0 =	simm.s32 @!p0 $0x0;
	[sflag:s7] =	ssyncadd.s32 $0xFFFFFC00  }
0x1eb: {  	[tilespmem:s0], [sflag:$0x1] =	stream.linear.gather @!p0 [hbm4b:s31+s0], $0x400, $0x38;
	[tilespmem:$0x19800] =	vst v63  }
0x1ec: {  	_ = 	snop  }
0x1ed: {  	[tilespmem:s19], [sflag:$0x2] =	stream.indirect.gather [hbm4b:s1+s9], $0x80, s8, s9, $0xb8;
	[tilespmem:$0x19800] =	vst v63  }
0x1ee: {  	s4 =	rddreg [dreg:$0x16]  }
0x1ef: {  	[tilespmem:s20], [sflag:$0x2] =	stream.indirect.gather [hbm4b:s1+s9], $0x80, s4, s9, $0xb8;
	[tilespmem:$0x19800] =	vst v63  }
0x1f0: {  	s5 =	rddreg [dreg:$0x17]  }
0x1f1: {  	[tilespmem:s21], [sflag:$0x2] =	stream.indirect.gather [hbm4b:s1+s9], $0x80, s5, s9, $0xb8;
	[tilespmem:$0x19800] =	vst v63  }
0x1f2: {  	s6 =	rddreg [dreg:$0x18]  }
0x1f3: {  	[tilespmem:s22], [sflag:$0x2] =	stream.indirect.gather [hbm4b:s1+s9], $0x80, s6, s9, $0xb8;
	[tilespmem:$0x19800] =	vst v63  }
0x1f4: {  	s28 =	rddreg [dreg:$0x19]  }
0x1f5: {  	[tilespmem:s23], [sflag:$0x2] =	stream.indirect.gather [hbm4b:s1+s9], $0x80, s28, s9, $0xb8;
	[tilespmem:$0x19800] =	vst v63  }
0x1f6: {  	s29 =	rddreg [dreg:$0x1a]  }
0x1f7: {  	[tilespmem:s24], [sflag:$0x2] =	stream.indirect.gather [hbm4b:s1+s9], $0x80, s29, s9, $0xb8;
	[tilespmem:$0x19800] =	vst v63  }
0x1f8: {  	s31 =	rddreg [dreg:$0x1b]  }
0x1f9: {  	[tilespmem:s25], [sflag:$0x2] =	stream.indirect.gather [hbm4b:s1+s9], $0x80, s31, s9, $0xb8;
	[tilespmem:$0x19800] =	vst v63  }
0x1fa: {  	s5 =	rddreg [dreg:$0x1c]  }
0x1fb: {  	[tilespmem:s26], [sflag:$0x2] =	stream.indirect.gather [hbm4b:s1+s9], $0x80, s5, s9, $0xb8;
	[tilespmem:$0x19800] =	vst v63  }
0x1fc: {  	_ =	swait.ge [sflag:s18], $0x1900  }
0x1fd: {  	[sflag:s18] =	ssyncset.done $0x0  }
0x1fe: {  	[sflag:s18] =	ssyncadd.s32 $0xFFFFE700  }
0x1ff: {  	_ =	swait.ge [sflag:s18], $0x1900  }
0x200: {  	[sflag:s18] =	ssyncset.done $0x0  }
0x201: {  	[sflag:s18] =	ssyncadd.s32 $0xFFFFE700  }
0x202: {  	_ =	swait.ge [sflag:s18], $0x1900  }
0x203: {  	[sflag:s18] =	ssyncset.done $0x0  }
0x204: {  	[sflag:s18] =	ssyncadd.s32 $0xFFFFE700  }
0x205: {  	_ =	swait.ge [sflag:s18], $0x1900  }
0x206: {  	[sflag:s18] =	ssyncset.done $0x0  }
0x207: {  	[sflag:s18] =	ssyncadd.s32 $0xFFFFE700  }
0x208: {  	_ =	swait.ge [sflag:s18], $0x1900  }
0x209: {  	[sflag:s18] =	ssyncset.done $0x0  }
0x20a: {  	[sflag:s18] =	ssyncadd.s32 $0xFFFFE700  }
0x20b: {  	_ =	swait.ge [sflag:s18], $0x1900  }
0x20c: {  	[sflag:s18] =	ssyncset.done $0x0  }
0x20d: {  	[sflag:s18] =	ssyncadd.s32 $0xFFFFE700  }
0x20e: {  	_ =	swait.ge [sflag:s18], $0x1900  }
0x20f: {  	[sflag:s18] =	ssyncset.done $0x0  }
0x210: {  	[sflag:s18] =	ssyncadd.s32 $0xFFFFE700  }
0x211: {  	_ =	swait.ge [sflag:s18], $0x1900  }
0x212: {  	[sflag:s18] =	ssyncset.done $0x0  }
0x213: {  	s6 =	sadd.s32 $0x1C00, s2;
	[sflag:s18] =	ssyncadd.s32 $0xFFFFE700  }
0x214: {  	[hbm4b:s6+s3] =	stream.linear.scatter [tilespmem:s19], [sflag:$0x3], $0x1900, $0x38;
	[tilespmem:$0x19800] =	vst v63  }
0x215: {  	s2 =	sadd.s32 $0x1F80, s2;
	s28 =	rddreg [dreg:$0x8]  }
0x216: {  	[hbm4b:s2+s3] =	stream.linear.scatter [tilespmem:s20], [sflag:$0x3], $0x1900, $0x38;
	[tilespmem:$0x19800] =	vst v63  }
0x217: {  	s29 =	rddreg [dreg:$0x7];
	s0 =	sadd.s32 s30, s28  }
0x218: {  	[hbm4b:s0+s3] =	stream.linear.scatter [tilespmem:s21], [sflag:$0x3], $0x1900, $0x38;
	[tilespmem:$0x19800] =	vst v63  }
0x219: {  	s31 =	rddreg [dreg:$0x6];
	s2 =	sadd.s32 s30, s29  }
0x21a: {  	[hbm4b:s2+s3] =	stream.linear.scatter [tilespmem:s22], [sflag:$0x3], $0x1900, $0x38;
	[tilespmem:$0x19800] =	vst v63  }
0x21b: {  	s4 =	rddreg [dreg:$0x5];
	s0 =	sadd.s32 s30, s31  }
0x21c: {  	[hbm4b:s0+s3] =	stream.linear.scatter [tilespmem:s23], [sflag:$0x3], $0x1900, $0x38;
	[tilespmem:$0x19800] =	vst v63  }
0x21d: {  	s5 =	rddreg [dreg:$0x4];
	s2 =	sadd.s32 s30, s4  }
0x21e: {  	[hbm4b:s2+s3] =	stream.linear.scatter [tilespmem:s24], [sflag:$0x3], $0x1900, $0x38;
	[tilespmem:$0x19800] =	vst v63  }
0x21f: {  	s6 =	rddreg [dreg:$0x3];
	s0 =	sadd.s32 s30, s5  }
0x220: {  	[hbm4b:s0+s3] =	stream.linear.scatter [tilespmem:s25], [sflag:$0x3], $0x1900, $0x38;
	[tilespmem:$0x19800] =	vst v63  }
0x221: {  	s28 =	sadd.s32 s30, s6;
	s29 =	simm.s32 $0x3  }
0x222: {  	[hbm4b:s28+s3] =	stream.linear.scatter [tilespmem:s26], [sflag:$0x3], $0x1900, $0x38;
	[tilespmem:$0x19800] =	vst v63  }
0x223: {  	_ =	swait.ge [sflag:s29], $0x1900  }
0x224: {  	[sflag:s29] =	ssyncset.done $0x0  }
0x225: {  	[sflag:s29] =	ssyncadd.s32 $0xFFFFE700  }
0x226: {  	_ =	swait.ge [sflag:s29], $0x1900  }
0x227: {  	[sflag:s29] =	ssyncset.done $0x0  }
0x228: {  	[sflag:s29] =	ssyncadd.s32 $0xFFFFE700  }
0x229: {  	_ =	swait.ge [sflag:s29], $0x1900  }
0x22a: {  	[sflag:s29] =	ssyncset.done $0x0  }
0x22b: {  	[sflag:s29] =	ssyncadd.s32 $0xFFFFE700  }
0x22c: {  	_ =	swait.ge [sflag:s29], $0x1900  }
0x22d: {  	[sflag:s29] =	ssyncset.done $0x0  }
0x22e: {  	[sflag:s29] =	ssyncadd.s32 $0xFFFFE700  }
0x22f: {  	_ =	swait.ge [sflag:s29], $0x1900  }
0x230: {  	[sflag:s29] =	ssyncset.done $0x0  }
0x231: {  	[sflag:s29] =	ssyncadd.s32 $0xFFFFE700  }
0x232: {  	_ =	swait.ge [sflag:s29], $0x1900  }
0x233: {  	[sflag:s29] =	ssyncset.done $0x0  }
0x234: {  	[sflag:s29] =	ssyncadd.s32 $0xFFFFE700  }
0x235: {  	_ =	swait.ge [sflag:s29], $0x1900  }
0x236: {  	[sflag:s29] =	ssyncset.done $0x0  }
0x237: {  	[sflag:s29] =	ssyncadd.s32 $0xFFFFE700  }
0x238: {  	_ =	swait.ge [sflag:s29], $0x1900  }
0x239: {  	[sflag:s29] =	ssyncset.done $0x0  }
0x23a: {  	[sflag:s29] =	ssyncadd.s32 $0xFFFFE700  }
0x23b: {  	_ =	swait.ge [sflag:s29], $0x1900  }
0x23c: {  	[sflag:s29] =	ssyncset.done $0x0  }
0x23d: {  	[sflag:s29] =	ssyncadd.s32 $0xFFFFE700  }
0x23e: {  	_ =	swait.ge [sflag:s29], $0x1900  }
0x23f: {  	[sflag:s29] =	ssyncset.done $0x0  }
0x240: {  	[sflag:s29] =	ssyncadd.s32 $0xFFFFE700  }
0x241: {  	_ =	swait.ge [sflag:s29], $0x1900  }
0x242: {  	[sflag:s29] =	ssyncset.done $0x0  }
0x243: {  	[sflag:s29] =	ssyncadd.s32 $0xFFFFE700  }
0x244: {  	_ =	swait.ge [sflag:s29], $0x1900  }
0x245: {  	[sflag:s29] =	ssyncset.done $0x0  }
0x246: {  	[sflag:s29] =	ssyncadd.s32 $0xFFFFE700  }
0x247: {  	_ =	swait.ge [sflag:s29], $0x1900  }
0x248: {  	[sflag:s29] =	ssyncset.done $0x0  }
0x249: {  	[sflag:s29] =	ssyncadd.s32 $0xFFFFE700  }
0x24a: {  	_ =	swait.ge [sflag:s29], $0x1900  }
0x24b: {  	[sflag:s29] =	ssyncset.done $0x0  }
0x24c: {  	[sflag:s29] =	ssyncadd.s32 $0xFFFFE700  }
0x24d: {  	_ =	swait.ge [sflag:s29], $0x1900  }
0x24e: {  	[sflag:s29] =	ssyncset.done $0x0  }
0x24f: {  	[sflag:s29] =	ssyncadd.s32 $0xFFFFE700  }
0x250: {  	_ =	swait.ge [sflag:s29], $0x1900  }
0x251: {  	s30 =	sld [smem:$0x7FD];
	_ =	sdelay $0x2  }
0x252: {  	s31 =	rddreg [dreg:$0x1e];
	s4 =	sadd.s32 $0x1, s30  }
0x253: {  	p0 =	sne.s32 s4, s31  }
.Ltmp1:
0x254: {  	_ = 	snop;
	(pc) =	sbr.rel @p0 .LBB2_1-.Ltmp1, $3  }
0x255: {  	_ =	sdelay $0x1  }
0x256: {  	[sflag:s29] =	ssyncset.done $0x0  }
0x257: {  	[sflag:s29] =	ssyncadd.s32 $0xFFFFE700  }
0x258: {  	_ =	sfence.sel $0x180000  }
0x259: {  	[bflag:$0x0] =	sbarrier.arrive $0xFFFF  }
0x25a: {  	_ =	strace $0x90000047  }
0x25b: {  	s0 =	stileid.u32;
	[bflag:$0x2] =	sbarrier.arrive $0xFFFF  }
0x25c: {  	p0 =	sne.s32 s0, $0x0;
	s0 =	rddreg [dreg:$0x2]  }
0x25d: {  	s0 =	sadd.s32 @!p0 $0x100000, s0  }
0x25e: {  	[sflag:s0] =	ssyncadd.tile.s32 @!p0 $0x1;
	_ =	shalt  }
.Lfunc_end2:
_tile_overlayer_lowered:
.L_overlay_start_2:
0x25f: {  	(tag) =	ssettag $0x2  }
0x260: {  	s0 =	rddreg [dreg:$0x0];
	s2 =	stileid.u32  }
0x261: {  	s1 =	rddreg [dreg:$0x1];
	p0 =	sne.s32 s2, $0x0  }
0x262: {  	s3 =	rddreg [dreg:$0x2];
	[bflag:$0x3] =	sbarrier.arrive $0xFFFF;
	s2 =	simm.s32 @!p0 $0x1C04  }
0x263: {  	[timem:s3], [sflag:s2] =	dma.local @!p0 [hbm:s0], s1  }
0x264: {  	s0 =	simm.s32 @!p0 $0x4  }
0x265: {  	_ =	swait.ge @!p0 [sflag:s0], s1  }
0x266: {  	s1 =	ssub.s32 @!p0 $0x0, s1;
	[sflag:s0] =	ssyncset.done @!p0 $0x0  }
0x267: {  	[sflag:s0] =	ssyncadd.s32 @!p0 s1  }
0x268: {  	[bflag:$0x3] =	sbarrier.arrive $0xFFFF  }
0x269: {  	_ =	shalt  }

</sc_bundles>
